<compile_context>
chip_gen: v7x
topology: tpu7x:2x2x1
jax: 0.10.2.dev20260603
libtpu: 0.0.44.dev20260713+nightly
codegen_flags: <defaults>
</compile_context>

<pallas_src>
import functools

import jax
import jax.numpy as jnp
from jax import lax
from jax.experimental import pallas as pl
from jax.experimental.pallas import tpu as pltpu
from jax.experimental.pallas import tpu_sc as plsc

N, E, D = 10000, 320000, 128
M = 2 * D

NC, NS = 2, 16
NW = NC * NS

NSL = 2
ESL = E // NSL


def _nf_body(n_ref, w_ref, o_ref):
    nf = jnp.dot(n_ref[...], w_ref[...], preferred_element_type=jnp.float32)
    lo = jax.lax.bitcast_convert_type(nf[:, :D].astype(jnp.bfloat16),
                                      jnp.uint16).astype(jnp.uint32)
    hi = jax.lax.bitcast_convert_type(nf[:, D:].astype(jnp.bfloat16),
                                      jnp.uint16).astype(jnp.uint32)
    o_ref[...] = jax.lax.bitcast_convert_type(lo | (hi << 16), jnp.int32)


def _tc_nf(nodes, W_nodeT):
    return pl.pallas_call(
        _nf_body,
        out_shape=jax.ShapeDtypeStruct((N, D), jnp.int32),
    )(nodes, W_nodeT)



CG = 40
EPW = ESL // NW
NCHG = EPW // CG


def _sc_gather(nf, src, dst):
    mesh = plsc.VectorSubcoreMesh(core_axis_name="c", subcore_axis_name="s")

    @functools.partial(
        pl.kernel,
        mesh=mesh,
        out_type=(jax.ShapeDtypeStruct((ESL, D), jnp.int32),
                  jax.ShapeDtypeStruct((ESL, D), jnp.int32)),
        scratch_types=(
            [pltpu.VMEM((NCHG, CG), jnp.int32)] * 2
            + [pltpu.VMEM((CG, D), jnp.int32)] * 4
            + [pltpu.SemaphoreType.DMA] * 4
        ),
    )
    def k(nf_hbm, src_hbm, dst_hbm, e1_hbm, e2_hbm,
          si_all, di_all, r1a, r2a, r1b, r2b, g0, g1, w0, w1):
        slots = ((r1a, r2a, g0, w0), (r1b, r2b, g1, w1))

        wid = lax.axis_index("s") * NC + lax.axis_index("c")
        base0 = wid * EPW
        pltpu.sync_copy(src_hbm.at[wid], si_all)
        pltpu.sync_copy(dst_hbm.at[wid], di_all)

        def g_start(c, s):
            r1, r2, g, _ = slots[s]
            pltpu.async_copy(nf_hbm.at[si_all.at[c]], r1, g)
            pltpu.async_copy(nf_hbm.at[di_all.at[c]], r2, g)

        def g_wait(s):
            r1, r2, g, _ = slots[s]
            pltpu.make_async_copy(nf_hbm.at[si_all.at[0]], r1, g).wait()
            pltpu.make_async_copy(nf_hbm.at[di_all.at[0]], r2, g).wait()

        def w_start(c, s):
            r1, r2, _, w = slots[s]
            pltpu.async_copy(r1, e1_hbm.at[pl.ds(base0 + c * CG, CG)], w)
            pltpu.async_copy(r2, e2_hbm.at[pl.ds(base0 + c * CG, CG)], w)

        def w_wait(s):
            r1, r2, _, w = slots[s]
            pltpu.make_async_copy(r1, e1_hbm.at[pl.ds(0, CG)], w).wait()
            pltpu.make_async_copy(r2, e2_hbm.at[pl.ds(0, CG)], w).wait()

        def run_chunk(c, s, static):
            g_wait(s)
            w_start(c, s)
            if static:
                if c + 2 < NCHG:
                    w_wait(s)
                    g_start(c + 2, s)
            else:
                @pl.when(c + 2 < NCHG)
                def _():
                    w_wait(s)
                    g_start(c + 2, s)

        g_start(0, 0)
        g_start(1, 1)

        def body(j, carry):
            for s in (0, 1):
                run_chunk(2 * j + s, s, False)
            return carry

        lax.fori_loop(0, NCHG // 2, body, 0)
        if NCHG % 2:
            run_chunk(NCHG - 1, (NCHG - 1) % 2, True)
        w_wait(0)
        w_wait(1)

    return k(nf, src, dst)



BE = 2000


def _unpack2(p):
    u = jax.lax.bitcast_convert_type(p, jnp.uint32)
    lo = jax.lax.bitcast_convert_type(u << 16, jnp.float32)
    hi = jax.lax.bitcast_convert_type(u & jnp.uint32(0xFFFF0000), jnp.float32)
    return lo, hi


def _msg_body(ef_ref, e1_ref, e2_ref, wf_ref, w2_ref, b2_ref, out_ref):
    ef = jnp.dot(ef_ref[...], wf_ref[...], preferred_element_type=jnp.float32)
    e1l, e1h = _unpack2(e1_ref[...])
    e2l, e2h = _unpack2(e2_ref[...])
    zl = jnp.tanh(ef[:, :D] + e1l + e2l)
    zh = jnp.tanh(ef[:, D:] + e1h + e2h)
    w2 = w2_ref[...]
    msg = (jnp.dot(zl, w2[:D], preferred_element_type=jnp.float32)
           + jnp.dot(zh, w2[D:], preferred_element_type=jnp.float32)
           + b2_ref[...])
    out_ref[0] = msg[:, :D]
    out_ref[1] = msg[:, D:]


def _tc_messages(edge_features, e1, e2, W_featT, W2T, b2r):
    return pl.pallas_call(
        _msg_body,
        grid=(ESL // BE,),
        in_specs=[
            pl.BlockSpec((BE, D), lambda i: (i, 0)),
            pl.BlockSpec((BE, D), lambda i: (i, 0)),
            pl.BlockSpec((BE, D), lambda i: (i, 0)),
            pl.BlockSpec((D, M), lambda i: (0, 0)),
            pl.BlockSpec((M, M), lambda i: (0, 0)),
            pl.BlockSpec((1, M), lambda i: (0, 0)),
        ],
        out_specs=pl.BlockSpec((2, BE, D), lambda i: (0, i, 0)),
        out_shape=jax.ShapeDtypeStruct((2, ESL, D), jnp.float32),
    )(edge_features, e1, e2, W_featT, W2T, b2r)



CS = 80
EPS = ESL // NS
NCHS = EPS // CS
RDS = 2
NROW = 624
NTAIL = N - NROW * NS


def _sc_scatter(msg2, src, dst, zeros):
    mesh = plsc.VectorSubcoreMesh(core_axis_name="c", subcore_axis_name="s")

    @functools.partial(
        pl.kernel,
        mesh=mesh,
        out_type=jax.ShapeDtypeStruct((2, N, D), jnp.float32),
        scratch_types=(
            [pltpu.VMEM((CS,), jnp.int32)] * (2 * RDS)
            + [pltpu.VMEM((CS, D), jnp.float32)] * RDS
            + [pltpu.VMEM_SHARED((N, D), jnp.float32)]
            + [pltpu.SemaphoreType.DMA] * (2 * RDS)
        ),
    )
    def k(msg_hbm, src_hbm, dst_hbm, z_hbm, out_hbm, *rest):
        idxs = rest[:2 * RDS]
        msgs = rest[2 * RDS:3 * RDS]
        acc_s = rest[3 * RDS]
        sems = rest[3 * RDS + 1:]
        slots = [(idxs[2 * s], idxs[2 * s + 1], msgs[s],
                  sems[2 * s], sems[2 * s + 1]) for s in range(RDS)]

        cid = lax.axis_index("c")
        sid = lax.axis_index("s")

        pltpu.sync_copy(z_hbm.at[pl.ds(sid * NROW, NROW)],
                        acc_s.at[pl.ds(sid * NROW, NROW)])

        @pl.when(sid == 0)
        def _():
            pltpu.sync_copy(z_hbm.at[pl.ds(NROW * NS, NTAIL)],
                            acc_s.at[pl.ds(NROW * NS, NTAIL)])

        plsc.subcore_barrier()

        def l_start(c, s):
            si, di, m, l, _ = slots[s]
            base = sid * EPS + c * CS
            pltpu.async_copy(src_hbm.at[pl.ds(base, CS)], si, l)
            pltpu.async_copy(dst_hbm.at[pl.ds(base, CS)], di, l)
            pltpu.async_copy(msg_hbm.at[cid, pl.ds(base, CS)], m, l)

        def l_wait(s):
            si, di, m, l, _ = slots[s]
            pltpu.make_async_copy(src_hbm.at[pl.ds(0, CS)], si, l).wait()
            pltpu.make_async_copy(dst_hbm.at[pl.ds(0, CS)], di, l).wait()
            pltpu.make_async_copy(msg_hbm.at[cid, pl.ds(0, CS)], m, l).wait()

        def a_start(s):
            si, di, m, _, a = slots[s]
            pltpu.async_copy(m, acc_s.at[di], a, add=True)
            pltpu.async_copy(m, acc_s.at[si], a, add=True)

        def a_wait(s):
            si, di, m, _, a = slots[s]
            pltpu.make_async_copy(m, acc_s.at[di], a).wait()
            pltpu.make_async_copy(m, acc_s.at[si], a).wait()

        def run_chunk(c, s, static):
            l_wait(s)
            a_start(s)
            if static:
                if c + RDS < NCHS:
                    a_wait(s)
                    l_start(c + RDS, s)
            else:
                @pl.when(c + RDS < NCHS)
                def _():
                    a_wait(s)
                    l_start(c + RDS, s)

        for s in range(min(RDS, NCHS)):
            l_start(s, s)

        def body(j, carry):
            for s in range(RDS):
                run_chunk(j * RDS + s, s, False)
            return carry

        lax.fori_loop(0, NCHS // RDS, body, 0)
        for c in range((NCHS // RDS) * RDS, NCHS):
            run_chunk(c, c % RDS, True)
        for s in range(min(RDS, NCHS)):
            a_wait(s)
        plsc.subcore_barrier()
        pltpu.sync_copy(acc_s.at[pl.ds(sid * NROW, NROW)],
                        out_hbm.at[cid, pl.ds(sid * NROW, NROW)])

        @pl.when(sid == 0)
        def _():
            pltpu.sync_copy(acc_s.at[pl.ds(NROW * NS, NTAIL)],
                            out_hbm.at[cid, pl.ds(NROW * NS, NTAIL)])

    return k(msg2, src, dst, zeros)



BN = 1000


def _gru_body(inpa_ref, inpb_ref, nodes_ref, wih_ref, whh_ref, bih_ref,
              bhh_ref, om_ref, run_ref, out_ref):
    nodes = nodes_ref[...]
    inp_lo = inpa_ref[0] + inpb_ref[0]
    inp_hi = inpa_ref[1] + inpb_ref[1]
    gi = (jnp.dot(inp_lo, wih_ref[...][:D],
                  preferred_element_type=jnp.float32)
          + jnp.dot(inp_hi, wih_ref[...][D:],
                    preferred_element_type=jnp.float32)
          + bih_ref[...])
    gh = jnp.dot(nodes, whh_ref[...], preferred_element_type=jnp.float32) \
        + bhh_ref[...]
    r = jax.nn.sigmoid(gi[:, :D] + gh[:, :D])
    z = jax.nn.sigmoid(gi[:, D:2 * D] + gh[:, D:2 * D])
    n = jnp.tanh(gi[:, 2 * D:] + r * gh[:, 2 * D:])
    new_nodes = (1.0 - z) * n + z * nodes
    mask = jnp.sum(om_ref[...] * run_ref[...], axis=1) > 0
    out_ref[...] = jnp.where(mask[:, None], new_nodes, nodes)


def _tc_gru(inpa, inpb, nodes, W_ihT, W_hhT, bihr, bhhr, om, run):
    B = om.shape[1]
    return pl.pallas_call(
        _gru_body,
        grid=(N // BN,),
        in_specs=[
            pl.BlockSpec((2, BN, D), lambda i: (0, i, 0)),
            pl.BlockSpec((2, BN, D), lambda i: (0, i, 0)),
            pl.BlockSpec((BN, D), lambda i: (i, 0)),
            pl.BlockSpec((M, 3 * D), lambda i: (0, 0)),
            pl.BlockSpec((D, 3 * D), lambda i: (0, 0)),
            pl.BlockSpec((1, 3 * D), lambda i: (0, 0)),
            pl.BlockSpec((1, 3 * D), lambda i: (0, 0)),
            pl.BlockSpec((BN, B), lambda i: (i, 0)),
            pl.BlockSpec((1, B), lambda i: (0, 0)),
        ],
        out_specs=pl.BlockSpec((BN, D), lambda i: (i, 0)),
        out_shape=jax.ShapeDtypeStruct((N, D), jnp.float32),
    )(inpa, inpb, nodes, W_ihT, W_hhT, bihr, bhhr, om, run)



def kernel(nodes, edge_features, W_node, W_feat, W2, b2, W_ih, W_hh,
           b_ih, b_hh, edge_source, edge_dest, owner_masks, running):
    W_nodeT = W_node.T
    W_featT = W_feat.T
    W2T = W2.T
    W_ihT = W_ih.T
    W_hhT = W_hh.T
    b2r = b2.reshape(1, M)
    bihr = b_ih.reshape(1, 3 * D)
    bhhr = b_hh.reshape(1, 3 * D)
    om = owner_masks.astype(jnp.int32).T
    run = running.astype(jnp.int32).reshape(1, -1)
    src = edge_source.astype(jnp.int32)
    dst = edge_dest.astype(jnp.int32)
    zeros = jnp.zeros((N, D), jnp.float32)

    nf = _tc_nf(nodes, W_nodeT)

    inps = []
    for sl in range(NSL):
        lo = sl * ESL
        src_s = lax.slice(src, (lo,), (lo + ESL,))
        dst_s = lax.slice(dst, (lo,), (lo + ESL,))
        ef_s = lax.slice(edge_features, (lo, 0), (lo + ESL, D))
        e1, e2 = _sc_gather(nf, src_s.reshape(NW, NCHG, CG),
                            dst_s.reshape(NW, NCHG, CG))
        msg2 = _tc_messages(ef_s, e1, e2, W_featT, W2T, b2r)
        inps.append(_sc_scatter(msg2, src_s, dst_s, zeros))

    return _tc_gru(inps[0], inps[1], nodes, W_ihT, W_hhT, bihr, bhhr,
                   om, run)

# --- scband reference (transcript-rebuilt; emitter-appended) ---
"""Pipeline reference for scband-propagator-76501957477037 (READ-ONLY COPY).

The authoritative reference and input builder live on the scoring server;
editing this copy changes nothing except your own understanding.
"""

import jax, jax.numpy as jnp
import numpy as np
import math

N, E, D, B = 10000, 320000, 128, 4
M = 2 * D

def _xavier(key, shape, scale, n_in, n_out):
    lim = scale * math.sqrt(6.0 / (n_in + n_out))
    return jax.random.uniform(key, shape, jnp.float32, -lim, lim)

def setup_inputs(seed: int = 0) -> dict:
    key = jax.random.key(seed)
    ks = jax.random.split(key, 12)
    nodes = jax.random.normal(ks[0], (N, D), jnp.float32)
    edge_source = jax.random.randint(ks[1], (E,), 0, N, jnp.int64) if jax.config.jax_enable_x64 else jax.random.randint(ks[1], (E,), 0, N).astype(jnp.int32)
    edge_dest = jax.random.randint(ks[2], (E,), 0, N).astype(jnp.int32)
    edge_source = jax.random.randint(ks[1], (E,), 0, N).astype(jnp.int32)
    edge_features = jax.random.normal(ks[3], (E, D), jnp.float32)
    owner_masks = jnp.ones((B, N), jnp.bool_)
    running = jnp.ones((B,), jnp.bool_)
    gain = 5.0 / 3.0  # tanh gain
    # message_node / message_features: Linear(D -> M, bias=False), xavier with fan (3D, M)
    W_node = _xavier(ks[4], (M, D), gain, 3 * D, M)
    W_feat = _xavier(ks[5], (M, D), gain, 3 * D, M)
    # message_layer_2: Linear(M -> M) with bias, xavier scale 1
    W2 = _xavier(ks[6], (M, M), 1.0, M, M)
    b2 = jax.random.normal(ks[7], (M,), jnp.float32)
    # GRUCell(M -> D): weight_ih [3D, M], weight_hh [3D, D]
    k_gru = 1.0 / math.sqrt(D)
    W_ih = jax.random.uniform(ks[8], (3 * D, M), jnp.float32, -k_gru, k_gru)
    W_hh = jax.random.uniform(ks[9], (3 * D, D), jnp.float32, -k_gru, k_gru)
    b_ih = jnp.zeros((3 * D,), jnp.float32)
    b_hh = jnp.concatenate([jnp.ones((D,), jnp.float32), jnp.zeros((2 * D,), jnp.float32)])
    return {"nodes": nodes, "edge_features": edge_features, "W_node": W_node, "W_feat": W_feat,
            "W2": W2, "b2": b2, "W_ih": W_ih, "W_hh": W_hh, "b_ih": b_ih, "b_hh": b_hh,
            "edge_source": edge_source, "edge_dest": edge_dest, "owner_masks": owner_masks, "running": running}

def reference(nodes, edge_features, W_node, W_feat, W2, b2, W_ih, W_hh, b_ih, b_hh,
              edge_source, edge_dest, owner_masks, running):
    ef = edge_features @ W_feat.T                      # [E, M]
    nf = nodes @ W_node.T                              # [N, M]
    e1 = jnp.take(nf, edge_source, axis=0)             # gather by source
    e2 = jnp.take(nf, edge_dest, axis=0)               # gather by dest
    messages = e1 + e2 + ef
    messages = jnp.tanh(messages) @ W2.T + b2          # message_layer_2 (dropout p=0 -> identity)
    inputs = jnp.zeros((nodes.shape[0], M), nodes.dtype)
    inputs = inputs.at[edge_dest].add(messages).at[edge_source].add(messages)
    # GRUCell
    gi = inputs @ W_ih.T + b_ih
    gh = nodes @ W_hh.T + b_hh
    i_r, i_z, i_n = gi[:, :D], gi[:, D:2 * D], gi[:, 2 * D:]
    h_r, h_z, h_n = gh[:, :D], gh[:, D:2 * D], gh[:, 2 * D:]
    r = jax.nn.sigmoid(i_r + h_r)
    z = jax.nn.sigmoid(i_z + h_z)
    n = jnp.tanh(i_n + r * h_n)
    new_nodes = (1.0 - z) * n + z * nodes
    mask = jnp.sum((owner_masks & running[:, None]).astype(jnp.int32), axis=0) > 0
    return jnp.where(mask[:, None], new_nodes, nodes)

if __name__ == "__main__":
    import jax
    _d = setup_inputs()
    print(jax.jit(kernel)(*tuple(_d.values())))

</pallas_src>

<mosaic_0001>
#map = affine_map<(d0, d1) -> (0, 0, 0)>
#map1 = affine_map<(d0, d1) -> (0)>
#map2 = affine_map<(d0, d1) -> (0, 0)>
module attributes {stable_mosaic.version = 14 : i64} {
  func.func @k(%arg0: i32, %arg1: i32, %arg2: memref<2x160000x128xf32, #tpu.memory_space<hbm>>, %arg3: memref<160000xi32, #tpu.memory_space<hbm>>, %arg4: memref<160000xi32, #tpu.memory_space<hbm>>, %arg5: memref<10000x128xf32, #tpu.memory_space<hbm>>, %arg6: memref<2x10000x128xf32, #tpu.memory_space<hbm>>, %arg7: memref<80xi32, #tpu.memory_space<vmem>>, %arg8: memref<80xi32, #tpu.memory_space<vmem>>, %arg9: memref<80xi32, #tpu.memory_space<vmem>>, %arg10: memref<80xi32, #tpu.memory_space<vmem>>, %arg11: memref<80x128xf32, #tpu.memory_space<vmem>>, %arg12: memref<80x128xf32, #tpu.memory_space<vmem>>, %arg13: memref<10000x128xf32, #tpu.memory_space<vmem_shared>>, %arg14: memref<!tpu.dma_semaphore, #tpu.memory_space<semaphore_mem>>, %arg15: memref<!tpu.dma_semaphore, #tpu.memory_space<semaphore_mem>>, %arg16: memref<!tpu.dma_semaphore, #tpu.memory_space<semaphore_mem>>, %arg17: memref<!tpu.dma_semaphore, #tpu.memory_space<semaphore_mem>>) attributes {dimension_semantics = [#tpu.dimension_semantics<core_parallel>, #tpu.dimension_semantics<subcore_parallel>], iteration_bounds = array<i64: 2, 16>, scalar_prefetch = 0 : i64, scratch_operands = 11 : i64, tpu.core_type = #tpu.core_type<sc_vector_subcore>, window_params = [{transform_indices = #map}, {transform_indices = #map1}, {transform_indices = #map1}, {transform_indices = #map2}, {transform_indices = #map}]} {
    %mul3A = arith.constant 624 : i32
    %mul3A_0 = arith.muli %arg1, %mul3A : i32
    %mul3A_1 = arith.constant 624 : i32
    %mul3A_2 = arith.muli %arg1, %mul3A_1 : i32
    "tpu.region"() ({
      %run_scoped3A = tpu.sem_alloc : memref<!tpu.dma_semaphore, #tpu.memory_space<semaphore_mem>>
      %dma_start3A_79 = arith.constant 0 : i32
      %dma_start3A_80 = tpu.memref_slice %arg13[%mul3A_2, %dma_start3A_79] : memref<10000x128xf32, #tpu.memory_space<vmem_shared>> -> memref<624x128xf32, #tpu.memory_space<vmem_shared>>
      %dma_start3A_81 = arith.constant 0 : i32
      %dma_start3A_82 = tpu.memref_slice %arg5[%mul3A_0, %dma_start3A_81] : memref<10000x128xf32, #tpu.memory_space<hbm>> -> memref<624x128xf32, #tpu.memory_space<hbm>>
      tpu.enqueue_dma source(%dma_start3A_82 : memref<624x128xf32, #tpu.memory_space<hbm>>) target(%dma_start3A_80 : memref<624x128xf32, #tpu.memory_space<vmem_shared>>) target_semaphore(%run_scoped3A : memref<!tpu.dma_semaphore, #tpu.memory_space<semaphore_mem>>)
      %dma_wait3A_83 = arith.constant 0 : i32
      %dma_wait3A_84 = tpu.memref_slice %arg13[%mul3A_2, %dma_wait3A_83] : memref<10000x128xf32, #tpu.memory_space<vmem_shared>> -> memref<624x128xf32, #tpu.memory_space<vmem_shared>>
      %dma_wait3A_85 = arith.constant 0 : i32
      %dma_wait3A_86 = tpu.memref_slice %arg5[%mul3A_0, %dma_wait3A_85] : memref<10000x128xf32, #tpu.memory_space<hbm>> -> memref<624x128xf32, #tpu.memory_space<hbm>>
      tpu.wait_dma2 semaphore(%run_scoped3A : memref<!tpu.dma_semaphore, #tpu.memory_space<semaphore_mem>>) src(%dma_wait3A_86 : memref<624x128xf32, #tpu.memory_space<hbm>>) dst(%dma_wait3A_84 : memref<624x128xf32, #tpu.memory_space<vmem_shared>>)
      tpu.yield
    }) : () -> ()
    %eq3A = arith.constant 0 : i32
    %eq3A_3 = arith.cmpi eq, %arg1, %eq3A : i32
    %convert_element_type3A = arith.extui %eq3A_3 : i1 to i32
    %cond3A = arith.constant 0 : i32
    %cond3A_4 = arith.cmpi ne, %convert_element_type3A, %cond3A : i32
    scf.if %cond3A_4 {
      "tpu.region"() ({
        %run_scoped3A = tpu.sem_alloc : memref<!tpu.dma_semaphore, #tpu.memory_space<semaphore_mem>>
        %dma_start3A_79 = arith.constant 9984 : i32
        %dma_start3A_80 = arith.constant 0 : i32
        %dma_start3A_81 = tpu.memref_slice %arg13[%dma_start3A_79, %dma_start3A_80] : memref<10000x128xf32, #tpu.memory_space<vmem_shared>> -> memref<16x128xf32, #tpu.memory_space<vmem_shared>>
        %dma_start3A_82 = arith.constant 9984 : i32
        %dma_start3A_83 = arith.constant 0 : i32
        %dma_start3A_84 = tpu.memref_slice %arg5[%dma_start3A_82, %dma_start3A_83] : memref<10000x128xf32, #tpu.memory_space<hbm>> -> memref<16x128xf32, #tpu.memory_space<hbm>>
        tpu.enqueue_dma source(%dma_start3A_84 : memref<16x128xf32, #tpu.memory_space<hbm>>) target(%dma_start3A_81 : memref<16x128xf32, #tpu.memory_space<vmem_shared>>) target_semaphore(%run_scoped3A : memref<!tpu.dma_semaphore, #tpu.memory_space<semaphore_mem>>)
        %dma_wait3A_85 = arith.constant 9984 : i32
        %dma_wait3A_86 = arith.constant 0 : i32
        %dma_wait3A_87 = tpu.memref_slice %arg13[%dma_wait3A_85, %dma_wait3A_86] : memref<10000x128xf32, #tpu.memory_space<vmem_shared>> -> memref<16x128xf32, #tpu.memory_space<vmem_shared>>
        %dma_wait3A_88 = arith.constant 9984 : i32
        %dma_wait3A_89 = arith.constant 0 : i32
        %dma_wait3A_90 = tpu.memref_slice %arg5[%dma_wait3A_88, %dma_wait3A_89] : memref<10000x128xf32, #tpu.memory_space<hbm>> -> memref<16x128xf32, #tpu.memory_space<hbm>>
        tpu.wait_dma2 semaphore(%run_scoped3A : memref<!tpu.dma_semaphore, #tpu.memory_space<semaphore_mem>>) src(%dma_wait3A_90 : memref<16x128xf32, #tpu.memory_space<hbm>>) dst(%dma_wait3A_87 : memref<16x128xf32, #tpu.memory_space<vmem_shared>>)
        tpu.yield
      }) : () -> ()
    } else {
    }
    %barrier3A = arith.constant 0 : index
    tpu.barrier barrier_id(%barrier3A)
    %mul3A_5 = arith.constant 10000 : i32
    %mul3A_6 = arith.muli %arg1, %mul3A_5 : i32
    %add3A = arith.constant 0 : i32
    %add3A_7 = arith.addi %mul3A_6, %add3A : i32
    %dma_start3A = tpu.memref_slice %arg3[%add3A_7] : memref<160000xi32, #tpu.memory_space<hbm>> -> memref<80xi32, #tpu.memory_space<hbm>>
    %dma_start3A_8 = tpu.memref_slice %arg3[%add3A_7] : memref<160000xi32, #tpu.memory_space<hbm>> -> memref<80xi32, #tpu.memory_space<hbm>>
    tpu.enqueue_dma source(%dma_start3A_8 : memref<80xi32, #tpu.memory_space<hbm>>) target(%arg7 : memref<80xi32, #tpu.memory_space<vmem>>) target_semaphore(%arg14 : memref<!tpu.dma_semaphore, #tpu.memory_space<semaphore_mem>>)
    %dma_start3A_9 = tpu.memref_slice %arg4[%add3A_7] : memref<160000xi32, #tpu.memory_space<hbm>> -> memref<80xi32, #tpu.memory_space<hbm>>
    %dma_start3A_10 = tpu.memref_slice %arg4[%add3A_7] : memref<160000xi32, #tpu.memory_space<hbm>> -> memref<80xi32, #tpu.memory_space<hbm>>
    tpu.enqueue_dma source(%dma_start3A_10 : memref<80xi32, #tpu.memory_space<hbm>>) target(%arg8 : memref<80xi32, #tpu.memory_space<vmem>>) target_semaphore(%arg14 : memref<!tpu.dma_semaphore, #tpu.memory_space<semaphore_mem>>)
    %dma_start3A_11 = arith.constant 0 : i32
    %dma_start3A_12 = tpu.memref_slice %arg2[%arg0, %add3A_7, %dma_start3A_11] : memref<2x160000x128xf32, #tpu.memory_space<hbm>> -> memref<1x80x128xf32, #tpu.memory_space<hbm>>
    %dma_start3A_13 = tpu.memref_squeeze %dma_start3A_12 : memref<1x80x128xf32, #tpu.memory_space<hbm>> -> memref<80x128xf32, #tpu.memory_space<hbm>>
    %dma_start3A_14 = arith.constant 0 : i32
    %dma_start3A_15 = tpu.memref_slice %arg2[%arg0, %add3A_7, %dma_start3A_14] : memref<2x160000x128xf32, #tpu.memory_space<hbm>> -> memref<1x80x128xf32, #tpu.memory_space<hbm>>
    %dma_start3A_16 = tpu.memref_squeeze %dma_start3A_15 : memref<1x80x128xf32, #tpu.memory_space<hbm>> -> memref<80x128xf32, #tpu.memory_space<hbm>>
    tpu.enqueue_dma source(%dma_start3A_16 : memref<80x128xf32, #tpu.memory_space<hbm>>) target(%arg11 : memref<80x128xf32, #tpu.memory_space<vmem>>) target_semaphore(%arg14 : memref<!tpu.dma_semaphore, #tpu.memory_space<semaphore_mem>>)
    %mul3A_17 = arith.constant 10000 : i32
    %mul3A_18 = arith.muli %arg1, %mul3A_17 : i32
    %add3A_19 = arith.constant 80 : i32
    %add3A_20 = arith.addi %mul3A_18, %add3A_19 : i32
    %dma_start3A_21 = tpu.memref_slice %arg3[%add3A_20] : memref<160000xi32, #tpu.memory_space<hbm>> -> memref<80xi32, #tpu.memory_space<hbm>>
    %dma_start3A_22 = tpu.memref_slice %arg3[%add3A_20] : memref<160000xi32, #tpu.memory_space<hbm>> -> memref<80xi32, #tpu.memory_space<hbm>>
    tpu.enqueue_dma source(%dma_start3A_22 : memref<80xi32, #tpu.memory_space<hbm>>) target(%arg9 : memref<80xi32, #tpu.memory_space<vmem>>) target_semaphore(%arg16 : memref<!tpu.dma_semaphore, #tpu.memory_space<semaphore_mem>>)
    %dma_start3A_23 = tpu.memref_slice %arg4[%add3A_20] : memref<160000xi32, #tpu.memory_space<hbm>> -> memref<80xi32, #tpu.memory_space<hbm>>
    %dma_start3A_24 = tpu.memref_slice %arg4[%add3A_20] : memref<160000xi32, #tpu.memory_space<hbm>> -> memref<80xi32, #tpu.memory_space<hbm>>
    tpu.enqueue_dma source(%dma_start3A_24 : memref<80xi32, #tpu.memory_space<hbm>>) target(%arg10 : memref<80xi32, #tpu.memory_space<vmem>>) target_semaphore(%arg16 : memref<!tpu.dma_semaphore, #tpu.memory_space<semaphore_mem>>)
    %dma_start3A_25 = arith.constant 0 : i32
    %dma_start3A_26 = tpu.memref_slice %arg2[%arg0, %add3A_20, %dma_start3A_25] : memref<2x160000x128xf32, #tpu.memory_space<hbm>> -> memref<1x80x128xf32, #tpu.memory_space<hbm>>
    %dma_start3A_27 = tpu.memref_squeeze %dma_start3A_26 : memref<1x80x128xf32, #tpu.memory_space<hbm>> -> memref<80x128xf32, #tpu.memory_space<hbm>>
    %dma_start3A_28 = arith.constant 0 : i32
    %dma_start3A_29 = tpu.memref_slice %arg2[%arg0, %add3A_20, %dma_start3A_28] : memref<2x160000x128xf32, #tpu.memory_space<hbm>> -> memref<1x80x128xf32, #tpu.memory_space<hbm>>
    %dma_start3A_30 = tpu.memref_squeeze %dma_start3A_29 : memref<1x80x128xf32, #tpu.memory_space<hbm>> -> memref<80x128xf32, #tpu.memory_space<hbm>>
    tpu.enqueue_dma source(%dma_start3A_30 : memref<80x128xf32, #tpu.memory_space<hbm>>) target(%arg12 : memref<80x128xf32, #tpu.memory_space<vmem>>) target_semaphore(%arg16 : memref<!tpu.dma_semaphore, #tpu.memory_space<semaphore_mem>>)
    %scan3A = arith.constant 0 : i32
    %scan3A_31 = arith.constant 0 : i32
    %scan3A_32 = arith.constant 62 : i32
    %scan3A_33 = arith.addi %scan3A_31, %scan3A_32 : i32
    %scan3A_34 = arith.constant 1 : i32
    scf.for %scan3A_79 = %scan3A_31 to %scan3A_33 step %scan3A_34  : i32 {
      %mul3A_80 = arith.constant 2 : i32
      %mul3A_81 = arith.muli %scan3A_79, %mul3A_80 : i32
      %add3A_82 = arith.constant 0 : i32
      %add3A_83 = arith.addi %mul3A_81, %add3A_82 : i32
      %dma_wait3A_84 = arith.constant 0 : i32
      %dma_wait3A_85 = tpu.memref_slice %arg3[%dma_wait3A_84] : memref<160000xi32, #tpu.memory_space<hbm>> -> memref<80xi32, #tpu.memory_space<hbm>>
      %dma_wait3A_86 = arith.constant 0 : i32
      %dma_wait3A_87 = tpu.memref_slice %arg3[%dma_wait3A_86] : memref<160000xi32, #tpu.memory_space<hbm>> -> memref<80xi32, #tpu.memory_space<hbm>>
      tpu.wait_dma2 semaphore(%arg14 : memref<!tpu.dma_semaphore, #tpu.memory_space<semaphore_mem>>) src(%dma_wait3A_87 : memref<80xi32, #tpu.memory_space<hbm>>) dst(%arg7 : memref<80xi32, #tpu.memory_space<vmem>>)
      %dma_wait3A_88 = arith.constant 0 : i32
      %dma_wait3A_89 = tpu.memref_slice %arg4[%dma_wait3A_88] : memref<160000xi32, #tpu.memory_space<hbm>> -> memref<80xi32, #tpu.memory_space<hbm>>
      %dma_wait3A_90 = arith.constant 0 : i32
      %dma_wait3A_91 = tpu.memref_slice %arg4[%dma_wait3A_90] : memref<160000xi32, #tpu.memory_space<hbm>> -> memref<80xi32, #tpu.memory_space<hbm>>
      tpu.wait_dma2 semaphore(%arg14 : memref<!tpu.dma_semaphore, #tpu.memory_space<semaphore_mem>>) src(%dma_wait3A_91 : memref<80xi32, #tpu.memory_space<hbm>>) dst(%arg8 : memref<80xi32, #tpu.memory_space<vmem>>)
      %dma_wait3A_92 = arith.constant 0 : i32
      %dma_wait3A_93 = arith.constant 0 : i32
      %dma_wait3A_94 = tpu.memref_slice %arg2[%arg0, %dma_wait3A_92, %dma_wait3A_93] : memref<2x160000x128xf32, #tpu.memory_space<hbm>> -> memref<1x80x128xf32, #tpu.memory_space<hbm>>
      %dma_wait3A_95 = tpu.memref_squeeze %dma_wait3A_94 : memref<1x80x128xf32, #tpu.memory_space<hbm>> -> memref<80x128xf32, #tpu.memory_space<hbm>>
      %dma_wait3A_96 = arith.constant 0 : i32
      %dma_wait3A_97 = arith.constant 0 : i32
      %dma_wait3A_98 = tpu.memref_slice %arg2[%arg0, %dma_wait3A_96, %dma_wait3A_97] : memref<2x160000x128xf32, #tpu.memory_space<hbm>> -> memref<1x80x128xf32, #tpu.memory_space<hbm>>
      %dma_wait3A_99 = tpu.memref_squeeze %dma_wait3A_98 : memref<1x80x128xf32, #tpu.memory_space<hbm>> -> memref<80x128xf32, #tpu.memory_space<hbm>>
      tpu.wait_dma2 semaphore(%arg14 : memref<!tpu.dma_semaphore, #tpu.memory_space<semaphore_mem>>) src(%dma_wait3A_99 : memref<80x128xf32, #tpu.memory_space<hbm>>) dst(%arg11 : memref<80x128xf32, #tpu.memory_space<vmem>>)
      %dma_start3A_100 = arith.constant 0 : i32
      %dma_start3A_101 = arith.constant 0 : i32
      %dma_start3A_102 = tpu.memref_slice %arg13[%dma_start3A_100, %dma_start3A_101] : memref<10000x128xf32, #tpu.memory_space<vmem_shared>> -> memref<10000x128xf32, #tpu.memory_space<vmem_shared>>
      tpu.enqueue_indirect_dma source(%arg11 : memref<80x128xf32, #tpu.memory_space<vmem>>) target(%dma_start3A_102 : memref<10000x128xf32, #tpu.memory_space<vmem_shared>>) offsets(%arg8 : memref<80xi32, #tpu.memory_space<vmem>>) semaphore(%arg15 : memref<!tpu.dma_semaphore, #tpu.memory_space<semaphore_mem>>) {add = true}
      %dma_start3A_103 = arith.constant 0 : i32
      %dma_start3A_104 = arith.constant 0 : i32
      %dma_start3A_105 = tpu.memref_slice %arg13[%dma_start3A_103, %dma_start3A_104] : memref<10000x128xf32, #tpu.memory_space<vmem_shared>> -> memref<10000x128xf32, #tpu.memory_space<vmem_shared>>
      tpu.enqueue_indirect_dma source(%arg11 : memref<80x128xf32, #tpu.memory_space<vmem>>) target(%dma_start3A_105 : memref<10000x128xf32, #tpu.memory_space<vmem_shared>>) offsets(%arg7 : memref<80xi32, #tpu.memory_space<vmem>>) semaphore(%arg15 : memref<!tpu.dma_semaphore, #tpu.memory_space<semaphore_mem>>) {add = true}
      %add3A_106 = arith.constant 2 : i32
      %add3A_107 = arith.addi %add3A_83, %add3A_106 : i32
      %lt3A = arith.constant 125 : i32
      %lt3A_108 = arith.cmpi slt, %add3A_107, %lt3A : i32
      %convert_element_type3A_109 = arith.extui %lt3A_108 : i1 to i32
      %cond3A_110 = arith.constant 0 : i32
      %cond3A_111 = arith.cmpi ne, %convert_element_type3A_109, %cond3A_110 : i32
      scf.if %cond3A_111 {
        %dma_wait3A_145 = arith.constant 0 : i32
        %dma_wait3A_146 = arith.constant 0 : i32
        %dma_wait3A_147 = tpu.memref_slice %arg13[%dma_wait3A_145, %dma_wait3A_146] : memref<10000x128xf32, #tpu.memory_space<vmem_shared>> -> memref<10000x128xf32, #tpu.memory_space<vmem_shared>>
        tpu.wait_indirect_dma semaphore(%arg15 : memref<!tpu.dma_semaphore, #tpu.memory_space<semaphore_mem>>) src(%arg11 : memref<80x128xf32, #tpu.memory_space<vmem>>) dst(%dma_wait3A_147 : memref<10000x128xf32, #tpu.memory_space<vmem_shared>>)
        %dma_wait3A_148 = arith.constant 0 : i32
        %dma_wait3A_149 = arith.constant 0 : i32
        %dma_wait3A_150 = tpu.memref_slice %arg13[%dma_wait3A_148, %dma_wait3A_149] : memref<10000x128xf32, #tpu.memory_space<vmem_shared>> -> memref<10000x128xf32, #tpu.memory_space<vmem_shared>>
        tpu.wait_indirect_dma semaphore(%arg15 : memref<!tpu.dma_semaphore, #tpu.memory_space<semaphore_mem>>) src(%arg11 : memref<80x128xf32, #tpu.memory_space<vmem>>) dst(%dma_wait3A_150 : memref<10000x128xf32, #tpu.memory_space<vmem_shared>>)
        %add3A_151 = arith.constant 2 : i32
        %add3A_152 = arith.addi %add3A_83, %add3A_151 : i32
        %mul3A_153 = arith.constant 10000 : i32
        %mul3A_154 = arith.muli %arg1, %mul3A_153 : i32
        %mul3A_155 = arith.constant 80 : i32
        %mul3A_156 = arith.muli %add3A_152, %mul3A_155 : i32
        %add3A_157 = arith.addi %mul3A_154, %mul3A_156 : i32
        %dma_start3A_158 = tpu.memref_slice %arg3[%add3A_157] : memref<160000xi32, #tpu.memory_space<hbm>> -> memref<80xi32, #tpu.memory_space<hbm>>
        %dma_start3A_159 = tpu.memref_slice %arg3[%add3A_157] : memref<160000xi32, #tpu.memory_space<hbm>> -> memref<80xi32, #tpu.memory_space<hbm>>
        tpu.enqueue_dma source(%dma_start3A_159 : memref<80xi32, #tpu.memory_space<hbm>>) target(%arg7 : memref<80xi32, #tpu.memory_space<vmem>>) target_semaphore(%arg14 : memref<!tpu.dma_semaphore, #tpu.memory_space<semaphore_mem>>)
        %dma_start3A_160 = tpu.memref_slice %arg4[%add3A_157] : memref<160000xi32, #tpu.memory_space<hbm>> -> memref<80xi32, #tpu.memory_space<hbm>>
        %dma_start3A_161 = tpu.memref_slice %arg4[%add3A_157] : memref<160000xi32, #tpu.memory_space<hbm>> -> memref<80xi32, #tpu.memory_space<hbm>>
        tpu.enqueue_dma source(%dma_start3A_161 : memref<80xi32, #tpu.memory_space<hbm>>) target(%arg8 : memref<80xi32, #tpu.memory_space<vmem>>) target_semaphore(%arg14 : memref<!tpu.dma_semaphore, #tpu.memory_space<semaphore_mem>>)
        %dma_start3A_162 = arith.constant 0 : i32
        %dma_start3A_163 = tpu.memref_slice %arg2[%arg0, %add3A_157, %dma_start3A_162] : memref<2x160000x128xf32, #tpu.memory_space<hbm>> -> memref<1x80x128xf32, #tpu.memory_space<hbm>>
        %dma_start3A_164 = tpu.memref_squeeze %dma_start3A_163 : memref<1x80x128xf32, #tpu.memory_space<hbm>> -> memref<80x128xf32, #tpu.memory_space<hbm>>
        %dma_start3A_165 = arith.constant 0 : i32
        %dma_start3A_166 = tpu.memref_slice %arg2[%arg0, %add3A_157, %dma_start3A_165] : memref<2x160000x128xf32, #tpu.memory_space<hbm>> -> memref<1x80x128xf32, #tpu.memory_space<hbm>>
        %dma_start3A_167 = tpu.memref_squeeze %dma_start3A_166 : memref<1x80x128xf32, #tpu.memory_space<hbm>> -> memref<80x128xf32, #tpu.memory_space<hbm>>
        tpu.enqueue_dma source(%dma_start3A_167 : memref<80x128xf32, #tpu.memory_space<hbm>>) target(%arg11 : memref<80x128xf32, #tpu.memory_space<vmem>>) target_semaphore(%arg14 : memref<!tpu.dma_semaphore, #tpu.memory_space<semaphore_mem>>)
      } else {
      }
      %mul3A_112 = arith.constant 2 : i32
      %mul3A_113 = arith.muli %scan3A_79, %mul3A_112 : i32
      %add3A_114 = arith.constant 1 : i32
      %add3A_115 = arith.addi %mul3A_113, %add3A_114 : i32
      %dma_wait3A_116 = arith.constant 0 : i32
      %dma_wait3A_117 = tpu.memref_slice %arg3[%dma_wait3A_116] : memref<160000xi32, #tpu.memory_space<hbm>> -> memref<80xi32, #tpu.memory_space<hbm>>
      %dma_wait3A_118 = arith.constant 0 : i32
      %dma_wait3A_119 = tpu.memref_slice %arg3[%dma_wait3A_118] : memref<160000xi32, #tpu.memory_space<hbm>> -> memref<80xi32, #tpu.memory_space<hbm>>
      tpu.wait_dma2 semaphore(%arg16 : memref<!tpu.dma_semaphore, #tpu.memory_space<semaphore_mem>>) src(%dma_wait3A_119 : memref<80xi32, #tpu.memory_space<hbm>>) dst(%arg9 : memref<80xi32, #tpu.memory_space<vmem>>)
      %dma_wait3A_120 = arith.constant 0 : i32
      %dma_wait3A_121 = tpu.memref_slice %arg4[%dma_wait3A_120] : memref<160000xi32, #tpu.memory_space<hbm>> -> memref<80xi32, #tpu.memory_space<hbm>>
      %dma_wait3A_122 = arith.constant 0 : i32
      %dma_wait3A_123 = tpu.memref_slice %arg4[%dma_wait3A_122] : memref<160000xi32, #tpu.memory_space<hbm>> -> memref<80xi32, #tpu.memory_space<hbm>>
      tpu.wait_dma2 semaphore(%arg16 : memref<!tpu.dma_semaphore, #tpu.memory_space<semaphore_mem>>) src(%dma_wait3A_123 : memref<80xi32, #tpu.memory_space<hbm>>) dst(%arg10 : memref<80xi32, #tpu.memory_space<vmem>>)
      %dma_wait3A_124 = arith.constant 0 : i32
      %dma_wait3A_125 = arith.constant 0 : i32
      %dma_wait3A_126 = tpu.memref_slice %arg2[%arg0, %dma_wait3A_124, %dma_wait3A_125] : memref<2x160000x128xf32, #tpu.memory_space<hbm>> -> memref<1x80x128xf32, #tpu.memory_space<hbm>>
      %dma_wait3A_127 = tpu.memref_squeeze %dma_wait3A_126 : memref<1x80x128xf32, #tpu.memory_space<hbm>> -> memref<80x128xf32, #tpu.memory_space<hbm>>
      %dma_wait3A_128 = arith.constant 0 : i32
      %dma_wait3A_129 = arith.constant 0 : i32
      %dma_wait3A_130 = tpu.memref_slice %arg2[%arg0, %dma_wait3A_128, %dma_wait3A_129] : memref<2x160000x128xf32, #tpu.memory_space<hbm>> -> memref<1x80x128xf32, #tpu.memory_space<hbm>>
      %dma_wait3A_131 = tpu.memref_squeeze %dma_wait3A_130 : memref<1x80x128xf32, #tpu.memory_space<hbm>> -> memref<80x128xf32, #tpu.memory_space<hbm>>
      tpu.wait_dma2 semaphore(%arg16 : memref<!tpu.dma_semaphore, #tpu.memory_space<semaphore_mem>>) src(%dma_wait3A_131 : memref<80x128xf32, #tpu.memory_space<hbm>>) dst(%arg12 : memref<80x128xf32, #tpu.memory_space<vmem>>)
      %dma_start3A_132 = arith.constant 0 : i32
      %dma_start3A_133 = arith.constant 0 : i32
      %dma_start3A_134 = tpu.memref_slice %arg13[%dma_start3A_132, %dma_start3A_133] : memref<10000x128xf32, #tpu.memory_space<vmem_shared>> -> memref<10000x128xf32, #tpu.memory_space<vmem_shared>>
      tpu.enqueue_indirect_dma source(%arg12 : memref<80x128xf32, #tpu.memory_space<vmem>>) target(%dma_start3A_134 : memref<10000x128xf32, #tpu.memory_space<vmem_shared>>) offsets(%arg10 : memref<80xi32, #tpu.memory_space<vmem>>) semaphore(%arg17 : memref<!tpu.dma_semaphore, #tpu.memory_space<semaphore_mem>>) {add = true}
      %dma_start3A_135 = arith.constant 0 : i32
      %dma_start3A_136 = arith.constant 0 : i32
      %dma_start3A_137 = tpu.memref_slice %arg13[%dma_start3A_135, %dma_start3A_136] : memref<10000x128xf32, #tpu.memory_space<vmem_shared>> -> memref<10000x128xf32, #tpu.memory_space<vmem_shared>>
      tpu.enqueue_indirect_dma source(%arg12 : memref<80x128xf32, #tpu.memory_space<vmem>>) target(%dma_start3A_137 : memref<10000x128xf32, #tpu.memory_space<vmem_shared>>) offsets(%arg9 : memref<80xi32, #tpu.memory_space<vmem>>) semaphore(%arg17 : memref<!tpu.dma_semaphore, #tpu.memory_space<semaphore_mem>>) {add = true}
      %add3A_138 = arith.constant 2 : i32
      %add3A_139 = arith.addi %add3A_115, %add3A_138 : i32
      %lt3A_140 = arith.constant 125 : i32
      %lt3A_141 = arith.cmpi slt, %add3A_139, %lt3A_140 : i32
      %convert_element_type3A_142 = arith.extui %lt3A_141 : i1 to i32
      %cond3A_143 = arith.constant 0 : i32
      %cond3A_144 = arith.cmpi ne, %convert_element_type3A_142, %cond3A_143 : i32
      scf.if %cond3A_144 {
        %dma_wait3A_145 = arith.constant 0 : i32
        %dma_wait3A_146 = arith.constant 0 : i32
        %dma_wait3A_147 = tpu.memref_slice %arg13[%dma_wait3A_145, %dma_wait3A_146] : memref<10000x128xf32, #tpu.memory_space<vmem_shared>> -> memref<10000x128xf32, #tpu.memory_space<vmem_shared>>
        tpu.wait_indirect_dma semaphore(%arg17 : memref<!tpu.dma_semaphore, #tpu.memory_space<semaphore_mem>>) src(%arg12 : memref<80x128xf32, #tpu.memory_space<vmem>>) dst(%dma_wait3A_147 : memref<10000x128xf32, #tpu.memory_space<vmem_shared>>)
        %dma_wait3A_148 = arith.constant 0 : i32
        %dma_wait3A_149 = arith.constant 0 : i32
        %dma_wait3A_150 = tpu.memref_slice %arg13[%dma_wait3A_148, %dma_wait3A_149] : memref<10000x128xf32, #tpu.memory_space<vmem_shared>> -> memref<10000x128xf32, #tpu.memory_space<vmem_shared>>
        tpu.wait_indirect_dma semaphore(%arg17 : memref<!tpu.dma_semaphore, #tpu.memory_space<semaphore_mem>>) src(%arg12 : memref<80x128xf32, #tpu.memory_space<vmem>>) dst(%dma_wait3A_150 : memref<10000x128xf32, #tpu.memory_space<vmem_shared>>)
        %add3A_151 = arith.constant 2 : i32
        %add3A_152 = arith.addi %add3A_115, %add3A_151 : i32
        %mul3A_153 = arith.constant 10000 : i32
        %mul3A_154 = arith.muli %arg1, %mul3A_153 : i32
        %mul3A_155 = arith.constant 80 : i32
        %mul3A_156 = arith.muli %add3A_152, %mul3A_155 : i32
        %add3A_157 = arith.addi %mul3A_154, %mul3A_156 : i32
        %dma_start3A_158 = tpu.memref_slice %arg3[%add3A_157] : memref<160000xi32, #tpu.memory_space<hbm>> -> memref<80xi32, #tpu.memory_space<hbm>>
        %dma_start3A_159 = tpu.memref_slice %arg3[%add3A_157] : memref<160000xi32, #tpu.memory_space<hbm>> -> memref<80xi32, #tpu.memory_space<hbm>>
        tpu.enqueue_dma source(%dma_start3A_159 : memref<80xi32, #tpu.memory_space<hbm>>) target(%arg9 : memref<80xi32, #tpu.memory_space<vmem>>) target_semaphore(%arg16 : memref<!tpu.dma_semaphore, #tpu.memory_space<semaphore_mem>>)
        %dma_start3A_160 = tpu.memref_slice %arg4[%add3A_157] : memref<160000xi32, #tpu.memory_space<hbm>> -> memref<80xi32, #tpu.memory_space<hbm>>
        %dma_start3A_161 = tpu.memref_slice %arg4[%add3A_157] : memref<160000xi32, #tpu.memory_space<hbm>> -> memref<80xi32, #tpu.memory_space<hbm>>
        tpu.enqueue_dma source(%dma_start3A_161 : memref<80xi32, #tpu.memory_space<hbm>>) target(%arg10 : memref<80xi32, #tpu.memory_space<vmem>>) target_semaphore(%arg16 : memref<!tpu.dma_semaphore, #tpu.memory_space<semaphore_mem>>)
        %dma_start3A_162 = arith.constant 0 : i32
        %dma_start3A_163 = tpu.memref_slice %arg2[%arg0, %add3A_157, %dma_start3A_162] : memref<2x160000x128xf32, #tpu.memory_space<hbm>> -> memref<1x80x128xf32, #tpu.memory_space<hbm>>
        %dma_start3A_164 = tpu.memref_squeeze %dma_start3A_163 : memref<1x80x128xf32, #tpu.memory_space<hbm>> -> memref<80x128xf32, #tpu.memory_space<hbm>>
        %dma_start3A_165 = arith.constant 0 : i32
        %dma_start3A_166 = tpu.memref_slice %arg2[%arg0, %add3A_157, %dma_start3A_165] : memref<2x160000x128xf32, #tpu.memory_space<hbm>> -> memref<1x80x128xf32, #tpu.memory_space<hbm>>
        %dma_start3A_167 = tpu.memref_squeeze %dma_start3A_166 : memref<1x80x128xf32, #tpu.memory_space<hbm>> -> memref<80x128xf32, #tpu.memory_space<hbm>>
        tpu.enqueue_dma source(%dma_start3A_167 : memref<80x128xf32, #tpu.memory_space<hbm>>) target(%arg12 : memref<80x128xf32, #tpu.memory_space<vmem>>) target_semaphore(%arg16 : memref<!tpu.dma_semaphore, #tpu.memory_space<semaphore_mem>>)
      } else {
      }
    }
    %scan3A_35 = arith.constant 62 : i32
    %dma_wait3A = arith.constant 0 : i32
    %dma_wait3A_36 = tpu.memref_slice %arg3[%dma_wait3A] : memref<160000xi32, #tpu.memory_space<hbm>> -> memref<80xi32, #tpu.memory_space<hbm>>
    %dma_wait3A_37 = arith.constant 0 : i32
    %dma_wait3A_38 = tpu.memref_slice %arg3[%dma_wait3A_37] : memref<160000xi32, #tpu.memory_space<hbm>> -> memref<80xi32, #tpu.memory_space<hbm>>
    tpu.wait_dma2 semaphore(%arg14 : memref<!tpu.dma_semaphore, #tpu.memory_space<semaphore_mem>>) src(%dma_wait3A_38 : memref<80xi32, #tpu.memory_space<hbm>>) dst(%arg7 : memref<80xi32, #tpu.memory_space<vmem>>)
    %dma_wait3A_39 = arith.constant 0 : i32
    %dma_wait3A_40 = tpu.memref_slice %arg4[%dma_wait3A_39] : memref<160000xi32, #tpu.memory_space<hbm>> -> memref<80xi32, #tpu.memory_space<hbm>>
    %dma_wait3A_41 = arith.constant 0 : i32
    %dma_wait3A_42 = tpu.memref_slice %arg4[%dma_wait3A_41] : memref<160000xi32, #tpu.memory_space<hbm>> -> memref<80xi32, #tpu.memory_space<hbm>>
    tpu.wait_dma2 semaphore(%arg14 : memref<!tpu.dma_semaphore, #tpu.memory_space<semaphore_mem>>) src(%dma_wait3A_42 : memref<80xi32, #tpu.memory_space<hbm>>) dst(%arg8 : memref<80xi32, #tpu.memory_space<vmem>>)
    %dma_wait3A_43 = arith.constant 0 : i32
    %dma_wait3A_44 = arith.constant 0 : i32
    %dma_wait3A_45 = tpu.memref_slice %arg2[%arg0, %dma_wait3A_43, %dma_wait3A_44] : memref<2x160000x128xf32, #tpu.memory_space<hbm>> -> memref<1x80x128xf32, #tpu.memory_space<hbm>>
    %dma_wait3A_46 = tpu.memref_squeeze %dma_wait3A_45 : memref<1x80x128xf32, #tpu.memory_space<hbm>> -> memref<80x128xf32, #tpu.memory_space<hbm>>
    %dma_wait3A_47 = arith.constant 0 : i32
    %dma_wait3A_48 = arith.constant 0 : i32
    %dma_wait3A_49 = tpu.memref_slice %arg2[%arg0, %dma_wait3A_47, %dma_wait3A_48] : memref<2x160000x128xf32, #tpu.memory_space<hbm>> -> memref<1x80x128xf32, #tpu.memory_space<hbm>>
    %dma_wait3A_50 = tpu.memref_squeeze %dma_wait3A_49 : memref<1x80x128xf32, #tpu.memory_space<hbm>> -> memref<80x128xf32, #tpu.memory_space<hbm>>
    tpu.wait_dma2 semaphore(%arg14 : memref<!tpu.dma_semaphore, #tpu.memory_space<semaphore_mem>>) src(%dma_wait3A_50 : memref<80x128xf32, #tpu.memory_space<hbm>>) dst(%arg11 : memref<80x128xf32, #tpu.memory_space<vmem>>)
    %dma_start3A_51 = arith.constant 0 : i32
    %dma_start3A_52 = arith.constant 0 : i32
    %dma_start3A_53 = tpu.memref_slice %arg13[%dma_start3A_51, %dma_start3A_52] : memref<10000x128xf32, #tpu.memory_space<vmem_shared>> -> memref<10000x128xf32, #tpu.memory_space<vmem_shared>>
    tpu.enqueue_indirect_dma source(%arg11 : memref<80x128xf32, #tpu.memory_space<vmem>>) target(%dma_start3A_53 : memref<10000x128xf32, #tpu.memory_space<vmem_shared>>) offsets(%arg8 : memref<80xi32, #tpu.memory_space<vmem>>) semaphore(%arg15 : memref<!tpu.dma_semaphore, #tpu.memory_space<semaphore_mem>>) {add = true}
    %dma_start3A_54 = arith.constant 0 : i32
    %dma_start3A_55 = arith.constant 0 : i32
    %dma_start3A_56 = tpu.memref_slice %arg13[%dma_start3A_54, %dma_start3A_55] : memref<10000x128xf32, #tpu.memory_space<vmem_shared>> -> memref<10000x128xf32, #tpu.memory_space<vmem_shared>>
    tpu.enqueue_indirect_dma source(%arg11 : memref<80x128xf32, #tpu.memory_space<vmem>>) target(%dma_start3A_56 : memref<10000x128xf32, #tpu.memory_space<vmem_shared>>) offsets(%arg7 : memref<80xi32, #tpu.memory_space<vmem>>) semaphore(%arg15 : memref<!tpu.dma_semaphore, #tpu.memory_space<semaphore_mem>>) {add = true}
    %dma_wait3A_57 = arith.constant 0 : i32
    %dma_wait3A_58 = arith.constant 0 : i32
    %dma_wait3A_59 = tpu.memref_slice %arg13[%dma_wait3A_57, %dma_wait3A_58] : memref<10000x128xf32, #tpu.memory_space<vmem_shared>> -> memref<10000x128xf32, #tpu.memory_space<vmem_shared>>
    tpu.wait_indirect_dma semaphore(%arg15 : memref<!tpu.dma_semaphore, #tpu.memory_space<semaphore_mem>>) src(%arg11 : memref<80x128xf32, #tpu.memory_space<vmem>>) dst(%dma_wait3A_59 : memref<10000x128xf32, #tpu.memory_space<vmem_shared>>)
    %dma_wait3A_60 = arith.constant 0 : i32
    %dma_wait3A_61 = arith.constant 0 : i32
    %dma_wait3A_62 = tpu.memref_slice %arg13[%dma_wait3A_60, %dma_wait3A_61] : memref<10000x128xf32, #tpu.memory_space<vmem_shared>> -> memref<10000x128xf32, #tpu.memory_space<vmem_shared>>
    tpu.wait_indirect_dma semaphore(%arg15 : memref<!tpu.dma_semaphore, #tpu.memory_space<semaphore_mem>>) src(%arg11 : memref<80x128xf32, #tpu.memory_space<vmem>>) dst(%dma_wait3A_62 : memref<10000x128xf32, #tpu.memory_space<vmem_shared>>)
    %dma_wait3A_63 = arith.constant 0 : i32
    %dma_wait3A_64 = arith.constant 0 : i32
    %dma_wait3A_65 = tpu.memref_slice %arg13[%dma_wait3A_63, %dma_wait3A_64] : memref<10000x128xf32, #tpu.memory_space<vmem_shared>> -> memref<10000x128xf32, #tpu.memory_space<vmem_shared>>
    tpu.wait_indirect_dma semaphore(%arg17 : memref<!tpu.dma_semaphore, #tpu.memory_space<semaphore_mem>>) src(%arg12 : memref<80x128xf32, #tpu.memory_space<vmem>>) dst(%dma_wait3A_65 : memref<10000x128xf32, #tpu.memory_space<vmem_shared>>)
    %dma_wait3A_66 = arith.constant 0 : i32
    %dma_wait3A_67 = arith.constant 0 : i32
    %dma_wait3A_68 = tpu.memref_slice %arg13[%dma_wait3A_66, %dma_wait3A_67] : memref<10000x128xf32, #tpu.memory_space<vmem_shared>> -> memref<10000x128xf32, #tpu.memory_space<vmem_shared>>
    tpu.wait_indirect_dma semaphore(%arg17 : memref<!tpu.dma_semaphore, #tpu.memory_space<semaphore_mem>>) src(%arg12 : memref<80x128xf32, #tpu.memory_space<vmem>>) dst(%dma_wait3A_68 : memref<10000x128xf32, #tpu.memory_space<vmem_shared>>)
    %barrier3A_69 = arith.constant 0 : index
    tpu.barrier barrier_id(%barrier3A_69)
    %mul3A_70 = arith.constant 624 : i32
    %mul3A_71 = arith.muli %arg1, %mul3A_70 : i32
    %mul3A_72 = arith.constant 624 : i32
    %mul3A_73 = arith.muli %arg1, %mul3A_72 : i32
    "tpu.region"() ({
      %run_scoped3A = tpu.sem_alloc : memref<!tpu.dma_semaphore, #tpu.memory_space<semaphore_mem>>
      %dma_start3A_79 = arith.constant 0 : i32
      %dma_start3A_80 = tpu.memref_slice %arg6[%arg0, %mul3A_73, %dma_start3A_79] : memref<2x10000x128xf32, #tpu.memory_space<hbm>> -> memref<1x624x128xf32, #tpu.memory_space<hbm>>
      %dma_start3A_81 = tpu.memref_squeeze %dma_start3A_80 : memref<1x624x128xf32, #tpu.memory_space<hbm>> -> memref<624x128xf32, #tpu.memory_space<hbm>>
      %dma_start3A_82 = arith.constant 0 : i32
      %dma_start3A_83 = tpu.memref_slice %arg13[%mul3A_71, %dma_start3A_82] : memref<10000x128xf32, #tpu.memory_space<vmem_shared>> -> memref<624x128xf32, #tpu.memory_space<vmem_shared>>
      tpu.enqueue_dma source(%dma_start3A_83 : memref<624x128xf32, #tpu.memory_space<vmem_shared>>) target(%dma_start3A_81 : memref<624x128xf32, #tpu.memory_space<hbm>>) target_semaphore(%run_scoped3A : memref<!tpu.dma_semaphore, #tpu.memory_space<semaphore_mem>>)
      %dma_wait3A_84 = arith.constant 0 : i32
      %dma_wait3A_85 = tpu.memref_slice %arg6[%arg0, %mul3A_73, %dma_wait3A_84] : memref<2x10000x128xf32, #tpu.memory_space<hbm>> -> memref<1x624x128xf32, #tpu.memory_space<hbm>>
      %dma_wait3A_86 = tpu.memref_squeeze %dma_wait3A_85 : memref<1x624x128xf32, #tpu.memory_space<hbm>> -> memref<624x128xf32, #tpu.memory_space<hbm>>
      %dma_wait3A_87 = arith.constant 0 : i32
      %dma_wait3A_88 = tpu.memref_slice %arg13[%mul3A_71, %dma_wait3A_87] : memref<10000x128xf32, #tpu.memory_space<vmem_shared>> -> memref<624x128xf32, #tpu.memory_space<vmem_shared>>
      tpu.wait_dma2 semaphore(%run_scoped3A : memref<!tpu.dma_semaphore, #tpu.memory_space<semaphore_mem>>) src(%dma_wait3A_88 : memref<624x128xf32, #tpu.memory_space<vmem_shared>>) dst(%dma_wait3A_86 : memref<624x128xf32, #tpu.memory_space<hbm>>)
      tpu.yield
    }) : () -> ()
    %eq3A_74 = arith.constant 0 : i32
    %eq3A_75 = arith.cmpi eq, %arg1, %eq3A_74 : i32
    %convert_element_type3A_76 = arith.extui %eq3A_75 : i1 to i32
    %cond3A_77 = arith.constant 0 : i32
    %cond3A_78 = arith.cmpi ne, %convert_element_type3A_76, %cond3A_77 : i32
    scf.if %cond3A_78 {
      "tpu.region"() ({
        %run_scoped3A = tpu.sem_alloc : memref<!tpu.dma_semaphore, #tpu.memory_space<semaphore_mem>>
        %dma_start3A_79 = arith.constant 9984 : i32
        %dma_start3A_80 = arith.constant 0 : i32
        %dma_start3A_81 = tpu.memref_slice %arg6[%arg0, %dma_start3A_79, %dma_start3A_80] : memref<2x10000x128xf32, #tpu.memory_space<hbm>> -> memref<1x16x128xf32, #tpu.memory_space<hbm>>
        %dma_start3A_82 = tpu.memref_squeeze %dma_start3A_81 : memref<1x16x128xf32, #tpu.memory_space<hbm>> -> memref<16x128xf32, #tpu.memory_space<hbm>>
        %dma_start3A_83 = arith.constant 9984 : i32
        %dma_start3A_84 = arith.constant 0 : i32
        %dma_start3A_85 = tpu.memref_slice %arg13[%dma_start3A_83, %dma_start3A_84] : memref<10000x128xf32, #tpu.memory_space<vmem_shared>> -> memref<16x128xf32, #tpu.memory_space<vmem_shared>>
        tpu.enqueue_dma source(%dma_start3A_85 : memref<16x128xf32, #tpu.memory_space<vmem_shared>>) target(%dma_start3A_82 : memref<16x128xf32, #tpu.memory_space<hbm>>) target_semaphore(%run_scoped3A : memref<!tpu.dma_semaphore, #tpu.memory_space<semaphore_mem>>)
        %dma_wait3A_86 = arith.constant 9984 : i32
        %dma_wait3A_87 = arith.constant 0 : i32
        %dma_wait3A_88 = tpu.memref_slice %arg6[%arg0, %dma_wait3A_86, %dma_wait3A_87] : memref<2x10000x128xf32, #tpu.memory_space<hbm>> -> memref<1x16x128xf32, #tpu.memory_space<hbm>>
        %dma_wait3A_89 = tpu.memref_squeeze %dma_wait3A_88 : memref<1x16x128xf32, #tpu.memory_space<hbm>> -> memref<16x128xf32, #tpu.memory_space<hbm>>
        %dma_wait3A_90 = arith.constant 9984 : i32
        %dma_wait3A_91 = arith.constant 0 : i32
        %dma_wait3A_92 = tpu.memref_slice %arg13[%dma_wait3A_90, %dma_wait3A_91] : memref<10000x128xf32, #tpu.memory_space<vmem_shared>> -> memref<16x128xf32, #tpu.memory_space<vmem_shared>>
        tpu.wait_dma2 semaphore(%run_scoped3A : memref<!tpu.dma_semaphore, #tpu.memory_space<semaphore_mem>>) src(%dma_wait3A_92 : memref<16x128xf32, #tpu.memory_space<vmem_shared>>) dst(%dma_wait3A_89 : memref<16x128xf32, #tpu.memory_space<hbm>>)
        tpu.yield
      }) : () -> ()
    } else {
    }
    return
  }
}

#map = affine_map<(d0, d1) -> (0, 0)>
#map1 = affine_map<(d0, d1) -> (0, 0, 0)>
module attributes {stable_mosaic.version = 14 : i64} {
  func.func @k(%arg0: i32, %arg1: i32, %arg2: memref<10000x128xi32, #tpu.memory_space<hbm>>, %arg3: memref<32x125x40xi32, #tpu.memory_space<hbm>>, %arg4: memref<32x125x40xi32, #tpu.memory_space<hbm>>, %arg5: memref<160000x128xi32, #tpu.memory_space<hbm>>, %arg6: memref<160000x128xi32, #tpu.memory_space<hbm>>, %arg7: memref<125x40xi32, #tpu.memory_space<vmem>>, %arg8: memref<125x40xi32, #tpu.memory_space<vmem>>, %arg9: memref<40x128xi32, #tpu.memory_space<vmem>>, %arg10: memref<40x128xi32, #tpu.memory_space<vmem>>, %arg11: memref<40x128xi32, #tpu.memory_space<vmem>>, %arg12: memref<40x128xi32, #tpu.memory_space<vmem>>, %arg13: memref<!tpu.dma_semaphore, #tpu.memory_space<semaphore_mem>>, %arg14: memref<!tpu.dma_semaphore, #tpu.memory_space<semaphore_mem>>, %arg15: memref<!tpu.dma_semaphore, #tpu.memory_space<semaphore_mem>>, %arg16: memref<!tpu.dma_semaphore, #tpu.memory_space<semaphore_mem>>) attributes {dimension_semantics = [#tpu.dimension_semantics<core_parallel>, #tpu.dimension_semantics<subcore_parallel>], iteration_bounds = array<i64: 2, 16>, scalar_prefetch = 0 : i64, scratch_operands = 10 : i64, tpu.core_type = #tpu.core_type<sc_vector_subcore>, window_params = [{transform_indices = #map}, {transform_indices = #map1}, {transform_indices = #map1}, {transform_indices = #map}, {transform_indices = #map}]} {
    %mul3A = arith.constant 2 : i32
    %mul3A_0 = arith.muli %arg1, %mul3A : i32
    %add3A = arith.addi %mul3A_0, %arg0 : i32
    %mul3A_1 = arith.constant 5000 : i32
    %mul3A_2 = arith.muli %add3A, %mul3A_1 : i32
    "tpu.region"() ({
      %run_scoped3A = tpu.sem_alloc : memref<!tpu.dma_semaphore, #tpu.memory_space<semaphore_mem>>
      %dma_start3A_84 = arith.constant 0 : i32
      %dma_start3A_85 = arith.constant 0 : i32
      %dma_start3A_86 = tpu.memref_slice %arg3[%add3A, %dma_start3A_84, %dma_start3A_85] : memref<32x125x40xi32, #tpu.memory_space<hbm>> -> memref<1x125x40xi32, #tpu.memory_space<hbm>>
      %dma_start3A_87 = tpu.memref_squeeze %dma_start3A_86 : memref<1x125x40xi32, #tpu.memory_space<hbm>> -> memref<125x40xi32, #tpu.memory_space<hbm>>
      %dma_start3A_88 = arith.constant 0 : i32
      %dma_start3A_89 = arith.constant 0 : i32
      %dma_start3A_90 = tpu.memref_slice %arg3[%add3A, %dma_start3A_88, %dma_start3A_89] : memref<32x125x40xi32, #tpu.memory_space<hbm>> -> memref<1x125x40xi32, #tpu.memory_space<hbm>>
      %dma_start3A_91 = tpu.memref_squeeze %dma_start3A_90 : memref<1x125x40xi32, #tpu.memory_space<hbm>> -> memref<125x40xi32, #tpu.memory_space<hbm>>
      tpu.enqueue_dma source(%dma_start3A_91 : memref<125x40xi32, #tpu.memory_space<hbm>>) target(%arg7 : memref<125x40xi32, #tpu.memory_space<vmem>>) target_semaphore(%run_scoped3A : memref<!tpu.dma_semaphore, #tpu.memory_space<semaphore_mem>>)
      %dma_wait3A_92 = arith.constant 0 : i32
      %dma_wait3A_93 = arith.constant 0 : i32
      %dma_wait3A_94 = tpu.memref_slice %arg3[%add3A, %dma_wait3A_92, %dma_wait3A_93] : memref<32x125x40xi32, #tpu.memory_space<hbm>> -> memref<1x125x40xi32, #tpu.memory_space<hbm>>
      %dma_wait3A_95 = tpu.memref_squeeze %dma_wait3A_94 : memref<1x125x40xi32, #tpu.memory_space<hbm>> -> memref<125x40xi32, #tpu.memory_space<hbm>>
      %dma_wait3A_96 = arith.constant 0 : i32
      %dma_wait3A_97 = arith.constant 0 : i32
      %dma_wait3A_98 = tpu.memref_slice %arg3[%add3A, %dma_wait3A_96, %dma_wait3A_97] : memref<32x125x40xi32, #tpu.memory_space<hbm>> -> memref<1x125x40xi32, #tpu.memory_space<hbm>>
      %dma_wait3A_99 = tpu.memref_squeeze %dma_wait3A_98 : memref<1x125x40xi32, #tpu.memory_space<hbm>> -> memref<125x40xi32, #tpu.memory_space<hbm>>
      tpu.wait_dma2 semaphore(%run_scoped3A : memref<!tpu.dma_semaphore, #tpu.memory_space<semaphore_mem>>) src(%dma_wait3A_99 : memref<125x40xi32, #tpu.memory_space<hbm>>) dst(%arg7 : memref<125x40xi32, #tpu.memory_space<vmem>>)
      tpu.yield
    }) : () -> ()
    "tpu.region"() ({
      %run_scoped3A = tpu.sem_alloc : memref<!tpu.dma_semaphore, #tpu.memory_space<semaphore_mem>>
      %dma_start3A_84 = arith.constant 0 : i32
      %dma_start3A_85 = arith.constant 0 : i32
      %dma_start3A_86 = tpu.memref_slice %arg4[%add3A, %dma_start3A_84, %dma_start3A_85] : memref<32x125x40xi32, #tpu.memory_space<hbm>> -> memref<1x125x40xi32, #tpu.memory_space<hbm>>
      %dma_start3A_87 = tpu.memref_squeeze %dma_start3A_86 : memref<1x125x40xi32, #tpu.memory_space<hbm>> -> memref<125x40xi32, #tpu.memory_space<hbm>>
      %dma_start3A_88 = arith.constant 0 : i32
      %dma_start3A_89 = arith.constant 0 : i32
      %dma_start3A_90 = tpu.memref_slice %arg4[%add3A, %dma_start3A_88, %dma_start3A_89] : memref<32x125x40xi32, #tpu.memory_space<hbm>> -> memref<1x125x40xi32, #tpu.memory_space<hbm>>
      %dma_start3A_91 = tpu.memref_squeeze %dma_start3A_90 : memref<1x125x40xi32, #tpu.memory_space<hbm>> -> memref<125x40xi32, #tpu.memory_space<hbm>>
      tpu.enqueue_dma source(%dma_start3A_91 : memref<125x40xi32, #tpu.memory_space<hbm>>) target(%arg8 : memref<125x40xi32, #tpu.memory_space<vmem>>) target_semaphore(%run_scoped3A : memref<!tpu.dma_semaphore, #tpu.memory_space<semaphore_mem>>)
      %dma_wait3A_92 = arith.constant 0 : i32
      %dma_wait3A_93 = arith.constant 0 : i32
      %dma_wait3A_94 = tpu.memref_slice %arg4[%add3A, %dma_wait3A_92, %dma_wait3A_93] : memref<32x125x40xi32, #tpu.memory_space<hbm>> -> memref<1x125x40xi32, #tpu.memory_space<hbm>>
      %dma_wait3A_95 = tpu.memref_squeeze %dma_wait3A_94 : memref<1x125x40xi32, #tpu.memory_space<hbm>> -> memref<125x40xi32, #tpu.memory_space<hbm>>
      %dma_wait3A_96 = arith.constant 0 : i32
      %dma_wait3A_97 = arith.constant 0 : i32
      %dma_wait3A_98 = tpu.memref_slice %arg4[%add3A, %dma_wait3A_96, %dma_wait3A_97] : memref<32x125x40xi32, #tpu.memory_space<hbm>> -> memref<1x125x40xi32, #tpu.memory_space<hbm>>
      %dma_wait3A_99 = tpu.memref_squeeze %dma_wait3A_98 : memref<1x125x40xi32, #tpu.memory_space<hbm>> -> memref<125x40xi32, #tpu.memory_space<hbm>>
      tpu.wait_dma2 semaphore(%run_scoped3A : memref<!tpu.dma_semaphore, #tpu.memory_space<semaphore_mem>>) src(%dma_wait3A_99 : memref<125x40xi32, #tpu.memory_space<hbm>>) dst(%arg8 : memref<125x40xi32, #tpu.memory_space<vmem>>)
      tpu.yield
    }) : () -> ()
    %dma_start3A = arith.constant 0 : i32
    %dma_start3A_3 = arith.constant 0 : i32
    %dma_start3A_4 = tpu.memref_slice %arg7[%dma_start3A, %dma_start3A_3] : memref<125x40xi32, #tpu.memory_space<vmem>> -> memref<1x40xi32, #tpu.memory_space<vmem>>
    %dma_start3A_5 = tpu.memref_squeeze %dma_start3A_4 : memref<1x40xi32, #tpu.memory_space<vmem>> -> memref<40xi32, #tpu.memory_space<vmem>>
    %dma_start3A_6 = arith.constant 0 : i32
    %dma_start3A_7 = arith.constant 0 : i32
    %dma_start3A_8 = tpu.memref_slice %arg2[%dma_start3A_6, %dma_start3A_7] : memref<10000x128xi32, #tpu.memory_space<hbm>> -> memref<10000x128xi32, #tpu.memory_space<hbm>>
    tpu.enqueue_indirect_dma source(%dma_start3A_8 : memref<10000x128xi32, #tpu.memory_space<hbm>>) target(%arg9 : memref<40x128xi32, #tpu.memory_space<vmem>>) offsets(%dma_start3A_5 : memref<40xi32, #tpu.memory_space<vmem>>) semaphore(%arg13 : memref<!tpu.dma_semaphore, #tpu.memory_space<semaphore_mem>>)
    %dma_start3A_9 = arith.constant 0 : i32
    %dma_start3A_10 = arith.constant 0 : i32
    %dma_start3A_11 = tpu.memref_slice %arg8[%dma_start3A_9, %dma_start3A_10] : memref<125x40xi32, #tpu.memory_space<vmem>> -> memref<1x40xi32, #tpu.memory_space<vmem>>
    %dma_start3A_12 = tpu.memref_squeeze %dma_start3A_11 : memref<1x40xi32, #tpu.memory_space<vmem>> -> memref<40xi32, #tpu.memory_space<vmem>>
    %dma_start3A_13 = arith.constant 0 : i32
    %dma_start3A_14 = arith.constant 0 : i32
    %dma_start3A_15 = tpu.memref_slice %arg2[%dma_start3A_13, %dma_start3A_14] : memref<10000x128xi32, #tpu.memory_space<hbm>> -> memref<10000x128xi32, #tpu.memory_space<hbm>>
    tpu.enqueue_indirect_dma source(%dma_start3A_15 : memref<10000x128xi32, #tpu.memory_space<hbm>>) target(%arg10 : memref<40x128xi32, #tpu.memory_space<vmem>>) offsets(%dma_start3A_12 : memref<40xi32, #tpu.memory_space<vmem>>) semaphore(%arg13 : memref<!tpu.dma_semaphore, #tpu.memory_space<semaphore_mem>>)
    %dma_start3A_16 = arith.constant 1 : i32
    %dma_start3A_17 = arith.constant 0 : i32
    %dma_start3A_18 = tpu.memref_slice %arg7[%dma_start3A_16, %dma_start3A_17] : memref<125x40xi32, #tpu.memory_space<vmem>> -> memref<1x40xi32, #tpu.memory_space<vmem>>
    %dma_start3A_19 = tpu.memref_squeeze %dma_start3A_18 : memref<1x40xi32, #tpu.memory_space<vmem>> -> memref<40xi32, #tpu.memory_space<vmem>>
    %dma_start3A_20 = arith.constant 0 : i32
    %dma_start3A_21 = arith.constant 0 : i32
    %dma_start3A_22 = tpu.memref_slice %arg2[%dma_start3A_20, %dma_start3A_21] : memref<10000x128xi32, #tpu.memory_space<hbm>> -> memref<10000x128xi32, #tpu.memory_space<hbm>>
    tpu.enqueue_indirect_dma source(%dma_start3A_22 : memref<10000x128xi32, #tpu.memory_space<hbm>>) target(%arg11 : memref<40x128xi32, #tpu.memory_space<vmem>>) offsets(%dma_start3A_19 : memref<40xi32, #tpu.memory_space<vmem>>) semaphore(%arg14 : memref<!tpu.dma_semaphore, #tpu.memory_space<semaphore_mem>>)
    %dma_start3A_23 = arith.constant 1 : i32
    %dma_start3A_24 = arith.constant 0 : i32
    %dma_start3A_25 = tpu.memref_slice %arg8[%dma_start3A_23, %dma_start3A_24] : memref<125x40xi32, #tpu.memory_space<vmem>> -> memref<1x40xi32, #tpu.memory_space<vmem>>
    %dma_start3A_26 = tpu.memref_squeeze %dma_start3A_25 : memref<1x40xi32, #tpu.memory_space<vmem>> -> memref<40xi32, #tpu.memory_space<vmem>>
    %dma_start3A_27 = arith.constant 0 : i32
    %dma_start3A_28 = arith.constant 0 : i32
    %dma_start3A_29 = tpu.memref_slice %arg2[%dma_start3A_27, %dma_start3A_28] : memref<10000x128xi32, #tpu.memory_space<hbm>> -> memref<10000x128xi32, #tpu.memory_space<hbm>>
    tpu.enqueue_indirect_dma source(%dma_start3A_29 : memref<10000x128xi32, #tpu.memory_space<hbm>>) target(%arg12 : memref<40x128xi32, #tpu.memory_space<vmem>>) offsets(%dma_start3A_26 : memref<40xi32, #tpu.memory_space<vmem>>) semaphore(%arg14 : memref<!tpu.dma_semaphore, #tpu.memory_space<semaphore_mem>>)
    %scan3A = arith.constant 0 : i32
    %scan3A_30 = arith.constant 0 : i32
    %scan3A_31 = arith.constant 62 : i32
    %scan3A_32 = arith.addi %scan3A_30, %scan3A_31 : i32
    %scan3A_33 = arith.constant 1 : i32
    scf.for %scan3A_84 = %scan3A_30 to %scan3A_32 step %scan3A_33  : i32 {
      %mul3A_85 = arith.constant 2 : i32
      %mul3A_86 = arith.muli %mul3A_85, %scan3A_84 : i32
      %add3A_87 = arith.constant 0 : i32
      %add3A_88 = arith.addi %mul3A_86, %add3A_87 : i32
      %dma_wait3A_89 = arith.constant 0 : i32
      %dma_wait3A_90 = arith.constant 0 : i32
      %dma_wait3A_91 = tpu.memref_slice %arg7[%dma_wait3A_89, %dma_wait3A_90] : memref<125x40xi32, #tpu.memory_space<vmem>> -> memref<1x40xi32, #tpu.memory_space<vmem>>
      %dma_wait3A_92 = tpu.memref_squeeze %dma_wait3A_91 : memref<1x40xi32, #tpu.memory_space<vmem>> -> memref<40xi32, #tpu.memory_space<vmem>>
      %dma_wait3A_93 = arith.constant 0 : i32
      %dma_wait3A_94 = arith.constant 0 : i32
      %dma_wait3A_95 = tpu.memref_slice %arg2[%dma_wait3A_93, %dma_wait3A_94] : memref<10000x128xi32, #tpu.memory_space<hbm>> -> memref<10000x128xi32, #tpu.memory_space<hbm>>
      tpu.wait_indirect_dma semaphore(%arg13 : memref<!tpu.dma_semaphore, #tpu.memory_space<semaphore_mem>>) src(%dma_wait3A_95 : memref<10000x128xi32, #tpu.memory_space<hbm>>) dst(%arg9 : memref<40x128xi32, #tpu.memory_space<vmem>>)
      %dma_wait3A_96 = arith.constant 0 : i32
      %dma_wait3A_97 = arith.constant 0 : i32
      %dma_wait3A_98 = tpu.memref_slice %arg8[%dma_wait3A_96, %dma_wait3A_97] : memref<125x40xi32, #tpu.memory_space<vmem>> -> memref<1x40xi32, #tpu.memory_space<vmem>>
      %dma_wait3A_99 = tpu.memref_squeeze %dma_wait3A_98 : memref<1x40xi32, #tpu.memory_space<vmem>> -> memref<40xi32, #tpu.memory_space<vmem>>
      %dma_wait3A_100 = arith.constant 0 : i32
      %dma_wait3A_101 = arith.constant 0 : i32
      %dma_wait3A_102 = tpu.memref_slice %arg2[%dma_wait3A_100, %dma_wait3A_101] : memref<10000x128xi32, #tpu.memory_space<hbm>> -> memref<10000x128xi32, #tpu.memory_space<hbm>>
      tpu.wait_indirect_dma semaphore(%arg13 : memref<!tpu.dma_semaphore, #tpu.memory_space<semaphore_mem>>) src(%dma_wait3A_102 : memref<10000x128xi32, #tpu.memory_space<hbm>>) dst(%arg10 : memref<40x128xi32, #tpu.memory_space<vmem>>)
      %mul3A_103 = arith.constant 40 : i32
      %mul3A_104 = arith.muli %add3A_88, %mul3A_103 : i32
      %add3A_105 = arith.addi %mul3A_2, %mul3A_104 : i32
      %dma_start3A_106 = arith.constant 0 : i32
      %dma_start3A_107 = tpu.memref_slice %arg5[%add3A_105, %dma_start3A_106] : memref<160000x128xi32, #tpu.memory_space<hbm>> -> memref<40x128xi32, #tpu.memory_space<hbm>>
      %dma_start3A_108 = arith.constant 0 : i32
      %dma_start3A_109 = tpu.memref_slice %arg5[%add3A_105, %dma_start3A_108] : memref<160000x128xi32, #tpu.memory_space<hbm>> -> memref<40x128xi32, #tpu.memory_space<hbm>>
      tpu.enqueue_dma source(%arg9 : memref<40x128xi32, #tpu.memory_space<vmem>>) target(%dma_start3A_109 : memref<40x128xi32, #tpu.memory_space<hbm>>) target_semaphore(%arg15 : memref<!tpu.dma_semaphore, #tpu.memory_space<semaphore_mem>>)
      %mul3A_110 = arith.constant 40 : i32
      %mul3A_111 = arith.muli %add3A_88, %mul3A_110 : i32
      %add3A_112 = arith.addi %mul3A_2, %mul3A_111 : i32
      %dma_start3A_113 = arith.constant 0 : i32
      %dma_start3A_114 = tpu.memref_slice %arg6[%add3A_112, %dma_start3A_113] : memref<160000x128xi32, #tpu.memory_space<hbm>> -> memref<40x128xi32, #tpu.memory_space<hbm>>
      %dma_start3A_115 = arith.constant 0 : i32
      %dma_start3A_116 = tpu.memref_slice %arg6[%add3A_112, %dma_start3A_115] : memref<160000x128xi32, #tpu.memory_space<hbm>> -> memref<40x128xi32, #tpu.memory_space<hbm>>
      tpu.enqueue_dma source(%arg10 : memref<40x128xi32, #tpu.memory_space<vmem>>) target(%dma_start3A_116 : memref<40x128xi32, #tpu.memory_space<hbm>>) target_semaphore(%arg15 : memref<!tpu.dma_semaphore, #tpu.memory_space<semaphore_mem>>)
      %add3A_117 = arith.constant 2 : i32
      %add3A_118 = arith.addi %add3A_88, %add3A_117 : i32
      %lt3A = arith.constant 125 : i32
      %lt3A_119 = arith.cmpi slt, %add3A_118, %lt3A : i32
      %convert_element_type3A = arith.extui %lt3A_119 : i1 to i32
      %cond3A = arith.constant 0 : i32
      %cond3A_120 = arith.cmpi ne, %convert_element_type3A, %cond3A : i32
      scf.if %cond3A_120 {
        %dma_wait3A_160 = arith.constant 0 : i32
        %dma_wait3A_161 = arith.constant 0 : i32
        %dma_wait3A_162 = tpu.memref_slice %arg5[%dma_wait3A_160, %dma_wait3A_161] : memref<160000x128xi32, #tpu.memory_space<hbm>> -> memref<40x128xi32, #tpu.memory_space<hbm>>
        %dma_wait3A_163 = arith.constant 0 : i32
        %dma_wait3A_164 = arith.constant 0 : i32
        %dma_wait3A_165 = tpu.memref_slice %arg5[%dma_wait3A_163, %dma_wait3A_164] : memref<160000x128xi32, #tpu.memory_space<hbm>> -> memref<40x128xi32, #tpu.memory_space<hbm>>
        tpu.wait_dma2 semaphore(%arg15 : memref<!tpu.dma_semaphore, #tpu.memory_space<semaphore_mem>>) src(%arg9 : memref<40x128xi32, #tpu.memory_space<vmem>>) dst(%dma_wait3A_165 : memref<40x128xi32, #tpu.memory_space<hbm>>)
        %dma_wait3A_166 = arith.constant 0 : i32
        %dma_wait3A_167 = arith.constant 0 : i32
        %dma_wait3A_168 = tpu.memref_slice %arg6[%dma_wait3A_166, %dma_wait3A_167] : memref<160000x128xi32, #tpu.memory_space<hbm>> -> memref<40x128xi32, #tpu.memory_space<hbm>>
        %dma_wait3A_169 = arith.constant 0 : i32
        %dma_wait3A_170 = arith.constant 0 : i32
        %dma_wait3A_171 = tpu.memref_slice %arg6[%dma_wait3A_169, %dma_wait3A_170] : memref<160000x128xi32, #tpu.memory_space<hbm>> -> memref<40x128xi32, #tpu.memory_space<hbm>>
        tpu.wait_dma2 semaphore(%arg15 : memref<!tpu.dma_semaphore, #tpu.memory_space<semaphore_mem>>) src(%arg10 : memref<40x128xi32, #tpu.memory_space<vmem>>) dst(%dma_wait3A_171 : memref<40x128xi32, #tpu.memory_space<hbm>>)
        %add3A_172 = arith.constant 2 : i32
        %add3A_173 = arith.addi %add3A_88, %add3A_172 : i32
        %dma_start3A_174 = arith.constant 0 : i32
        %dma_start3A_175 = tpu.memref_slice %arg7[%add3A_173, %dma_start3A_174] : memref<125x40xi32, #tpu.memory_space<vmem>> -> memref<1x40xi32, #tpu.memory_space<vmem>>
        %dma_start3A_176 = tpu.memref_squeeze %dma_start3A_175 : memref<1x40xi32, #tpu.memory_space<vmem>> -> memref<40xi32, #tpu.memory_space<vmem>>
        %dma_start3A_177 = arith.constant 0 : i32
        %dma_start3A_178 = arith.constant 0 : i32
        %dma_start3A_179 = tpu.memref_slice %arg2[%dma_start3A_177, %dma_start3A_178] : memref<10000x128xi32, #tpu.memory_space<hbm>> -> memref<10000x128xi32, #tpu.memory_space<hbm>>
        tpu.enqueue_indirect_dma source(%dma_start3A_179 : memref<10000x128xi32, #tpu.memory_space<hbm>>) target(%arg9 : memref<40x128xi32, #tpu.memory_space<vmem>>) offsets(%dma_start3A_176 : memref<40xi32, #tpu.memory_space<vmem>>) semaphore(%arg13 : memref<!tpu.dma_semaphore, #tpu.memory_space<semaphore_mem>>)
        %dma_start3A_180 = arith.constant 0 : i32
        %dma_start3A_181 = tpu.memref_slice %arg8[%add3A_173, %dma_start3A_180] : memref<125x40xi32, #tpu.memory_space<vmem>> -> memref<1x40xi32, #tpu.memory_space<vmem>>
        %dma_start3A_182 = tpu.memref_squeeze %dma_start3A_181 : memref<1x40xi32, #tpu.memory_space<vmem>> -> memref<40xi32, #tpu.memory_space<vmem>>
        %dma_start3A_183 = arith.constant 0 : i32
        %dma_start3A_184 = arith.constant 0 : i32
        %dma_start3A_185 = tpu.memref_slice %arg2[%dma_start3A_183, %dma_start3A_184] : memref<10000x128xi32, #tpu.memory_space<hbm>> -> memref<10000x128xi32, #tpu.memory_space<hbm>>
        tpu.enqueue_indirect_dma source(%dma_start3A_185 : memref<10000x128xi32, #tpu.memory_space<hbm>>) target(%arg10 : memref<40x128xi32, #tpu.memory_space<vmem>>) offsets(%dma_start3A_182 : memref<40xi32, #tpu.memory_space<vmem>>) semaphore(%arg13 : memref<!tpu.dma_semaphore, #tpu.memory_space<semaphore_mem>>)
      } else {
      }
      %mul3A_121 = arith.constant 2 : i32
      %mul3A_122 = arith.muli %mul3A_121, %scan3A_84 : i32
      %add3A_123 = arith.constant 1 : i32
      %add3A_124 = arith.addi %mul3A_122, %add3A_123 : i32
      %dma_wait3A_125 = arith.constant 0 : i32
      %dma_wait3A_126 = arith.constant 0 : i32
      %dma_wait3A_127 = tpu.memref_slice %arg7[%dma_wait3A_125, %dma_wait3A_126] : memref<125x40xi32, #tpu.memory_space<vmem>> -> memref<1x40xi32, #tpu.memory_space<vmem>>
      %dma_wait3A_128 = tpu.memref_squeeze %dma_wait3A_127 : memref<1x40xi32, #tpu.memory_space<vmem>> -> memref<40xi32, #tpu.memory_space<vmem>>
      %dma_wait3A_129 = arith.constant 0 : i32
      %dma_wait3A_130 = arith.constant 0 : i32
      %dma_wait3A_131 = tpu.memref_slice %arg2[%dma_wait3A_129, %dma_wait3A_130] : memref<10000x128xi32, #tpu.memory_space<hbm>> -> memref<10000x128xi32, #tpu.memory_space<hbm>>
      tpu.wait_indirect_dma semaphore(%arg14 : memref<!tpu.dma_semaphore, #tpu.memory_space<semaphore_mem>>) src(%dma_wait3A_131 : memref<10000x128xi32, #tpu.memory_space<hbm>>) dst(%arg11 : memref<40x128xi32, #tpu.memory_space<vmem>>)
      %dma_wait3A_132 = arith.constant 0 : i32
      %dma_wait3A_133 = arith.constant 0 : i32
      %dma_wait3A_134 = tpu.memref_slice %arg8[%dma_wait3A_132, %dma_wait3A_133] : memref<125x40xi32, #tpu.memory_space<vmem>> -> memref<1x40xi32, #tpu.memory_space<vmem>>
      %dma_wait3A_135 = tpu.memref_squeeze %dma_wait3A_134 : memref<1x40xi32, #tpu.memory_space<vmem>> -> memref<40xi32, #tpu.memory_space<vmem>>
      %dma_wait3A_136 = arith.constant 0 : i32
      %dma_wait3A_137 = arith.constant 0 : i32
      %dma_wait3A_138 = tpu.memref_slice %arg2[%dma_wait3A_136, %dma_wait3A_137] : memref<10000x128xi32, #tpu.memory_space<hbm>> -> memref<10000x128xi32, #tpu.memory_space<hbm>>
      tpu.wait_indirect_dma semaphore(%arg14 : memref<!tpu.dma_semaphore, #tpu.memory_space<semaphore_mem>>) src(%dma_wait3A_138 : memref<10000x128xi32, #tpu.memory_space<hbm>>) dst(%arg12 : memref<40x128xi32, #tpu.memory_space<vmem>>)
      %mul3A_139 = arith.constant 40 : i32
      %mul3A_140 = arith.muli %add3A_124, %mul3A_139 : i32
      %add3A_141 = arith.addi %mul3A_2, %mul3A_140 : i32
      %dma_start3A_142 = arith.constant 0 : i32
      %dma_start3A_143 = tpu.memref_slice %arg5[%add3A_141, %dma_start3A_142] : memref<160000x128xi32, #tpu.memory_space<hbm>> -> memref<40x128xi32, #tpu.memory_space<hbm>>
      %dma_start3A_144 = arith.constant 0 : i32
      %dma_start3A_145 = tpu.memref_slice %arg5[%add3A_141, %dma_start3A_144] : memref<160000x128xi32, #tpu.memory_space<hbm>> -> memref<40x128xi32, #tpu.memory_space<hbm>>
      tpu.enqueue_dma source(%arg11 : memref<40x128xi32, #tpu.memory_space<vmem>>) target(%dma_start3A_145 : memref<40x128xi32, #tpu.memory_space<hbm>>) target_semaphore(%arg16 : memref<!tpu.dma_semaphore, #tpu.memory_space<semaphore_mem>>)
      %mul3A_146 = arith.constant 40 : i32
      %mul3A_147 = arith.muli %add3A_124, %mul3A_146 : i32
      %add3A_148 = arith.addi %mul3A_2, %mul3A_147 : i32
      %dma_start3A_149 = arith.constant 0 : i32
      %dma_start3A_150 = tpu.memref_slice %arg6[%add3A_148, %dma_start3A_149] : memref<160000x128xi32, #tpu.memory_space<hbm>> -> memref<40x128xi32, #tpu.memory_space<hbm>>
      %dma_start3A_151 = arith.constant 0 : i32
      %dma_start3A_152 = tpu.memref_slice %arg6[%add3A_148, %dma_start3A_151] : memref<160000x128xi32, #tpu.memory_space<hbm>> -> memref<40x128xi32, #tpu.memory_space<hbm>>
      tpu.enqueue_dma source(%arg12 : memref<40x128xi32, #tpu.memory_space<vmem>>) target(%dma_start3A_152 : memref<40x128xi32, #tpu.memory_space<hbm>>) target_semaphore(%arg16 : memref<!tpu.dma_semaphore, #tpu.memory_space<semaphore_mem>>)
      %add3A_153 = arith.constant 2 : i32
      %add3A_154 = arith.addi %add3A_124, %add3A_153 : i32
      %lt3A_155 = arith.constant 125 : i32
      %lt3A_156 = arith.cmpi slt, %add3A_154, %lt3A_155 : i32
      %convert_element_type3A_157 = arith.extui %lt3A_156 : i1 to i32
      %cond3A_158 = arith.constant 0 : i32
      %cond3A_159 = arith.cmpi ne, %convert_element_type3A_157, %cond3A_158 : i32
      scf.if %cond3A_159 {
        %dma_wait3A_160 = arith.constant 0 : i32
        %dma_wait3A_161 = arith.constant 0 : i32
        %dma_wait3A_162 = tpu.memref_slice %arg5[%dma_wait3A_160, %dma_wait3A_161] : memref<160000x128xi32, #tpu.memory_space<hbm>> -> memref<40x128xi32, #tpu.memory_space<hbm>>
        %dma_wait3A_163 = arith.constant 0 : i32
        %dma_wait3A_164 = arith.constant 0 : i32
        %dma_wait3A_165 = tpu.memref_slice %arg5[%dma_wait3A_163, %dma_wait3A_164] : memref<160000x128xi32, #tpu.memory_space<hbm>> -> memref<40x128xi32, #tpu.memory_space<hbm>>
        tpu.wait_dma2 semaphore(%arg16 : memref<!tpu.dma_semaphore, #tpu.memory_space<semaphore_mem>>) src(%arg11 : memref<40x128xi32, #tpu.memory_space<vmem>>) dst(%dma_wait3A_165 : memref<40x128xi32, #tpu.memory_space<hbm>>)
        %dma_wait3A_166 = arith.constant 0 : i32
        %dma_wait3A_167 = arith.constant 0 : i32
        %dma_wait3A_168 = tpu.memref_slice %arg6[%dma_wait3A_166, %dma_wait3A_167] : memref<160000x128xi32, #tpu.memory_space<hbm>> -> memref<40x128xi32, #tpu.memory_space<hbm>>
        %dma_wait3A_169 = arith.constant 0 : i32
        %dma_wait3A_170 = arith.constant 0 : i32
        %dma_wait3A_171 = tpu.memref_slice %arg6[%dma_wait3A_169, %dma_wait3A_170] : memref<160000x128xi32, #tpu.memory_space<hbm>> -> memref<40x128xi32, #tpu.memory_space<hbm>>
        tpu.wait_dma2 semaphore(%arg16 : memref<!tpu.dma_semaphore, #tpu.memory_space<semaphore_mem>>) src(%arg12 : memref<40x128xi32, #tpu.memory_space<vmem>>) dst(%dma_wait3A_171 : memref<40x128xi32, #tpu.memory_space<hbm>>)
        %add3A_172 = arith.constant 2 : i32
        %add3A_173 = arith.addi %add3A_124, %add3A_172 : i32
        %dma_start3A_174 = arith.constant 0 : i32
        %dma_start3A_175 = tpu.memref_slice %arg7[%add3A_173, %dma_start3A_174] : memref<125x40xi32, #tpu.memory_space<vmem>> -> memref<1x40xi32, #tpu.memory_space<vmem>>
        %dma_start3A_176 = tpu.memref_squeeze %dma_start3A_175 : memref<1x40xi32, #tpu.memory_space<vmem>> -> memref<40xi32, #tpu.memory_space<vmem>>
        %dma_start3A_177 = arith.constant 0 : i32
        %dma_start3A_178 = arith.constant 0 : i32
        %dma_start3A_179 = tpu.memref_slice %arg2[%dma_start3A_177, %dma_start3A_178] : memref<10000x128xi32, #tpu.memory_space<hbm>> -> memref<10000x128xi32, #tpu.memory_space<hbm>>
        tpu.enqueue_indirect_dma source(%dma_start3A_179 : memref<10000x128xi32, #tpu.memory_space<hbm>>) target(%arg11 : memref<40x128xi32, #tpu.memory_space<vmem>>) offsets(%dma_start3A_176 : memref<40xi32, #tpu.memory_space<vmem>>) semaphore(%arg14 : memref<!tpu.dma_semaphore, #tpu.memory_space<semaphore_mem>>)
        %dma_start3A_180 = arith.constant 0 : i32
        %dma_start3A_181 = tpu.memref_slice %arg8[%add3A_173, %dma_start3A_180] : memref<125x40xi32, #tpu.memory_space<vmem>> -> memref<1x40xi32, #tpu.memory_space<vmem>>
        %dma_start3A_182 = tpu.memref_squeeze %dma_start3A_181 : memref<1x40xi32, #tpu.memory_space<vmem>> -> memref<40xi32, #tpu.memory_space<vmem>>
        %dma_start3A_183 = arith.constant 0 : i32
        %dma_start3A_184 = arith.constant 0 : i32
        %dma_start3A_185 = tpu.memref_slice %arg2[%dma_start3A_183, %dma_start3A_184] : memref<10000x128xi32, #tpu.memory_space<hbm>> -> memref<10000x128xi32, #tpu.memory_space<hbm>>
        tpu.enqueue_indirect_dma source(%dma_start3A_185 : memref<10000x128xi32, #tpu.memory_space<hbm>>) target(%arg12 : memref<40x128xi32, #tpu.memory_space<vmem>>) offsets(%dma_start3A_182 : memref<40xi32, #tpu.memory_space<vmem>>) semaphore(%arg14 : memref<!tpu.dma_semaphore, #tpu.memory_space<semaphore_mem>>)
      } else {
      }
    }
    %scan3A_34 = arith.constant 62 : i32
    %dma_wait3A = arith.constant 0 : i32
    %dma_wait3A_35 = arith.constant 0 : i32
    %dma_wait3A_36 = tpu.memref_slice %arg7[%dma_wait3A, %dma_wait3A_35] : memref<125x40xi32, #tpu.memory_space<vmem>> -> memref<1x40xi32, #tpu.memory_space<vmem>>
    %dma_wait3A_37 = tpu.memref_squeeze %dma_wait3A_36 : memref<1x40xi32, #tpu.memory_space<vmem>> -> memref<40xi32, #tpu.memory_space<vmem>>
    %dma_wait3A_38 = arith.constant 0 : i32
    %dma_wait3A_39 = arith.constant 0 : i32
    %dma_wait3A_40 = tpu.memref_slice %arg2[%dma_wait3A_38, %dma_wait3A_39] : memref<10000x128xi32, #tpu.memory_space<hbm>> -> memref<10000x128xi32, #tpu.memory_space<hbm>>
    tpu.wait_indirect_dma semaphore(%arg13 : memref<!tpu.dma_semaphore, #tpu.memory_space<semaphore_mem>>) src(%dma_wait3A_40 : memref<10000x128xi32, #tpu.memory_space<hbm>>) dst(%arg9 : memref<40x128xi32, #tpu.memory_space<vmem>>)
    %dma_wait3A_41 = arith.constant 0 : i32
    %dma_wait3A_42 = arith.constant 0 : i32
    %dma_wait3A_43 = tpu.memref_slice %arg8[%dma_wait3A_41, %dma_wait3A_42] : memref<125x40xi32, #tpu.memory_space<vmem>> -> memref<1x40xi32, #tpu.memory_space<vmem>>
    %dma_wait3A_44 = tpu.memref_squeeze %dma_wait3A_43 : memref<1x40xi32, #tpu.memory_space<vmem>> -> memref<40xi32, #tpu.memory_space<vmem>>
    %dma_wait3A_45 = arith.constant 0 : i32
    %dma_wait3A_46 = arith.constant 0 : i32
    %dma_wait3A_47 = tpu.memref_slice %arg2[%dma_wait3A_45, %dma_wait3A_46] : memref<10000x128xi32, #tpu.memory_space<hbm>> -> memref<10000x128xi32, #tpu.memory_space<hbm>>
    tpu.wait_indirect_dma semaphore(%arg13 : memref<!tpu.dma_semaphore, #tpu.memory_space<semaphore_mem>>) src(%dma_wait3A_47 : memref<10000x128xi32, #tpu.memory_space<hbm>>) dst(%arg10 : memref<40x128xi32, #tpu.memory_space<vmem>>)
    %add3A_48 = arith.constant 4960 : i32
    %add3A_49 = arith.addi %mul3A_2, %add3A_48 : i32
    %dma_start3A_50 = arith.constant 0 : i32
    %dma_start3A_51 = tpu.memref_slice %arg5[%add3A_49, %dma_start3A_50] : memref<160000x128xi32, #tpu.memory_space<hbm>> -> memref<40x128xi32, #tpu.memory_space<hbm>>
    %dma_start3A_52 = arith.constant 0 : i32
    %dma_start3A_53 = tpu.memref_slice %arg5[%add3A_49, %dma_start3A_52] : memref<160000x128xi32, #tpu.memory_space<hbm>> -> memref<40x128xi32, #tpu.memory_space<hbm>>
    tpu.enqueue_dma source(%arg9 : memref<40x128xi32, #tpu.memory_space<vmem>>) target(%dma_start3A_53 : memref<40x128xi32, #tpu.memory_space<hbm>>) target_semaphore(%arg15 : memref<!tpu.dma_semaphore, #tpu.memory_space<semaphore_mem>>)
    %add3A_54 = arith.constant 4960 : i32
    %add3A_55 = arith.addi %mul3A_2, %add3A_54 : i32
    %dma_start3A_56 = arith.constant 0 : i32
    %dma_start3A_57 = tpu.memref_slice %arg6[%add3A_55, %dma_start3A_56] : memref<160000x128xi32, #tpu.memory_space<hbm>> -> memref<40x128xi32, #tpu.memory_space<hbm>>
    %dma_start3A_58 = arith.constant 0 : i32
    %dma_start3A_59 = tpu.memref_slice %arg6[%add3A_55, %dma_start3A_58] : memref<160000x128xi32, #tpu.memory_space<hbm>> -> memref<40x128xi32, #tpu.memory_space<hbm>>
    tpu.enqueue_dma source(%arg10 : memref<40x128xi32, #tpu.memory_space<vmem>>) target(%dma_start3A_59 : memref<40x128xi32, #tpu.memory_space<hbm>>) target_semaphore(%arg15 : memref<!tpu.dma_semaphore, #tpu.memory_space<semaphore_mem>>)
    %dma_wait3A_60 = arith.constant 0 : i32
    %dma_wait3A_61 = arith.constant 0 : i32
    %dma_wait3A_62 = tpu.memref_slice %arg5[%dma_wait3A_60, %dma_wait3A_61] : memref<160000x128xi32, #tpu.memory_space<hbm>> -> memref<40x128xi32, #tpu.memory_space<hbm>>
    %dma_wait3A_63 = arith.constant 0 : i32
    %dma_wait3A_64 = arith.constant 0 : i32
    %dma_wait3A_65 = tpu.memref_slice %arg5[%dma_wait3A_63, %dma_wait3A_64] : memref<160000x128xi32, #tpu.memory_space<hbm>> -> memref<40x128xi32, #tpu.memory_space<hbm>>
    tpu.wait_dma2 semaphore(%arg15 : memref<!tpu.dma_semaphore, #tpu.memory_space<semaphore_mem>>) src(%arg9 : memref<40x128xi32, #tpu.memory_space<vmem>>) dst(%dma_wait3A_65 : memref<40x128xi32, #tpu.memory_space<hbm>>)
    %dma_wait3A_66 = arith.constant 0 : i32
    %dma_wait3A_67 = arith.constant 0 : i32
    %dma_wait3A_68 = tpu.memref_slice %arg6[%dma_wait3A_66, %dma_wait3A_67] : memref<160000x128xi32, #tpu.memory_space<hbm>> -> memref<40x128xi32, #tpu.memory_space<hbm>>
    %dma_wait3A_69 = arith.constant 0 : i32
    %dma_wait3A_70 = arith.constant 0 : i32
    %dma_wait3A_71 = tpu.memref_slice %arg6[%dma_wait3A_69, %dma_wait3A_70] : memref<160000x128xi32, #tpu.memory_space<hbm>> -> memref<40x128xi32, #tpu.memory_space<hbm>>
    tpu.wait_dma2 semaphore(%arg15 : memref<!tpu.dma_semaphore, #tpu.memory_space<semaphore_mem>>) src(%arg10 : memref<40x128xi32, #tpu.memory_space<vmem>>) dst(%dma_wait3A_71 : memref<40x128xi32, #tpu.memory_space<hbm>>)
    %dma_wait3A_72 = arith.constant 0 : i32
    %dma_wait3A_73 = arith.constant 0 : i32
    %dma_wait3A_74 = tpu.memref_slice %arg5[%dma_wait3A_72, %dma_wait3A_73] : memref<160000x128xi32, #tpu.memory_space<hbm>> -> memref<40x128xi32, #tpu.memory_space<hbm>>
    %dma_wait3A_75 = arith.constant 0 : i32
    %dma_wait3A_76 = arith.constant 0 : i32
    %dma_wait3A_77 = tpu.memref_slice %arg5[%dma_wait3A_75, %dma_wait3A_76] : memref<160000x128xi32, #tpu.memory_space<hbm>> -> memref<40x128xi32, #tpu.memory_space<hbm>>
    tpu.wait_dma2 semaphore(%arg16 : memref<!tpu.dma_semaphore, #tpu.memory_space<semaphore_mem>>) src(%arg11 : memref<40x128xi32, #tpu.memory_space<vmem>>) dst(%dma_wait3A_77 : memref<40x128xi32, #tpu.memory_space<hbm>>)
    %dma_wait3A_78 = arith.constant 0 : i32
    %dma_wait3A_79 = arith.constant 0 : i32
    %dma_wait3A_80 = tpu.memref_slice %arg6[%dma_wait3A_78, %dma_wait3A_79] : memref<160000x128xi32, #tpu.memory_space<hbm>> -> memref<40x128xi32, #tpu.memory_space<hbm>>
    %dma_wait3A_81 = arith.constant 0 : i32
    %dma_wait3A_82 = arith.constant 0 : i32
    %dma_wait3A_83 = tpu.memref_slice %arg6[%dma_wait3A_81, %dma_wait3A_82] : memref<160000x128xi32, #tpu.memory_space<hbm>> -> memref<40x128xi32, #tpu.memory_space<hbm>>
    tpu.wait_dma2 semaphore(%arg16 : memref<!tpu.dma_semaphore, #tpu.memory_space<semaphore_mem>>) src(%arg12 : memref<40x128xi32, #tpu.memory_space<vmem>>) dst(%dma_wait3A_83 : memref<40x128xi32, #tpu.memory_space<hbm>>)
    return
  }
}

#map = affine_map<(d0, d1) -> (0, 0)>
#map1 = affine_map<(d0, d1) -> (0, 0, 0)>
module attributes {stable_mosaic.version = 14 : i64} {
  func.func @k(%arg0: i32, %arg1: i32, %arg2: memref<10000x128xi32, #tpu.memory_space<hbm>>, %arg3: memref<32x125x40xi32, #tpu.memory_space<hbm>>, %arg4: memref<32x125x40xi32, #tpu.memory_space<hbm>>, %arg5: memref<160000x128xi32, #tpu.memory_space<hbm>>, %arg6: memref<160000x128xi32, #tpu.memory_space<hbm>>, %arg7: memref<125x40xi32, #tpu.memory_space<vmem>>, %arg8: memref<125x40xi32, #tpu.memory_space<vmem>>, %arg9: memref<40x128xi32, #tpu.memory_space<vmem>>, %arg10: memref<40x128xi32, #tpu.memory_space<vmem>>, %arg11: memref<40x128xi32, #tpu.memory_space<vmem>>, %arg12: memref<40x128xi32, #tpu.memory_space<vmem>>, %arg13: memref<!tpu.dma_semaphore, #tpu.memory_space<semaphore_mem>>, %arg14: memref<!tpu.dma_semaphore, #tpu.memory_space<semaphore_mem>>, %arg15: memref<!tpu.dma_semaphore, #tpu.memory_space<semaphore_mem>>, %arg16: memref<!tpu.dma_semaphore, #tpu.memory_space<semaphore_mem>>) attributes {dimension_semantics = [#tpu.dimension_semantics<core_parallel>, #tpu.dimension_semantics<subcore_parallel>], iteration_bounds = array<i64: 2, 16>, scalar_prefetch = 0 : i64, scratch_operands = 10 : i64, tpu.core_type = #tpu.core_type<sc_vector_subcore>, window_params = [{transform_indices = #map}, {transform_indices = #map1}, {transform_indices = #map1}, {transform_indices = #map}, {transform_indices = #map}]} {
    %mul3A = arith.constant 2 : i32
    %mul3A_0 = arith.muli %arg1, %mul3A : i32
    %add3A = arith.addi %mul3A_0, %arg0 : i32
    %mul3A_1 = arith.constant 5000 : i32
    %mul3A_2 = arith.muli %add3A, %mul3A_1 : i32
    "tpu.region"() ({
      %run_scoped3A = tpu.sem_alloc : memref<!tpu.dma_semaphore, #tpu.memory_space<semaphore_mem>>
      %dma_start3A_84 = arith.constant 0 : i32
      %dma_start3A_85 = arith.constant 0 : i32
      %dma_start3A_86 = tpu.memref_slice %arg3[%add3A, %dma_start3A_84, %dma_start3A_85] : memref<32x125x40xi32, #tpu.memory_space<hbm>> -> memref<1x125x40xi32, #tpu.memory_space<hbm>>
      %dma_start3A_87 = tpu.memref_squeeze %dma_start3A_86 : memref<1x125x40xi32, #tpu.memory_space<hbm>> -> memref<125x40xi32, #tpu.memory_space<hbm>>
      %dma_start3A_88 = arith.constant 0 : i32
      %dma_start3A_89 = arith.constant 0 : i32
      %dma_start3A_90 = tpu.memref_slice %arg3[%add3A, %dma_start3A_88, %dma_start3A_89] : memref<32x125x40xi32, #tpu.memory_space<hbm>> -> memref<1x125x40xi32, #tpu.memory_space<hbm>>
      %dma_start3A_91 = tpu.memref_squeeze %dma_start3A_90 : memref<1x125x40xi32, #tpu.memory_space<hbm>> -> memref<125x40xi32, #tpu.memory_space<hbm>>
      tpu.enqueue_dma source(%dma_start3A_91 : memref<125x40xi32, #tpu.memory_space<hbm>>) target(%arg7 : memref<125x40xi32, #tpu.memory_space<vmem>>) target_semaphore(%run_scoped3A : memref<!tpu.dma_semaphore, #tpu.memory_space<semaphore_mem>>)
      %dma_wait3A_92 = arith.constant 0 : i32
      %dma_wait3A_93 = arith.constant 0 : i32
      %dma_wait3A_94 = tpu.memref_slice %arg3[%add3A, %dma_wait3A_92, %dma_wait3A_93] : memref<32x125x40xi32, #tpu.memory_space<hbm>> -> memref<1x125x40xi32, #tpu.memory_space<hbm>>
      %dma_wait3A_95 = tpu.memref_squeeze %dma_wait3A_94 : memref<1x125x40xi32, #tpu.memory_space<hbm>> -> memref<125x40xi32, #tpu.memory_space<hbm>>
      %dma_wait3A_96 = arith.constant 0 : i32
      %dma_wait3A_97 = arith.constant 0 : i32
      %dma_wait3A_98 = tpu.memref_slice %arg3[%add3A, %dma_wait3A_96, %dma_wait3A_97] : memref<32x125x40xi32, #tpu.memory_space<hbm>> -> memref<1x125x40xi32, #tpu.memory_space<hbm>>
      %dma_wait3A_99 = tpu.memref_squeeze %dma_wait3A_98 : memref<1x125x40xi32, #tpu.memory_space<hbm>> -> memref<125x40xi32, #tpu.memory_space<hbm>>
      tpu.wait_dma2 semaphore(%run_scoped3A : memref<!tpu.dma_semaphore, #tpu.memory_space<semaphore_mem>>) src(%dma_wait3A_99 : memref<125x40xi32, #tpu.memory_space<hbm>>) dst(%arg7 : memref<125x40xi32, #tpu.memory_space<vmem>>)
      tpu.yield
    }) : () -> ()
    "tpu.region"() ({
      %run_scoped3A = tpu.sem_alloc : memref<!tpu.dma_semaphore, #tpu.memory_space<semaphore_mem>>
      %dma_start3A_84 = arith.constant 0 : i32
      %dma_start3A_85 = arith.constant 0 : i32
      %dma_start3A_86 = tpu.memref_slice %arg4[%add3A, %dma_start3A_84, %dma_start3A_85] : memref<32x125x40xi32, #tpu.memory_space<hbm>> -> memref<1x125x40xi32, #tpu.memory_space<hbm>>
      %dma_start3A_87 = tpu.memref_squeeze %dma_start3A_86 : memref<1x125x40xi32, #tpu.memory_space<hbm>> -> memref<125x40xi32, #tpu.memory_space<hbm>>
      %dma_start3A_88 = arith.constant 0 : i32
      %dma_start3A_89 = arith.constant 0 : i32
      %dma_start3A_90 = tpu.memref_slice %arg4[%add3A, %dma_start3A_88, %dma_start3A_89] : memref<32x125x40xi32, #tpu.memory_space<hbm>> -> memref<1x125x40xi32, #tpu.memory_space<hbm>>
      %dma_start3A_91 = tpu.memref_squeeze %dma_start3A_90 : memref<1x125x40xi32, #tpu.memory_space<hbm>> -> memref<125x40xi32, #tpu.memory_space<hbm>>
      tpu.enqueue_dma source(%dma_start3A_91 : memref<125x40xi32, #tpu.memory_space<hbm>>) target(%arg8 : memref<125x40xi32, #tpu.memory_space<vmem>>) target_semaphore(%run_scoped3A : memref<!tpu.dma_semaphore, #tpu.memory_space<semaphore_mem>>)
      %dma_wait3A_92 = arith.constant 0 : i32
      %dma_wait3A_93 = arith.constant 0 : i32
      %dma_wait3A_94 = tpu.memref_slice %arg4[%add3A, %dma_wait3A_92, %dma_wait3A_93] : memref<32x125x40xi32, #tpu.memory_space<hbm>> -> memref<1x125x40xi32, #tpu.memory_space<hbm>>
      %dma_wait3A_95 = tpu.memref_squeeze %dma_wait3A_94 : memref<1x125x40xi32, #tpu.memory_space<hbm>> -> memref<125x40xi32, #tpu.memory_space<hbm>>
      %dma_wait3A_96 = arith.constant 0 : i32
      %dma_wait3A_97 = arith.constant 0 : i32
      %dma_wait3A_98 = tpu.memref_slice %arg4[%add3A, %dma_wait3A_96, %dma_wait3A_97] : memref<32x125x40xi32, #tpu.memory_space<hbm>> -> memref<1x125x40xi32, #tpu.memory_space<hbm>>
      %dma_wait3A_99 = tpu.memref_squeeze %dma_wait3A_98 : memref<1x125x40xi32, #tpu.memory_space<hbm>> -> memref<125x40xi32, #tpu.memory_space<hbm>>
      tpu.wait_dma2 semaphore(%run_scoped3A : memref<!tpu.dma_semaphore, #tpu.memory_space<semaphore_mem>>) src(%dma_wait3A_99 : memref<125x40xi32, #tpu.memory_space<hbm>>) dst(%arg8 : memref<125x40xi32, #tpu.memory_space<vmem>>)
      tpu.yield
    }) : () -> ()
    %dma_start3A = arith.constant 0 : i32
    %dma_start3A_3 = arith.constant 0 : i32
    %dma_start3A_4 = tpu.memref_slice %arg7[%dma_start3A, %dma_start3A_3] : memref<125x40xi32, #tpu.memory_space<vmem>> -> memref<1x40xi32, #tpu.memory_space<vmem>>
    %dma_start3A_5 = tpu.memref_squeeze %dma_start3A_4 : memref<1x40xi32, #tpu.memory_space<vmem>> -> memref<40xi32, #tpu.memory_space<vmem>>
    %dma_start3A_6 = arith.constant 0 : i32
    %dma_start3A_7 = arith.constant 0 : i32
    %dma_start3A_8 = tpu.memref_slice %arg2[%dma_start3A_6, %dma_start3A_7] : memref<10000x128xi32, #tpu.memory_space<hbm>> -> memref<10000x128xi32, #tpu.memory_space<hbm>>
    tpu.enqueue_indirect_dma source(%dma_start3A_8 : memref<10000x128xi32, #tpu.memory_space<hbm>>) target(%arg9 : memref<40x128xi32, #tpu.memory_space<vmem>>) offsets(%dma_start3A_5 : memref<40xi32, #tpu.memory_space<vmem>>) semaphore(%arg13 : memref<!tpu.dma_semaphore, #tpu.memory_space<semaphore_mem>>)
    %dma_start3A_9 = arith.constant 0 : i32
    %dma_start3A_10 = arith.constant 0 : i32
    %dma_start3A_11 = tpu.memref_slice %arg8[%dma_start3A_9, %dma_start3A_10] : memref<125x40xi32, #tpu.memory_space<vmem>> -> memref<1x40xi32, #tpu.memory_space<vmem>>
    %dma_start3A_12 = tpu.memref_squeeze %dma_start3A_11 : memref<1x40xi32, #tpu.memory_space<vmem>> -> memref<40xi32, #tpu.memory_space<vmem>>
    %dma_start3A_13 = arith.constant 0 : i32
    %dma_start3A_14 = arith.constant 0 : i32
    %dma_start3A_15 = tpu.memref_slice %arg2[%dma_start3A_13, %dma_start3A_14] : memref<10000x128xi32, #tpu.memory_space<hbm>> -> memref<10000x128xi32, #tpu.memory_space<hbm>>
    tpu.enqueue_indirect_dma source(%dma_start3A_15 : memref<10000x128xi32, #tpu.memory_space<hbm>>) target(%arg10 : memref<40x128xi32, #tpu.memory_space<vmem>>) offsets(%dma_start3A_12 : memref<40xi32, #tpu.memory_space<vmem>>) semaphore(%arg13 : memref<!tpu.dma_semaphore, #tpu.memory_space<semaphore_mem>>)
    %dma_start3A_16 = arith.constant 1 : i32
    %dma_start3A_17 = arith.constant 0 : i32
    %dma_start3A_18 = tpu.memref_slice %arg7[%dma_start3A_16, %dma_start3A_17] : memref<125x40xi32, #tpu.memory_space<vmem>> -> memref<1x40xi32, #tpu.memory_space<vmem>>
    %dma_start3A_19 = tpu.memref_squeeze %dma_start3A_18 : memref<1x40xi32, #tpu.memory_space<vmem>> -> memref<40xi32, #tpu.memory_space<vmem>>
    %dma_start3A_20 = arith.constant 0 : i32
    %dma_start3A_21 = arith.constant 0 : i32
    %dma_start3A_22 = tpu.memref_slice %arg2[%dma_start3A_20, %dma_start3A_21] : memref<10000x128xi32, #tpu.memory_space<hbm>> -> memref<10000x128xi32, #tpu.memory_space<hbm>>
    tpu.enqueue_indirect_dma source(%dma_start3A_22 : memref<10000x128xi32, #tpu.memory_space<hbm>>) target(%arg11 : memref<40x128xi32, #tpu.memory_space<vmem>>) offsets(%dma_start3A_19 : memref<40xi32, #tpu.memory_space<vmem>>) semaphore(%arg14 : memref<!tpu.dma_semaphore, #tpu.memory_space<semaphore_mem>>)
    %dma_start3A_23 = arith.constant 1 : i32
    %dma_start3A_24 = arith.constant 0 : i32
    %dma_start3A_25 = tpu.memref_slice %arg8[%dma_start3A_23, %dma_start3A_24] : memref<125x40xi32, #tpu.memory_space<vmem>> -> memref<1x40xi32, #tpu.memory_space<vmem>>
    %dma_start3A_26 = tpu.memref_squeeze %dma_start3A_25 : memref<1x40xi32, #tpu.memory_space<vmem>> -> memref<40xi32, #tpu.memory_space<vmem>>
    %dma_start3A_27 = arith.constant 0 : i32
    %dma_start3A_28 = arith.constant 0 : i32
    %dma_start3A_29 = tpu.memref_slice %arg2[%dma_start3A_27, %dma_start3A_28] : memref<10000x128xi32, #tpu.memory_space<hbm>> -> memref<10000x128xi32, #tpu.memory_space<hbm>>
    tpu.enqueue_indirect_dma source(%dma_start3A_29 : memref<10000x128xi32, #tpu.memory_space<hbm>>) target(%arg12 : memref<40x128xi32, #tpu.memory_space<vmem>>) offsets(%dma_start3A_26 : memref<40xi32, #tpu.memory_space<vmem>>) semaphore(%arg14 : memref<!tpu.dma_semaphore, #tpu.memory_space<semaphore_mem>>)
    %scan3A = arith.constant 0 : i32
    %scan3A_30 = arith.constant 0 : i32
    %scan3A_31 = arith.constant 62 : i32
    %scan3A_32 = arith.addi %scan3A_30, %scan3A_31 : i32
    %scan3A_33 = arith.constant 1 : i32
    scf.for %scan3A_84 = %scan3A_30 to %scan3A_32 step %scan3A_33  : i32 {
      %mul3A_85 = arith.constant 2 : i32
      %mul3A_86 = arith.muli %mul3A_85, %scan3A_84 : i32
      %add3A_87 = arith.constant 0 : i32
      %add3A_88 = arith.addi %mul3A_86, %add3A_87 : i32
      %dma_wait3A_89 = arith.constant 0 : i32
      %dma_wait3A_90 = arith.constant 0 : i32
      %dma_wait3A_91 = tpu.memref_slice %arg7[%dma_wait3A_89, %dma_wait3A_90] : memref<125x40xi32, #tpu.memory_space<vmem>> -> memref<1x40xi32, #tpu.memory_space<vmem>>
      %dma_wait3A_92 = tpu.memref_squeeze %dma_wait3A_91 : memref<1x40xi32, #tpu.memory_space<vmem>> -> memref<40xi32, #tpu.memory_space<vmem>>
      %dma_wait3A_93 = arith.constant 0 : i32
      %dma_wait3A_94 = arith.constant 0 : i32
      %dma_wait3A_95 = tpu.memref_slice %arg2[%dma_wait3A_93, %dma_wait3A_94] : memref<10000x128xi32, #tpu.memory_space<hbm>> -> memref<10000x128xi32, #tpu.memory_space<hbm>>
      tpu.wait_indirect_dma semaphore(%arg13 : memref<!tpu.dma_semaphore, #tpu.memory_space<semaphore_mem>>) src(%dma_wait3A_95 : memref<10000x128xi32, #tpu.memory_space<hbm>>) dst(%arg9 : memref<40x128xi32, #tpu.memory_space<vmem>>)
      %dma_wait3A_96 = arith.constant 0 : i32
      %dma_wait3A_97 = arith.constant 0 : i32
      %dma_wait3A_98 = tpu.memref_slice %arg8[%dma_wait3A_96, %dma_wait3A_97] : memref<125x40xi32, #tpu.memory_space<vmem>> -> memref<1x40xi32, #tpu.memory_space<vmem>>
      %dma_wait3A_99 = tpu.memref_squeeze %dma_wait3A_98 : memref<1x40xi32, #tpu.memory_space<vmem>> -> memref<40xi32, #tpu.memory_space<vmem>>
      %dma_wait3A_100 = arith.constant 0 : i32
      %dma_wait3A_101 = arith.constant 0 : i32
      %dma_wait3A_102 = tpu.memref_slice %arg2[%dma_wait3A_100, %dma_wait3A_101] : memref<10000x128xi32, #tpu.memory_space<hbm>> -> memref<10000x128xi32, #tpu.memory_space<hbm>>
      tpu.wait_indirect_dma semaphore(%arg13 : memref<!tpu.dma_semaphore, #tpu.memory_space<semaphore_mem>>) src(%dma_wait3A_102 : memref<10000x128xi32, #tpu.memory_space<hbm>>) dst(%arg10 : memref<40x128xi32, #tpu.memory_space<vmem>>)
      %mul3A_103 = arith.constant 40 : i32
      %mul3A_104 = arith.muli %add3A_88, %mul3A_103 : i32
      %add3A_105 = arith.addi %mul3A_2, %mul3A_104 : i32
      %dma_start3A_106 = arith.constant 0 : i32
      %dma_start3A_107 = tpu.memref_slice %arg5[%add3A_105, %dma_start3A_106] : memref<160000x128xi32, #tpu.memory_space<hbm>> -> memref<40x128xi32, #tpu.memory_space<hbm>>
      %dma_start3A_108 = arith.constant 0 : i32
      %dma_start3A_109 = tpu.memref_slice %arg5[%add3A_105, %dma_start3A_108] : memref<160000x128xi32, #tpu.memory_space<hbm>> -> memref<40x128xi32, #tpu.memory_space<hbm>>
      tpu.enqueue_dma source(%arg9 : memref<40x128xi32, #tpu.memory_space<vmem>>) target(%dma_start3A_109 : memref<40x128xi32, #tpu.memory_space<hbm>>) target_semaphore(%arg15 : memref<!tpu.dma_semaphore, #tpu.memory_space<semaphore_mem>>)
      %mul3A_110 = arith.constant 40 : i32
      %mul3A_111 = arith.muli %add3A_88, %mul3A_110 : i32
      %add3A_112 = arith.addi %mul3A_2, %mul3A_111 : i32
      %dma_start3A_113 = arith.constant 0 : i32
      %dma_start3A_114 = tpu.memref_slice %arg6[%add3A_112, %dma_start3A_113] : memref<160000x128xi32, #tpu.memory_space<hbm>> -> memref<40x128xi32, #tpu.memory_space<hbm>>
      %dma_start3A_115 = arith.constant 0 : i32
      %dma_start3A_116 = tpu.memref_slice %arg6[%add3A_112, %dma_start3A_115] : memref<160000x128xi32, #tpu.memory_space<hbm>> -> memref<40x128xi32, #tpu.memory_space<hbm>>
      tpu.enqueue_dma source(%arg10 : memref<40x128xi32, #tpu.memory_space<vmem>>) target(%dma_start3A_116 : memref<40x128xi32, #tpu.memory_space<hbm>>) target_semaphore(%arg15 : memref<!tpu.dma_semaphore, #tpu.memory_space<semaphore_mem>>)
      %add3A_117 = arith.constant 2 : i32
      %add3A_118 = arith.addi %add3A_88, %add3A_117 : i32
      %lt3A = arith.constant 125 : i32
      %lt3A_119 = arith.cmpi slt, %add3A_118, %lt3A : i32
      %convert_element_type3A = arith.extui %lt3A_119 : i1 to i32
      %cond3A = arith.constant 0 : i32
      %cond3A_120 = arith.cmpi ne, %convert_element_type3A, %cond3A : i32
      scf.if %cond3A_120 {
        %dma_wait3A_160 = arith.constant 0 : i32
        %dma_wait3A_161 = arith.constant 0 : i32
        %dma_wait3A_162 = tpu.memref_slice %arg5[%dma_wait3A_160, %dma_wait3A_161] : memref<160000x128xi32, #tpu.memory_space<hbm>> -> memref<40x128xi32, #tpu.memory_space<hbm>>
        %dma_wait3A_163 = arith.constant 0 : i32
        %dma_wait3A_164 = arith.constant 0 : i32
        %dma_wait3A_165 = tpu.memref_slice %arg5[%dma_wait3A_163, %dma_wait3A_164] : memref<160000x128xi32, #tpu.memory_space<hbm>> -> memref<40x128xi32, #tpu.memory_space<hbm>>
        tpu.wait_dma2 semaphore(%arg15 : memref<!tpu.dma_semaphore, #tpu.memory_space<semaphore_mem>>) src(%arg9 : memref<40x128xi32, #tpu.memory_space<vmem>>) dst(%dma_wait3A_165 : memref<40x128xi32, #tpu.memory_space<hbm>>)
        %dma_wait3A_166 = arith.constant 0 : i32
        %dma_wait3A_167 = arith.constant 0 : i32
        %dma_wait3A_168 = tpu.memref_slice %arg6[%dma_wait3A_166, %dma_wait3A_167] : memref<160000x128xi32, #tpu.memory_space<hbm>> -> memref<40x128xi32, #tpu.memory_space<hbm>>
        %dma_wait3A_169 = arith.constant 0 : i32
        %dma_wait3A_170 = arith.constant 0 : i32
        %dma_wait3A_171 = tpu.memref_slice %arg6[%dma_wait3A_169, %dma_wait3A_170] : memref<160000x128xi32, #tpu.memory_space<hbm>> -> memref<40x128xi32, #tpu.memory_space<hbm>>
        tpu.wait_dma2 semaphore(%arg15 : memref<!tpu.dma_semaphore, #tpu.memory_space<semaphore_mem>>) src(%arg10 : memref<40x128xi32, #tpu.memory_space<vmem>>) dst(%dma_wait3A_171 : memref<40x128xi32, #tpu.memory_space<hbm>>)
        %add3A_172 = arith.constant 2 : i32
        %add3A_173 = arith.addi %add3A_88, %add3A_172 : i32
        %dma_start3A_174 = arith.constant 0 : i32
        %dma_start3A_175 = tpu.memref_slice %arg7[%add3A_173, %dma_start3A_174] : memref<125x40xi32, #tpu.memory_space<vmem>> -> memref<1x40xi32, #tpu.memory_space<vmem>>
        %dma_start3A_176 = tpu.memref_squeeze %dma_start3A_175 : memref<1x40xi32, #tpu.memory_space<vmem>> -> memref<40xi32, #tpu.memory_space<vmem>>
        %dma_start3A_177 = arith.constant 0 : i32
        %dma_start3A_178 = arith.constant 0 : i32
        %dma_start3A_179 = tpu.memref_slice %arg2[%dma_start3A_177, %dma_start3A_178] : memref<10000x128xi32, #tpu.memory_space<hbm>> -> memref<10000x128xi32, #tpu.memory_space<hbm>>
        tpu.enqueue_indirect_dma source(%dma_start3A_179 : memref<10000x128xi32, #tpu.memory_space<hbm>>) target(%arg9 : memref<40x128xi32, #tpu.memory_space<vmem>>) offsets(%dma_start3A_176 : memref<40xi32, #tpu.memory_space<vmem>>) semaphore(%arg13 : memref<!tpu.dma_semaphore, #tpu.memory_space<semaphore_mem>>)
        %dma_start3A_180 = arith.constant 0 : i32
        %dma_start3A_181 = tpu.memref_slice %arg8[%add3A_173, %dma_start3A_180] : memref<125x40xi32, #tpu.memory_space<vmem>> -> memref<1x40xi32, #tpu.memory_space<vmem>>
        %dma_start3A_182 = tpu.memref_squeeze %dma_start3A_181 : memref<1x40xi32, #tpu.memory_space<vmem>> -> memref<40xi32, #tpu.memory_space<vmem>>
        %dma_start3A_183 = arith.constant 0 : i32
        %dma_start3A_184 = arith.constant 0 : i32
        %dma_start3A_185 = tpu.memref_slice %arg2[%dma_start3A_183, %dma_start3A_184] : memref<10000x128xi32, #tpu.memory_space<hbm>> -> memref<10000x128xi32, #tpu.memory_space<hbm>>
        tpu.enqueue_indirect_dma source(%dma_start3A_185 : memref<10000x128xi32, #tpu.memory_space<hbm>>) target(%arg10 : memref<40x128xi32, #tpu.memory_space<vmem>>) offsets(%dma_start3A_182 : memref<40xi32, #tpu.memory_space<vmem>>) semaphore(%arg13 : memref<!tpu.dma_semaphore, #tpu.memory_space<semaphore_mem>>)
      } else {
      }
      %mul3A_121 = arith.constant 2 : i32
      %mul3A_122 = arith.muli %mul3A_121, %scan3A_84 : i32
      %add3A_123 = arith.constant 1 : i32
      %add3A_124 = arith.addi %mul3A_122, %add3A_123 : i32
      %dma_wait3A_125 = arith.constant 0 : i32
      %dma_wait3A_126 = arith.constant 0 : i32
      %dma_wait3A_127 = tpu.memref_slice %arg7[%dma_wait3A_125, %dma_wait3A_126] : memref<125x40xi32, #tpu.memory_space<vmem>> -> memref<1x40xi32, #tpu.memory_space<vmem>>
      %dma_wait3A_128 = tpu.memref_squeeze %dma_wait3A_127 : memref<1x40xi32, #tpu.memory_space<vmem>> -> memref<40xi32, #tpu.memory_space<vmem>>
      %dma_wait3A_129 = arith.constant 0 : i32
      %dma_wait3A_130 = arith.constant 0 : i32
      %dma_wait3A_131 = tpu.memref_slice %arg2[%dma_wait3A_129, %dma_wait3A_130] : memref<10000x128xi32, #tpu.memory_space<hbm>> -> memref<10000x128xi32, #tpu.memory_space<hbm>>
      tpu.wait_indirect_dma semaphore(%arg14 : memref<!tpu.dma_semaphore, #tpu.memory_space<semaphore_mem>>) src(%dma_wait3A_131 : memref<10000x128xi32, #tpu.memory_space<hbm>>) dst(%arg11 : memref<40x128xi32, #tpu.memory_space<vmem>>)
      %dma_wait3A_132 = arith.constant 0 : i32
      %dma_wait3A_133 = arith.constant 0 : i32
      %dma_wait3A_134 = tpu.memref_slice %arg8[%dma_wait3A_132, %dma_wait3A_133] : memref<125x40xi32, #tpu.memory_space<vmem>> -> memref<1x40xi32, #tpu.memory_space<vmem>>
      %dma_wait3A_135 = tpu.memref_squeeze %dma_wait3A_134 : memref<1x40xi32, #tpu.memory_space<vmem>> -> memref<40xi32, #tpu.memory_space<vmem>>
      %dma_wait3A_136 = arith.constant 0 : i32
      %dma_wait3A_137 = arith.constant 0 : i32
      %dma_wait3A_138 = tpu.memref_slice %arg2[%dma_wait3A_136, %dma_wait3A_137] : memref<10000x128xi32, #tpu.memory_space<hbm>> -> memref<10000x128xi32, #tpu.memory_space<hbm>>
      tpu.wait_indirect_dma semaphore(%arg14 : memref<!tpu.dma_semaphore, #tpu.memory_space<semaphore_mem>>) src(%dma_wait3A_138 : memref<10000x128xi32, #tpu.memory_space<hbm>>) dst(%arg12 : memref<40x128xi32, #tpu.memory_space<vmem>>)
      %mul3A_139 = arith.constant 40 : i32
      %mul3A_140 = arith.muli %add3A_124, %mul3A_139 : i32
      %add3A_141 = arith.addi %mul3A_2, %mul3A_140 : i32
      %dma_start3A_142 = arith.constant 0 : i32
      %dma_start3A_143 = tpu.memref_slice %arg5[%add3A_141, %dma_start3A_142] : memref<160000x128xi32, #tpu.memory_space<hbm>> -> memref<40x128xi32, #tpu.memory_space<hbm>>
      %dma_start3A_144 = arith.constant 0 : i32
      %dma_start3A_145 = tpu.memref_slice %arg5[%add3A_141, %dma_start3A_144] : memref<160000x128xi32, #tpu.memory_space<hbm>> -> memref<40x128xi32, #tpu.memory_space<hbm>>
      tpu.enqueue_dma source(%arg11 : memref<40x128xi32, #tpu.memory_space<vmem>>) target(%dma_start3A_145 : memref<40x128xi32, #tpu.memory_space<hbm>>) target_semaphore(%arg16 : memref<!tpu.dma_semaphore, #tpu.memory_space<semaphore_mem>>)
      %mul3A_146 = arith.constant 40 : i32
      %mul3A_147 = arith.muli %add3A_124, %mul3A_146 : i32
      %add3A_148 = arith.addi %mul3A_2, %mul3A_147 : i32
      %dma_start3A_149 = arith.constant 0 : i32
      %dma_start3A_150 = tpu.memref_slice %arg6[%add3A_148, %dma_start3A_149] : memref<160000x128xi32, #tpu.memory_space<hbm>> -> memref<40x128xi32, #tpu.memory_space<hbm>>
      %dma_start3A_151 = arith.constant 0 : i32
      %dma_start3A_152 = tpu.memref_slice %arg6[%add3A_148, %dma_start3A_151] : memref<160000x128xi32, #tpu.memory_space<hbm>> -> memref<40x128xi32, #tpu.memory_space<hbm>>
      tpu.enqueue_dma source(%arg12 : memref<40x128xi32, #tpu.memory_space<vmem>>) target(%dma_start3A_152 : memref<40x128xi32, #tpu.memory_space<hbm>>) target_semaphore(%arg16 : memref<!tpu.dma_semaphore, #tpu.memory_space<semaphore_mem>>)
      %add3A_153 = arith.constant 2 : i32
      %add3A_154 = arith.addi %add3A_124, %add3A_153 : i32
      %lt3A_155 = arith.constant 125 : i32
      %lt3A_156 = arith.cmpi slt, %add3A_154, %lt3A_155 : i32
      %convert_element_type3A_157 = arith.extui %lt3A_156 : i1 to i32
      %cond3A_158 = arith.constant 0 : i32
      %cond3A_159 = arith.cmpi ne, %convert_element_type3A_157, %cond3A_158 : i32
      scf.if %cond3A_159 {
        %dma_wait3A_160 = arith.constant 0 : i32
        %dma_wait3A_161 = arith.constant 0 : i32
        %dma_wait3A_162 = tpu.memref_slice %arg5[%dma_wait3A_160, %dma_wait3A_161] : memref<160000x128xi32, #tpu.memory_space<hbm>> -> memref<40x128xi32, #tpu.memory_space<hbm>>
        %dma_wait3A_163 = arith.constant 0 : i32
        %dma_wait3A_164 = arith.constant 0 : i32
        %dma_wait3A_165 = tpu.memref_slice %arg5[%dma_wait3A_163, %dma_wait3A_164] : memref<160000x128xi32, #tpu.memory_space<hbm>> -> memref<40x128xi32, #tpu.memory_space<hbm>>
        tpu.wait_dma2 semaphore(%arg16 : memref<!tpu.dma_semaphore, #tpu.memory_space<semaphore_mem>>) src(%arg11 : memref<40x128xi32, #tpu.memory_space<vmem>>) dst(%dma_wait3A_165 : memref<40x128xi32, #tpu.memory_space<hbm>>)
        %dma_wait3A_166 = arith.constant 0 : i32
        %dma_wait3A_167 = arith.constant 0 : i32
        %dma_wait3A_168 = tpu.memref_slice %arg6[%dma_wait3A_166, %dma_wait3A_167] : memref<160000x128xi32, #tpu.memory_space<hbm>> -> memref<40x128xi32, #tpu.memory_space<hbm>>
        %dma_wait3A_169 = arith.constant 0 : i32
        %dma_wait3A_170 = arith.constant 0 : i32
        %dma_wait3A_171 = tpu.memref_slice %arg6[%dma_wait3A_169, %dma_wait3A_170] : memref<160000x128xi32, #tpu.memory_space<hbm>> -> memref<40x128xi32, #tpu.memory_space<hbm>>
        tpu.wait_dma2 semaphore(%arg16 : memref<!tpu.dma_semaphore, #tpu.memory_space<semaphore_mem>>) src(%arg12 : memref<40x128xi32, #tpu.memory_space<vmem>>) dst(%dma_wait3A_171 : memref<40x128xi32, #tpu.memory_space<hbm>>)
        %add3A_172 = arith.constant 2 : i32
        %add3A_173 = arith.addi %add3A_124, %add3A_172 : i32
        %dma_start3A_174 = arith.constant 0 : i32
        %dma_start3A_175 = tpu.memref_slice %arg7[%add3A_173, %dma_start3A_174] : memref<125x40xi32, #tpu.memory_space<vmem>> -> memref<1x40xi32, #tpu.memory_space<vmem>>
        %dma_start3A_176 = tpu.memref_squeeze %dma_start3A_175 : memref<1x40xi32, #tpu.memory_space<vmem>> -> memref<40xi32, #tpu.memory_space<vmem>>
        %dma_start3A_177 = arith.constant 0 : i32
        %dma_start3A_178 = arith.constant 0 : i32
        %dma_start3A_179 = tpu.memref_slice %arg2[%dma_start3A_177, %dma_start3A_178] : memref<10000x128xi32, #tpu.memory_space<hbm>> -> memref<10000x128xi32, #tpu.memory_space<hbm>>
        tpu.enqueue_indirect_dma source(%dma_start3A_179 : memref<10000x128xi32, #tpu.memory_space<hbm>>) target(%arg11 : memref<40x128xi32, #tpu.memory_space<vmem>>) offsets(%dma_start3A_176 : memref<40xi32, #tpu.memory_space<vmem>>) semaphore(%arg14 : memref<!tpu.dma_semaphore, #tpu.memory_space<semaphore_mem>>)
        %dma_start3A_180 = arith.constant 0 : i32
        %dma_start3A_181 = tpu.memref_slice %arg8[%add3A_173, %dma_start3A_180] : memref<125x40xi32, #tpu.memory_space<vmem>> -> memref<1x40xi32, #tpu.memory_space<vmem>>
        %dma_start3A_182 = tpu.memref_squeeze %dma_start3A_181 : memref<1x40xi32, #tpu.memory_space<vmem>> -> memref<40xi32, #tpu.memory_space<vmem>>
        %dma_start3A_183 = arith.constant 0 : i32
        %dma_start3A_184 = arith.constant 0 : i32
        %dma_start3A_185 = tpu.memref_slice %arg2[%dma_start3A_183, %dma_start3A_184] : memref<10000x128xi32, #tpu.memory_space<hbm>> -> memref<10000x128xi32, #tpu.memory_space<hbm>>
        tpu.enqueue_indirect_dma source(%dma_start3A_185 : memref<10000x128xi32, #tpu.memory_space<hbm>>) target(%arg12 : memref<40x128xi32, #tpu.memory_space<vmem>>) offsets(%dma_start3A_182 : memref<40xi32, #tpu.memory_space<vmem>>) semaphore(%arg14 : memref<!tpu.dma_semaphore, #tpu.memory_space<semaphore_mem>>)
      } else {
      }
    }
    %scan3A_34 = arith.constant 62 : i32
    %dma_wait3A = arith.constant 0 : i32
    %dma_wait3A_35 = arith.constant 0 : i32
    %dma_wait3A_36 = tpu.memref_slice %arg7[%dma_wait3A, %dma_wait3A_35] : memref<125x40xi32, #tpu.memory_space<vmem>> -> memref<1x40xi32, #tpu.memory_space<vmem>>
    %dma_wait3A_37 = tpu.memref_squeeze %dma_wait3A_36 : memref<1x40xi32, #tpu.memory_space<vmem>> -> memref<40xi32, #tpu.memory_space<vmem>>
    %dma_wait3A_38 = arith.constant 0 : i32
    %dma_wait3A_39 = arith.constant 0 : i32
    %dma_wait3A_40 = tpu.memref_slice %arg2[%dma_wait3A_38, %dma_wait3A_39] : memref<10000x128xi32, #tpu.memory_space<hbm>> -> memref<10000x128xi32, #tpu.memory_space<hbm>>
    tpu.wait_indirect_dma semaphore(%arg13 : memref<!tpu.dma_semaphore, #tpu.memory_space<semaphore_mem>>) src(%dma_wait3A_40 : memref<10000x128xi32, #tpu.memory_space<hbm>>) dst(%arg9 : memref<40x128xi32, #tpu.memory_space<vmem>>)
    %dma_wait3A_41 = arith.constant 0 : i32
    %dma_wait3A_42 = arith.constant 0 : i32
    %dma_wait3A_43 = tpu.memref_slice %arg8[%dma_wait3A_41, %dma_wait3A_42] : memref<125x40xi32, #tpu.memory_space<vmem>> -> memref<1x40xi32, #tpu.memory_space<vmem>>
    %dma_wait3A_44 = tpu.memref_squeeze %dma_wait3A_43 : memref<1x40xi32, #tpu.memory_space<vmem>> -> memref<40xi32, #tpu.memory_space<vmem>>
    %dma_wait3A_45 = arith.constant 0 : i32
    %dma_wait3A_46 = arith.constant 0 : i32
    %dma_wait3A_47 = tpu.memref_slice %arg2[%dma_wait3A_45, %dma_wait3A_46] : memref<10000x128xi32, #tpu.memory_space<hbm>> -> memref<10000x128xi32, #tpu.memory_space<hbm>>
    tpu.wait_indirect_dma semaphore(%arg13 : memref<!tpu.dma_semaphore, #tpu.memory_space<semaphore_mem>>) src(%dma_wait3A_47 : memref<10000x128xi32, #tpu.memory_space<hbm>>) dst(%arg10 : memref<40x128xi32, #tpu.memory_space<vmem>>)
    %add3A_48 = arith.constant 4960 : i32
    %add3A_49 = arith.addi %mul3A_2, %add3A_48 : i32
    %dma_start3A_50 = arith.constant 0 : i32
    %dma_start3A_51 = tpu.memref_slice %arg5[%add3A_49, %dma_start3A_50] : memref<160000x128xi32, #tpu.memory_space<hbm>> -> memref<40x128xi32, #tpu.memory_space<hbm>>
    %dma_start3A_52 = arith.constant 0 : i32
    %dma_start3A_53 = tpu.memref_slice %arg5[%add3A_49, %dma_start3A_52] : memref<160000x128xi32, #tpu.memory_space<hbm>> -> memref<40x128xi32, #tpu.memory_space<hbm>>
    tpu.enqueue_dma source(%arg9 : memref<40x128xi32, #tpu.memory_space<vmem>>) target(%dma_start3A_53 : memref<40x128xi32, #tpu.memory_space<hbm>>) target_semaphore(%arg15 : memref<!tpu.dma_semaphore, #tpu.memory_space<semaphore_mem>>)
    %add3A_54 = arith.constant 4960 : i32
    %add3A_55 = arith.addi %mul3A_2, %add3A_54 : i32
    %dma_start3A_56 = arith.constant 0 : i32
    %dma_start3A_57 = tpu.memref_slice %arg6[%add3A_55, %dma_start3A_56] : memref<160000x128xi32, #tpu.memory_space<hbm>> -> memref<40x128xi32, #tpu.memory_space<hbm>>
    %dma_start3A_58 = arith.constant 0 : i32
    %dma_start3A_59 = tpu.memref_slice %arg6[%add3A_55, %dma_start3A_58] : memref<160000x128xi32, #tpu.memory_space<hbm>> -> memref<40x128xi32, #tpu.memory_space<hbm>>
    tpu.enqueue_dma source(%arg10 : memref<40x128xi32, #tpu.memory_space<vmem>>) target(%dma_start3A_59 : memref<40x128xi32, #tpu.memory_space<hbm>>) target_semaphore(%arg15 : memref<!tpu.dma_semaphore, #tpu.memory_space<semaphore_mem>>)
    %dma_wait3A_60 = arith.constant 0 : i32
    %dma_wait3A_61 = arith.constant 0 : i32
    %dma_wait3A_62 = tpu.memref_slice %arg5[%dma_wait3A_60, %dma_wait3A_61] : memref<160000x128xi32, #tpu.memory_space<hbm>> -> memref<40x128xi32, #tpu.memory_space<hbm>>
    %dma_wait3A_63 = arith.constant 0 : i32
    %dma_wait3A_64 = arith.constant 0 : i32
    %dma_wait3A_65 = tpu.memref_slice %arg5[%dma_wait3A_63, %dma_wait3A_64] : memref<160000x128xi32, #tpu.memory_space<hbm>> -> memref<40x128xi32, #tpu.memory_space<hbm>>
    tpu.wait_dma2 semaphore(%arg15 : memref<!tpu.dma_semaphore, #tpu.memory_space<semaphore_mem>>) src(%arg9 : memref<40x128xi32, #tpu.memory_space<vmem>>) dst(%dma_wait3A_65 : memref<40x128xi32, #tpu.memory_space<hbm>>)
    %dma_wait3A_66 = arith.constant 0 : i32
    %dma_wait3A_67 = arith.constant 0 : i32
    %dma_wait3A_68 = tpu.memref_slice %arg6[%dma_wait3A_66, %dma_wait3A_67] : memref<160000x128xi32, #tpu.memory_space<hbm>> -> memref<40x128xi32, #tpu.memory_space<hbm>>
    %dma_wait3A_69 = arith.constant 0 : i32
    %dma_wait3A_70 = arith.constant 0 : i32
    %dma_wait3A_71 = tpu.memref_slice %arg6[%dma_wait3A_69, %dma_wait3A_70] : memref<160000x128xi32, #tpu.memory_space<hbm>> -> memref<40x128xi32, #tpu.memory_space<hbm>>
    tpu.wait_dma2 semaphore(%arg15 : memref<!tpu.dma_semaphore, #tpu.memory_space<semaphore_mem>>) src(%arg10 : memref<40x128xi32, #tpu.memory_space<vmem>>) dst(%dma_wait3A_71 : memref<40x128xi32, #tpu.memory_space<hbm>>)
    %dma_wait3A_72 = arith.constant 0 : i32
    %dma_wait3A_73 = arith.constant 0 : i32
    %dma_wait3A_74 = tpu.memref_slice %arg5[%dma_wait3A_72, %dma_wait3A_73] : memref<160000x128xi32, #tpu.memory_space<hbm>> -> memref<40x128xi32, #tpu.memory_space<hbm>>
    %dma_wait3A_75 = arith.constant 0 : i32
    %dma_wait3A_76 = arith.constant 0 : i32
    %dma_wait3A_77 = tpu.memref_slice %arg5[%dma_wait3A_75, %dma_wait3A_76] : memref<160000x128xi32, #tpu.memory_space<hbm>> -> memref<40x128xi32, #tpu.memory_space<hbm>>
    tpu.wait_dma2 semaphore(%arg16 : memref<!tpu.dma_semaphore, #tpu.memory_space<semaphore_mem>>) src(%arg11 : memref<40x128xi32, #tpu.memory_space<vmem>>) dst(%dma_wait3A_77 : memref<40x128xi32, #tpu.memory_space<hbm>>)
    %dma_wait3A_78 = arith.constant 0 : i32
    %dma_wait3A_79 = arith.constant 0 : i32
    %dma_wait3A_80 = tpu.memref_slice %arg6[%dma_wait3A_78, %dma_wait3A_79] : memref<160000x128xi32, #tpu.memory_space<hbm>> -> memref<40x128xi32, #tpu.memory_space<hbm>>
    %dma_wait3A_81 = arith.constant 0 : i32
    %dma_wait3A_82 = arith.constant 0 : i32
    %dma_wait3A_83 = tpu.memref_slice %arg6[%dma_wait3A_81, %dma_wait3A_82] : memref<160000x128xi32, #tpu.memory_space<hbm>> -> memref<40x128xi32, #tpu.memory_space<hbm>>
    tpu.wait_dma2 semaphore(%arg16 : memref<!tpu.dma_semaphore, #tpu.memory_space<semaphore_mem>>) src(%arg12 : memref<40x128xi32, #tpu.memory_space<vmem>>) dst(%dma_wait3A_83 : memref<40x128xi32, #tpu.memory_space<hbm>>)
    return
  }
}

#map = affine_map<(d0, d1) -> (0, 0, 0)>
#map1 = affine_map<(d0, d1) -> (0)>
#map2 = affine_map<(d0, d1) -> (0, 0)>
module attributes {stable_mosaic.version = 14 : i64} {
  func.func @k(%arg0: i32, %arg1: i32, %arg2: memref<2x160000x128xf32, #tpu.memory_space<hbm>>, %arg3: memref<160000xi32, #tpu.memory_space<hbm>>, %arg4: memref<160000xi32, #tpu.memory_space<hbm>>, %arg5: memref<10000x128xf32, #tpu.memory_space<hbm>>, %arg6: memref<2x10000x128xf32, #tpu.memory_space<hbm>>, %arg7: memref<80xi32, #tpu.memory_space<vmem>>, %arg8: memref<80xi32, #tpu.memory_space<vmem>>, %arg9: memref<80xi32, #tpu.memory_space<vmem>>, %arg10: memref<80xi32, #tpu.memory_space<vmem>>, %arg11: memref<80x128xf32, #tpu.memory_space<vmem>>, %arg12: memref<80x128xf32, #tpu.memory_space<vmem>>, %arg13: memref<10000x128xf32, #tpu.memory_space<vmem_shared>>, %arg14: memref<!tpu.dma_semaphore, #tpu.memory_space<semaphore_mem>>, %arg15: memref<!tpu.dma_semaphore, #tpu.memory_space<semaphore_mem>>, %arg16: memref<!tpu.dma_semaphore, #tpu.memory_space<semaphore_mem>>, %arg17: memref<!tpu.dma_semaphore, #tpu.memory_space<semaphore_mem>>) attributes {dimension_semantics = [#tpu.dimension_semantics<core_parallel>, #tpu.dimension_semantics<subcore_parallel>], iteration_bounds = array<i64: 2, 16>, scalar_prefetch = 0 : i64, scratch_operands = 11 : i64, tpu.core_type = #tpu.core_type<sc_vector_subcore>, window_params = [{transform_indices = #map}, {transform_indices = #map1}, {transform_indices = #map1}, {transform_indices = #map2}, {transform_indices = #map}]} {
    %mul3A = arith.constant 624 : i32
    %mul3A_0 = arith.muli %arg1, %mul3A : i32
    %mul3A_1 = arith.constant 624 : i32
    %mul3A_2 = arith.muli %arg1, %mul3A_1 : i32
    "tpu.region"() ({
      %run_scoped3A = tpu.sem_alloc : memref<!tpu.dma_semaphore, #tpu.memory_space<semaphore_mem>>
      %dma_start3A_79 = arith.constant 0 : i32
      %dma_start3A_80 = tpu.memref_slice %arg13[%mul3A_2, %dma_start3A_79] : memref<10000x128xf32, #tpu.memory_space<vmem_shared>> -> memref<624x128xf32, #tpu.memory_space<vmem_shared>>
      %dma_start3A_81 = arith.constant 0 : i32
      %dma_start3A_82 = tpu.memref_slice %arg5[%mul3A_0, %dma_start3A_81] : memref<10000x128xf32, #tpu.memory_space<hbm>> -> memref<624x128xf32, #tpu.memory_space<hbm>>
      tpu.enqueue_dma source(%dma_start3A_82 : memref<624x128xf32, #tpu.memory_space<hbm>>) target(%dma_start3A_80 : memref<624x128xf32, #tpu.memory_space<vmem_shared>>) target_semaphore(%run_scoped3A : memref<!tpu.dma_semaphore, #tpu.memory_space<semaphore_mem>>)
      %dma_wait3A_83 = arith.constant 0 : i32
      %dma_wait3A_84 = tpu.memref_slice %arg13[%mul3A_2, %dma_wait3A_83] : memref<10000x128xf32, #tpu.memory_space<vmem_shared>> -> memref<624x128xf32, #tpu.memory_space<vmem_shared>>
      %dma_wait3A_85 = arith.constant 0 : i32
      %dma_wait3A_86 = tpu.memref_slice %arg5[%mul3A_0, %dma_wait3A_85] : memref<10000x128xf32, #tpu.memory_space<hbm>> -> memref<624x128xf32, #tpu.memory_space<hbm>>
      tpu.wait_dma2 semaphore(%run_scoped3A : memref<!tpu.dma_semaphore, #tpu.memory_space<semaphore_mem>>) src(%dma_wait3A_86 : memref<624x128xf32, #tpu.memory_space<hbm>>) dst(%dma_wait3A_84 : memref<624x128xf32, #tpu.memory_space<vmem_shared>>)
      tpu.yield
    }) : () -> ()
    %eq3A = arith.constant 0 : i32
    %eq3A_3 = arith.cmpi eq, %arg1, %eq3A : i32
    %convert_element_type3A = arith.extui %eq3A_3 : i1 to i32
    %cond3A = arith.constant 0 : i32
    %cond3A_4 = arith.cmpi ne, %convert_element_type3A, %cond3A : i32
    scf.if %cond3A_4 {
      "tpu.region"() ({
        %run_scoped3A = tpu.sem_alloc : memref<!tpu.dma_semaphore, #tpu.memory_space<semaphore_mem>>
        %dma_start3A_79 = arith.constant 9984 : i32
        %dma_start3A_80 = arith.constant 0 : i32
        %dma_start3A_81 = tpu.memref_slice %arg13[%dma_start3A_79, %dma_start3A_80] : memref<10000x128xf32, #tpu.memory_space<vmem_shared>> -> memref<16x128xf32, #tpu.memory_space<vmem_shared>>
        %dma_start3A_82 = arith.constant 9984 : i32
        %dma_start3A_83 = arith.constant 0 : i32
        %dma_start3A_84 = tpu.memref_slice %arg5[%dma_start3A_82, %dma_start3A_83] : memref<10000x128xf32, #tpu.memory_space<hbm>> -> memref<16x128xf32, #tpu.memory_space<hbm>>
        tpu.enqueue_dma source(%dma_start3A_84 : memref<16x128xf32, #tpu.memory_space<hbm>>) target(%dma_start3A_81 : memref<16x128xf32, #tpu.memory_space<vmem_shared>>) target_semaphore(%run_scoped3A : memref<!tpu.dma_semaphore, #tpu.memory_space<semaphore_mem>>)
        %dma_wait3A_85 = arith.constant 9984 : i32
        %dma_wait3A_86 = arith.constant 0 : i32
        %dma_wait3A_87 = tpu.memref_slice %arg13[%dma_wait3A_85, %dma_wait3A_86] : memref<10000x128xf32, #tpu.memory_space<vmem_shared>> -> memref<16x128xf32, #tpu.memory_space<vmem_shared>>
        %dma_wait3A_88 = arith.constant 9984 : i32
        %dma_wait3A_89 = arith.constant 0 : i32
        %dma_wait3A_90 = tpu.memref_slice %arg5[%dma_wait3A_88, %dma_wait3A_89] : memref<10000x128xf32, #tpu.memory_space<hbm>> -> memref<16x128xf32, #tpu.memory_space<hbm>>
        tpu.wait_dma2 semaphore(%run_scoped3A : memref<!tpu.dma_semaphore, #tpu.memory_space<semaphore_mem>>) src(%dma_wait3A_90 : memref<16x128xf32, #tpu.memory_space<hbm>>) dst(%dma_wait3A_87 : memref<16x128xf32, #tpu.memory_space<vmem_shared>>)
        tpu.yield
      }) : () -> ()
    } else {
    }
    %barrier3A = arith.constant 0 : index
    tpu.barrier barrier_id(%barrier3A)
    %mul3A_5 = arith.constant 10000 : i32
    %mul3A_6 = arith.muli %arg1, %mul3A_5 : i32
    %add3A = arith.constant 0 : i32
    %add3A_7 = arith.addi %mul3A_6, %add3A : i32
    %dma_start3A = tpu.memref_slice %arg3[%add3A_7] : memref<160000xi32, #tpu.memory_space<hbm>> -> memref<80xi32, #tpu.memory_space<hbm>>
    %dma_start3A_8 = tpu.memref_slice %arg3[%add3A_7] : memref<160000xi32, #tpu.memory_space<hbm>> -> memref<80xi32, #tpu.memory_space<hbm>>
    tpu.enqueue_dma source(%dma_start3A_8 : memref<80xi32, #tpu.memory_space<hbm>>) target(%arg7 : memref<80xi32, #tpu.memory_space<vmem>>) target_semaphore(%arg14 : memref<!tpu.dma_semaphore, #tpu.memory_space<semaphore_mem>>)
    %dma_start3A_9 = tpu.memref_slice %arg4[%add3A_7] : memref<160000xi32, #tpu.memory_space<hbm>> -> memref<80xi32, #tpu.memory_space<hbm>>
    %dma_start3A_10 = tpu.memref_slice %arg4[%add3A_7] : memref<160000xi32, #tpu.memory_space<hbm>> -> memref<80xi32, #tpu.memory_space<hbm>>
    tpu.enqueue_dma source(%dma_start3A_10 : memref<80xi32, #tpu.memory_space<hbm>>) target(%arg8 : memref<80xi32, #tpu.memory_space<vmem>>) target_semaphore(%arg14 : memref<!tpu.dma_semaphore, #tpu.memory_space<semaphore_mem>>)
    %dma_start3A_11 = arith.constant 0 : i32
    %dma_start3A_12 = tpu.memref_slice %arg2[%arg0, %add3A_7, %dma_start3A_11] : memref<2x160000x128xf32, #tpu.memory_space<hbm>> -> memref<1x80x128xf32, #tpu.memory_space<hbm>>
    %dma_start3A_13 = tpu.memref_squeeze %dma_start3A_12 : memref<1x80x128xf32, #tpu.memory_space<hbm>> -> memref<80x128xf32, #tpu.memory_space<hbm>>
    %dma_start3A_14 = arith.constant 0 : i32
    %dma_start3A_15 = tpu.memref_slice %arg2[%arg0, %add3A_7, %dma_start3A_14] : memref<2x160000x128xf32, #tpu.memory_space<hbm>> -> memref<1x80x128xf32, #tpu.memory_space<hbm>>
    %dma_start3A_16 = tpu.memref_squeeze %dma_start3A_15 : memref<1x80x128xf32, #tpu.memory_space<hbm>> -> memref<80x128xf32, #tpu.memory_space<hbm>>
    tpu.enqueue_dma source(%dma_start3A_16 : memref<80x128xf32, #tpu.memory_space<hbm>>) target(%arg11 : memref<80x128xf32, #tpu.memory_space<vmem>>) target_semaphore(%arg14 : memref<!tpu.dma_semaphore, #tpu.memory_space<semaphore_mem>>)
    %mul3A_17 = arith.constant 10000 : i32
    %mul3A_18 = arith.muli %arg1, %mul3A_17 : i32
    %add3A_19 = arith.constant 80 : i32
    %add3A_20 = arith.addi %mul3A_18, %add3A_19 : i32
    %dma_start3A_21 = tpu.memref_slice %arg3[%add3A_20] : memref<160000xi32, #tpu.memory_space<hbm>> -> memref<80xi32, #tpu.memory_space<hbm>>
    %dma_start3A_22 = tpu.memref_slice %arg3[%add3A_20] : memref<160000xi32, #tpu.memory_space<hbm>> -> memref<80xi32, #tpu.memory_space<hbm>>
    tpu.enqueue_dma source(%dma_start3A_22 : memref<80xi32, #tpu.memory_space<hbm>>) target(%arg9 : memref<80xi32, #tpu.memory_space<vmem>>) target_semaphore(%arg16 : memref<!tpu.dma_semaphore, #tpu.memory_space<semaphore_mem>>)
    %dma_start3A_23 = tpu.memref_slice %arg4[%add3A_20] : memref<160000xi32, #tpu.memory_space<hbm>> -> memref<80xi32, #tpu.memory_space<hbm>>
    %dma_start3A_24 = tpu.memref_slice %arg4[%add3A_20] : memref<160000xi32, #tpu.memory_space<hbm>> -> memref<80xi32, #tpu.memory_space<hbm>>
    tpu.enqueue_dma source(%dma_start3A_24 : memref<80xi32, #tpu.memory_space<hbm>>) target(%arg10 : memref<80xi32, #tpu.memory_space<vmem>>) target_semaphore(%arg16 : memref<!tpu.dma_semaphore, #tpu.memory_space<semaphore_mem>>)
    %dma_start3A_25 = arith.constant 0 : i32
    %dma_start3A_26 = tpu.memref_slice %arg2[%arg0, %add3A_20, %dma_start3A_25] : memref<2x160000x128xf32, #tpu.memory_space<hbm>> -> memref<1x80x128xf32, #tpu.memory_space<hbm>>
    %dma_start3A_27 = tpu.memref_squeeze %dma_start3A_26 : memref<1x80x128xf32, #tpu.memory_space<hbm>> -> memref<80x128xf32, #tpu.memory_space<hbm>>
    %dma_start3A_28 = arith.constant 0 : i32
    %dma_start3A_29 = tpu.memref_slice %arg2[%arg0, %add3A_20, %dma_start3A_28] : memref<2x160000x128xf32, #tpu.memory_space<hbm>> -> memref<1x80x128xf32, #tpu.memory_space<hbm>>
    %dma_start3A_30 = tpu.memref_squeeze %dma_start3A_29 : memref<1x80x128xf32, #tpu.memory_space<hbm>> -> memref<80x128xf32, #tpu.memory_space<hbm>>
    tpu.enqueue_dma source(%dma_start3A_30 : memref<80x128xf32, #tpu.memory_space<hbm>>) target(%arg12 : memref<80x128xf32, #tpu.memory_space<vmem>>) target_semaphore(%arg16 : memref<!tpu.dma_semaphore, #tpu.memory_space<semaphore_mem>>)
    %scan3A = arith.constant 0 : i32
    %scan3A_31 = arith.constant 0 : i32
    %scan3A_32 = arith.constant 62 : i32
    %scan3A_33 = arith.addi %scan3A_31, %scan3A_32 : i32
    %scan3A_34 = arith.constant 1 : i32
    scf.for %scan3A_79 = %scan3A_31 to %scan3A_33 step %scan3A_34  : i32 {
      %mul3A_80 = arith.constant 2 : i32
      %mul3A_81 = arith.muli %scan3A_79, %mul3A_80 : i32
      %add3A_82 = arith.constant 0 : i32
      %add3A_83 = arith.addi %mul3A_81, %add3A_82 : i32
      %dma_wait3A_84 = arith.constant 0 : i32
      %dma_wait3A_85 = tpu.memref_slice %arg3[%dma_wait3A_84] : memref<160000xi32, #tpu.memory_space<hbm>> -> memref<80xi32, #tpu.memory_space<hbm>>
      %dma_wait3A_86 = arith.constant 0 : i32
      %dma_wait3A_87 = tpu.memref_slice %arg3[%dma_wait3A_86] : memref<160000xi32, #tpu.memory_space<hbm>> -> memref<80xi32, #tpu.memory_space<hbm>>
      tpu.wait_dma2 semaphore(%arg14 : memref<!tpu.dma_semaphore, #tpu.memory_space<semaphore_mem>>) src(%dma_wait3A_87 : memref<80xi32, #tpu.memory_space<hbm>>) dst(%arg7 : memref<80xi32, #tpu.memory_space<vmem>>)
      %dma_wait3A_88 = arith.constant 0 : i32
      %dma_wait3A_89 = tpu.memref_slice %arg4[%dma_wait3A_88] : memref<160000xi32, #tpu.memory_space<hbm>> -> memref<80xi32, #tpu.memory_space<hbm>>
      %dma_wait3A_90 = arith.constant 0 : i32
      %dma_wait3A_91 = tpu.memref_slice %arg4[%dma_wait3A_90] : memref<160000xi32, #tpu.memory_space<hbm>> -> memref<80xi32, #tpu.memory_space<hbm>>
      tpu.wait_dma2 semaphore(%arg14 : memref<!tpu.dma_semaphore, #tpu.memory_space<semaphore_mem>>) src(%dma_wait3A_91 : memref<80xi32, #tpu.memory_space<hbm>>) dst(%arg8 : memref<80xi32, #tpu.memory_space<vmem>>)
      %dma_wait3A_92 = arith.constant 0 : i32
      %dma_wait3A_93 = arith.constant 0 : i32
      %dma_wait3A_94 = tpu.memref_slice %arg2[%arg0, %dma_wait3A_92, %dma_wait3A_93] : memref<2x160000x128xf32, #tpu.memory_space<hbm>> -> memref<1x80x128xf32, #tpu.memory_space<hbm>>
      %dma_wait3A_95 = tpu.memref_squeeze %dma_wait3A_94 : memref<1x80x128xf32, #tpu.memory_space<hbm>> -> memref<80x128xf32, #tpu.memory_space<hbm>>
      %dma_wait3A_96 = arith.constant 0 : i32
      %dma_wait3A_97 = arith.constant 0 : i32
      %dma_wait3A_98 = tpu.memref_slice %arg2[%arg0, %dma_wait3A_96, %dma_wait3A_97] : memref<2x160000x128xf32, #tpu.memory_space<hbm>> -> memref<1x80x128xf32, #tpu.memory_space<hbm>>
      %dma_wait3A_99 = tpu.memref_squeeze %dma_wait3A_98 : memref<1x80x128xf32, #tpu.memory_space<hbm>> -> memref<80x128xf32, #tpu.memory_space<hbm>>
      tpu.wait_dma2 semaphore(%arg14 : memref<!tpu.dma_semaphore, #tpu.memory_space<semaphore_mem>>) src(%dma_wait3A_99 : memref<80x128xf32, #tpu.memory_space<hbm>>) dst(%arg11 : memref<80x128xf32, #tpu.memory_space<vmem>>)
      %dma_start3A_100 = arith.constant 0 : i32
      %dma_start3A_101 = arith.constant 0 : i32
      %dma_start3A_102 = tpu.memref_slice %arg13[%dma_start3A_100, %dma_start3A_101] : memref<10000x128xf32, #tpu.memory_space<vmem_shared>> -> memref<10000x128xf32, #tpu.memory_space<vmem_shared>>
      tpu.enqueue_indirect_dma source(%arg11 : memref<80x128xf32, #tpu.memory_space<vmem>>) target(%dma_start3A_102 : memref<10000x128xf32, #tpu.memory_space<vmem_shared>>) offsets(%arg8 : memref<80xi32, #tpu.memory_space<vmem>>) semaphore(%arg15 : memref<!tpu.dma_semaphore, #tpu.memory_space<semaphore_mem>>) {add = true}
      %dma_start3A_103 = arith.constant 0 : i32
      %dma_start3A_104 = arith.constant 0 : i32
      %dma_start3A_105 = tpu.memref_slice %arg13[%dma_start3A_103, %dma_start3A_104] : memref<10000x128xf32, #tpu.memory_space<vmem_shared>> -> memref<10000x128xf32, #tpu.memory_space<vmem_shared>>
      tpu.enqueue_indirect_dma source(%arg11 : memref<80x128xf32, #tpu.memory_space<vmem>>) target(%dma_start3A_105 : memref<10000x128xf32, #tpu.memory_space<vmem_shared>>) offsets(%arg7 : memref<80xi32, #tpu.memory_space<vmem>>) semaphore(%arg15 : memref<!tpu.dma_semaphore, #tpu.memory_space<semaphore_mem>>) {add = true}
      %add3A_106 = arith.constant 2 : i32
      %add3A_107 = arith.addi %add3A_83, %add3A_106 : i32
      %lt3A = arith.constant 125 : i32
      %lt3A_108 = arith.cmpi slt, %add3A_107, %lt3A : i32
      %convert_element_type3A_109 = arith.extui %lt3A_108 : i1 to i32
      %cond3A_110 = arith.constant 0 : i32
      %cond3A_111 = arith.cmpi ne, %convert_element_type3A_109, %cond3A_110 : i32
      scf.if %cond3A_111 {
        %dma_wait3A_145 = arith.constant 0 : i32
        %dma_wait3A_146 = arith.constant 0 : i32
        %dma_wait3A_147 = tpu.memref_slice %arg13[%dma_wait3A_145, %dma_wait3A_146] : memref<10000x128xf32, #tpu.memory_space<vmem_shared>> -> memref<10000x128xf32, #tpu.memory_space<vmem_shared>>
        tpu.wait_indirect_dma semaphore(%arg15 : memref<!tpu.dma_semaphore, #tpu.memory_space<semaphore_mem>>) src(%arg11 : memref<80x128xf32, #tpu.memory_space<vmem>>) dst(%dma_wait3A_147 : memref<10000x128xf32, #tpu.memory_space<vmem_shared>>)
        %dma_wait3A_148 = arith.constant 0 : i32
        %dma_wait3A_149 = arith.constant 0 : i32
        %dma_wait3A_150 = tpu.memref_slice %arg13[%dma_wait3A_148, %dma_wait3A_149] : memref<10000x128xf32, #tpu.memory_space<vmem_shared>> -> memref<10000x128xf32, #tpu.memory_space<vmem_shared>>
        tpu.wait_indirect_dma semaphore(%arg15 : memref<!tpu.dma_semaphore, #tpu.memory_space<semaphore_mem>>) src(%arg11 : memref<80x128xf32, #tpu.memory_space<vmem>>) dst(%dma_wait3A_150 : memref<10000x128xf32, #tpu.memory_space<vmem_shared>>)
        %add3A_151 = arith.constant 2 : i32
        %add3A_152 = arith.addi %add3A_83, %add3A_151 : i32
        %mul3A_153 = arith.constant 10000 : i32
        %mul3A_154 = arith.muli %arg1, %mul3A_153 : i32
        %mul3A_155 = arith.constant 80 : i32
        %mul3A_156 = arith.muli %add3A_152, %mul3A_155 : i32
        %add3A_157 = arith.addi %mul3A_154, %mul3A_156 : i32
        %dma_start3A_158 = tpu.memref_slice %arg3[%add3A_157] : memref<160000xi32, #tpu.memory_space<hbm>> -> memref<80xi32, #tpu.memory_space<hbm>>
        %dma_start3A_159 = tpu.memref_slice %arg3[%add3A_157] : memref<160000xi32, #tpu.memory_space<hbm>> -> memref<80xi32, #tpu.memory_space<hbm>>
        tpu.enqueue_dma source(%dma_start3A_159 : memref<80xi32, #tpu.memory_space<hbm>>) target(%arg7 : memref<80xi32, #tpu.memory_space<vmem>>) target_semaphore(%arg14 : memref<!tpu.dma_semaphore, #tpu.memory_space<semaphore_mem>>)
        %dma_start3A_160 = tpu.memref_slice %arg4[%add3A_157] : memref<160000xi32, #tpu.memory_space<hbm>> -> memref<80xi32, #tpu.memory_space<hbm>>
        %dma_start3A_161 = tpu.memref_slice %arg4[%add3A_157] : memref<160000xi32, #tpu.memory_space<hbm>> -> memref<80xi32, #tpu.memory_space<hbm>>
        tpu.enqueue_dma source(%dma_start3A_161 : memref<80xi32, #tpu.memory_space<hbm>>) target(%arg8 : memref<80xi32, #tpu.memory_space<vmem>>) target_semaphore(%arg14 : memref<!tpu.dma_semaphore, #tpu.memory_space<semaphore_mem>>)
        %dma_start3A_162 = arith.constant 0 : i32
        %dma_start3A_163 = tpu.memref_slice %arg2[%arg0, %add3A_157, %dma_start3A_162] : memref<2x160000x128xf32, #tpu.memory_space<hbm>> -> memref<1x80x128xf32, #tpu.memory_space<hbm>>
        %dma_start3A_164 = tpu.memref_squeeze %dma_start3A_163 : memref<1x80x128xf32, #tpu.memory_space<hbm>> -> memref<80x128xf32, #tpu.memory_space<hbm>>
        %dma_start3A_165 = arith.constant 0 : i32
        %dma_start3A_166 = tpu.memref_slice %arg2[%arg0, %add3A_157, %dma_start3A_165] : memref<2x160000x128xf32, #tpu.memory_space<hbm>> -> memref<1x80x128xf32, #tpu.memory_space<hbm>>
        %dma_start3A_167 = tpu.memref_squeeze %dma_start3A_166 : memref<1x80x128xf32, #tpu.memory_space<hbm>> -> memref<80x128xf32, #tpu.memory_space<hbm>>
        tpu.enqueue_dma source(%dma_start3A_167 : memref<80x128xf32, #tpu.memory_space<hbm>>) target(%arg11 : memref<80x128xf32, #tpu.memory_space<vmem>>) target_semaphore(%arg14 : memref<!tpu.dma_semaphore, #tpu.memory_space<semaphore_mem>>)
      } else {
      }
      %mul3A_112 = arith.constant 2 : i32
      %mul3A_113 = arith.muli %scan3A_79, %mul3A_112 : i32
      %add3A_114 = arith.constant 1 : i32
      %add3A_115 = arith.addi %mul3A_113, %add3A_114 : i32
      %dma_wait3A_116 = arith.constant 0 : i32
      %dma_wait3A_117 = tpu.memref_slice %arg3[%dma_wait3A_116] : memref<160000xi32, #tpu.memory_space<hbm>> -> memref<80xi32, #tpu.memory_space<hbm>>
      %dma_wait3A_118 = arith.constant 0 : i32
      %dma_wait3A_119 = tpu.memref_slice %arg3[%dma_wait3A_118] : memref<160000xi32, #tpu.memory_space<hbm>> -> memref<80xi32, #tpu.memory_space<hbm>>
      tpu.wait_dma2 semaphore(%arg16 : memref<!tpu.dma_semaphore, #tpu.memory_space<semaphore_mem>>) src(%dma_wait3A_119 : memref<80xi32, #tpu.memory_space<hbm>>) dst(%arg9 : memref<80xi32, #tpu.memory_space<vmem>>)
      %dma_wait3A_120 = arith.constant 0 : i32
      %dma_wait3A_121 = tpu.memref_slice %arg4[%dma_wait3A_120] : memref<160000xi32, #tpu.memory_space<hbm>> -> memref<80xi32, #tpu.memory_space<hbm>>
      %dma_wait3A_122 = arith.constant 0 : i32
      %dma_wait3A_123 = tpu.memref_slice %arg4[%dma_wait3A_122] : memref<160000xi32, #tpu.memory_space<hbm>> -> memref<80xi32, #tpu.memory_space<hbm>>
      tpu.wait_dma2 semaphore(%arg16 : memref<!tpu.dma_semaphore, #tpu.memory_space<semaphore_mem>>) src(%dma_wait3A_123 : memref<80xi32, #tpu.memory_space<hbm>>) dst(%arg10 : memref<80xi32, #tpu.memory_space<vmem>>)
      %dma_wait3A_124 = arith.constant 0 : i32
      %dma_wait3A_125 = arith.constant 0 : i32
      %dma_wait3A_126 = tpu.memref_slice %arg2[%arg0, %dma_wait3A_124, %dma_wait3A_125] : memref<2x160000x128xf32, #tpu.memory_space<hbm>> -> memref<1x80x128xf32, #tpu.memory_space<hbm>>
      %dma_wait3A_127 = tpu.memref_squeeze %dma_wait3A_126 : memref<1x80x128xf32, #tpu.memory_space<hbm>> -> memref<80x128xf32, #tpu.memory_space<hbm>>
      %dma_wait3A_128 = arith.constant 0 : i32
      %dma_wait3A_129 = arith.constant 0 : i32
      %dma_wait3A_130 = tpu.memref_slice %arg2[%arg0, %dma_wait3A_128, %dma_wait3A_129] : memref<2x160000x128xf32, #tpu.memory_space<hbm>> -> memref<1x80x128xf32, #tpu.memory_space<hbm>>
      %dma_wait3A_131 = tpu.memref_squeeze %dma_wait3A_130 : memref<1x80x128xf32, #tpu.memory_space<hbm>> -> memref<80x128xf32, #tpu.memory_space<hbm>>
      tpu.wait_dma2 semaphore(%arg16 : memref<!tpu.dma_semaphore, #tpu.memory_space<semaphore_mem>>) src(%dma_wait3A_131 : memref<80x128xf32, #tpu.memory_space<hbm>>) dst(%arg12 : memref<80x128xf32, #tpu.memory_space<vmem>>)
      %dma_start3A_132 = arith.constant 0 : i32
      %dma_start3A_133 = arith.constant 0 : i32
      %dma_start3A_134 = tpu.memref_slice %arg13[%dma_start3A_132, %dma_start3A_133] : memref<10000x128xf32, #tpu.memory_space<vmem_shared>> -> memref<10000x128xf32, #tpu.memory_space<vmem_shared>>
      tpu.enqueue_indirect_dma source(%arg12 : memref<80x128xf32, #tpu.memory_space<vmem>>) target(%dma_start3A_134 : memref<10000x128xf32, #tpu.memory_space<vmem_shared>>) offsets(%arg10 : memref<80xi32, #tpu.memory_space<vmem>>) semaphore(%arg17 : memref<!tpu.dma_semaphore, #tpu.memory_space<semaphore_mem>>) {add = true}
      %dma_start3A_135 = arith.constant 0 : i32
      %dma_start3A_136 = arith.constant 0 : i32
      %dma_start3A_137 = tpu.memref_slice %arg13[%dma_start3A_135, %dma_start3A_136] : memref<10000x128xf32, #tpu.memory_space<vmem_shared>> -> memref<10000x128xf32, #tpu.memory_space<vmem_shared>>
      tpu.enqueue_indirect_dma source(%arg12 : memref<80x128xf32, #tpu.memory_space<vmem>>) target(%dma_start3A_137 : memref<10000x128xf32, #tpu.memory_space<vmem_shared>>) offsets(%arg9 : memref<80xi32, #tpu.memory_space<vmem>>) semaphore(%arg17 : memref<!tpu.dma_semaphore, #tpu.memory_space<semaphore_mem>>) {add = true}
      %add3A_138 = arith.constant 2 : i32
      %add3A_139 = arith.addi %add3A_115, %add3A_138 : i32
      %lt3A_140 = arith.constant 125 : i32
      %lt3A_141 = arith.cmpi slt, %add3A_139, %lt3A_140 : i32
      %convert_element_type3A_142 = arith.extui %lt3A_141 : i1 to i32
      %cond3A_143 = arith.constant 0 : i32
      %cond3A_144 = arith.cmpi ne, %convert_element_type3A_142, %cond3A_143 : i32
      scf.if %cond3A_144 {
        %dma_wait3A_145 = arith.constant 0 : i32
        %dma_wait3A_146 = arith.constant 0 : i32
        %dma_wait3A_147 = tpu.memref_slice %arg13[%dma_wait3A_145, %dma_wait3A_146] : memref<10000x128xf32, #tpu.memory_space<vmem_shared>> -> memref<10000x128xf32, #tpu.memory_space<vmem_shared>>
        tpu.wait_indirect_dma semaphore(%arg17 : memref<!tpu.dma_semaphore, #tpu.memory_space<semaphore_mem>>) src(%arg12 : memref<80x128xf32, #tpu.memory_space<vmem>>) dst(%dma_wait3A_147 : memref<10000x128xf32, #tpu.memory_space<vmem_shared>>)
        %dma_wait3A_148 = arith.constant 0 : i32
        %dma_wait3A_149 = arith.constant 0 : i32
        %dma_wait3A_150 = tpu.memref_slice %arg13[%dma_wait3A_148, %dma_wait3A_149] : memref<10000x128xf32, #tpu.memory_space<vmem_shared>> -> memref<10000x128xf32, #tpu.memory_space<vmem_shared>>
        tpu.wait_indirect_dma semaphore(%arg17 : memref<!tpu.dma_semaphore, #tpu.memory_space<semaphore_mem>>) src(%arg12 : memref<80x128xf32, #tpu.memory_space<vmem>>) dst(%dma_wait3A_150 : memref<10000x128xf32, #tpu.memory_space<vmem_shared>>)
        %add3A_151 = arith.constant 2 : i32
        %add3A_152 = arith.addi %add3A_115, %add3A_151 : i32
        %mul3A_153 = arith.constant 10000 : i32
        %mul3A_154 = arith.muli %arg1, %mul3A_153 : i32
        %mul3A_155 = arith.constant 80 : i32
        %mul3A_156 = arith.muli %add3A_152, %mul3A_155 : i32
        %add3A_157 = arith.addi %mul3A_154, %mul3A_156 : i32
        %dma_start3A_158 = tpu.memref_slice %arg3[%add3A_157] : memref<160000xi32, #tpu.memory_space<hbm>> -> memref<80xi32, #tpu.memory_space<hbm>>
        %dma_start3A_159 = tpu.memref_slice %arg3[%add3A_157] : memref<160000xi32, #tpu.memory_space<hbm>> -> memref<80xi32, #tpu.memory_space<hbm>>
        tpu.enqueue_dma source(%dma_start3A_159 : memref<80xi32, #tpu.memory_space<hbm>>) target(%arg9 : memref<80xi32, #tpu.memory_space<vmem>>) target_semaphore(%arg16 : memref<!tpu.dma_semaphore, #tpu.memory_space<semaphore_mem>>)
        %dma_start3A_160 = tpu.memref_slice %arg4[%add3A_157] : memref<160000xi32, #tpu.memory_space<hbm>> -> memref<80xi32, #tpu.memory_space<hbm>>
        %dma_start3A_161 = tpu.memref_slice %arg4[%add3A_157] : memref<160000xi32, #tpu.memory_space<hbm>> -> memref<80xi32, #tpu.memory_space<hbm>>
        tpu.enqueue_dma source(%dma_start3A_161 : memref<80xi32, #tpu.memory_space<hbm>>) target(%arg10 : memref<80xi32, #tpu.memory_space<vmem>>) target_semaphore(%arg16 : memref<!tpu.dma_semaphore, #tpu.memory_space<semaphore_mem>>)
        %dma_start3A_162 = arith.constant 0 : i32
        %dma_start3A_163 = tpu.memref_slice %arg2[%arg0, %add3A_157, %dma_start3A_162] : memref<2x160000x128xf32, #tpu.memory_space<hbm>> -> memref<1x80x128xf32, #tpu.memory_space<hbm>>
        %dma_start3A_164 = tpu.memref_squeeze %dma_start3A_163 : memref<1x80x128xf32, #tpu.memory_space<hbm>> -> memref<80x128xf32, #tpu.memory_space<hbm>>
        %dma_start3A_165 = arith.constant 0 : i32
        %dma_start3A_166 = tpu.memref_slice %arg2[%arg0, %add3A_157, %dma_start3A_165] : memref<2x160000x128xf32, #tpu.memory_space<hbm>> -> memref<1x80x128xf32, #tpu.memory_space<hbm>>
        %dma_start3A_167 = tpu.memref_squeeze %dma_start3A_166 : memref<1x80x128xf32, #tpu.memory_space<hbm>> -> memref<80x128xf32, #tpu.memory_space<hbm>>
        tpu.enqueue_dma source(%dma_start3A_167 : memref<80x128xf32, #tpu.memory_space<hbm>>) target(%arg12 : memref<80x128xf32, #tpu.memory_space<vmem>>) target_semaphore(%arg16 : memref<!tpu.dma_semaphore, #tpu.memory_space<semaphore_mem>>)
      } else {
      }
    }
    %scan3A_35 = arith.constant 62 : i32
    %dma_wait3A = arith.constant 0 : i32
    %dma_wait3A_36 = tpu.memref_slice %arg3[%dma_wait3A] : memref<160000xi32, #tpu.memory_space<hbm>> -> memref<80xi32, #tpu.memory_space<hbm>>
    %dma_wait3A_37 = arith.constant 0 : i32
    %dma_wait3A_38 = tpu.memref_slice %arg3[%dma_wait3A_37] : memref<160000xi32, #tpu.memory_space<hbm>> -> memref<80xi32, #tpu.memory_space<hbm>>
    tpu.wait_dma2 semaphore(%arg14 : memref<!tpu.dma_semaphore, #tpu.memory_space<semaphore_mem>>) src(%dma_wait3A_38 : memref<80xi32, #tpu.memory_space<hbm>>) dst(%arg7 : memref<80xi32, #tpu.memory_space<vmem>>)
    %dma_wait3A_39 = arith.constant 0 : i32
    %dma_wait3A_40 = tpu.memref_slice %arg4[%dma_wait3A_39] : memref<160000xi32, #tpu.memory_space<hbm>> -> memref<80xi32, #tpu.memory_space<hbm>>
    %dma_wait3A_41 = arith.constant 0 : i32
    %dma_wait3A_42 = tpu.memref_slice %arg4[%dma_wait3A_41] : memref<160000xi32, #tpu.memory_space<hbm>> -> memref<80xi32, #tpu.memory_space<hbm>>
    tpu.wait_dma2 semaphore(%arg14 : memref<!tpu.dma_semaphore, #tpu.memory_space<semaphore_mem>>) src(%dma_wait3A_42 : memref<80xi32, #tpu.memory_space<hbm>>) dst(%arg8 : memref<80xi32, #tpu.memory_space<vmem>>)
    %dma_wait3A_43 = arith.constant 0 : i32
    %dma_wait3A_44 = arith.constant 0 : i32
    %dma_wait3A_45 = tpu.memref_slice %arg2[%arg0, %dma_wait3A_43, %dma_wait3A_44] : memref<2x160000x128xf32, #tpu.memory_space<hbm>> -> memref<1x80x128xf32, #tpu.memory_space<hbm>>
    %dma_wait3A_46 = tpu.memref_squeeze %dma_wait3A_45 : memref<1x80x128xf32, #tpu.memory_space<hbm>> -> memref<80x128xf32, #tpu.memory_space<hbm>>
    %dma_wait3A_47 = arith.constant 0 : i32
    %dma_wait3A_48 = arith.constant 0 : i32
    %dma_wait3A_49 = tpu.memref_slice %arg2[%arg0, %dma_wait3A_47, %dma_wait3A_48] : memref<2x160000x128xf32, #tpu.memory_space<hbm>> -> memref<1x80x128xf32, #tpu.memory_space<hbm>>
    %dma_wait3A_50 = tpu.memref_squeeze %dma_wait3A_49 : memref<1x80x128xf32, #tpu.memory_space<hbm>> -> memref<80x128xf32, #tpu.memory_space<hbm>>
    tpu.wait_dma2 semaphore(%arg14 : memref<!tpu.dma_semaphore, #tpu.memory_space<semaphore_mem>>) src(%dma_wait3A_50 : memref<80x128xf32, #tpu.memory_space<hbm>>) dst(%arg11 : memref<80x128xf32, #tpu.memory_space<vmem>>)
    %dma_start3A_51 = arith.constant 0 : i32
    %dma_start3A_52 = arith.constant 0 : i32
    %dma_start3A_53 = tpu.memref_slice %arg13[%dma_start3A_51, %dma_start3A_52] : memref<10000x128xf32, #tpu.memory_space<vmem_shared>> -> memref<10000x128xf32, #tpu.memory_space<vmem_shared>>
    tpu.enqueue_indirect_dma source(%arg11 : memref<80x128xf32, #tpu.memory_space<vmem>>) target(%dma_start3A_53 : memref<10000x128xf32, #tpu.memory_space<vmem_shared>>) offsets(%arg8 : memref<80xi32, #tpu.memory_space<vmem>>) semaphore(%arg15 : memref<!tpu.dma_semaphore, #tpu.memory_space<semaphore_mem>>) {add = true}
    %dma_start3A_54 = arith.constant 0 : i32
    %dma_start3A_55 = arith.constant 0 : i32
    %dma_start3A_56 = tpu.memref_slice %arg13[%dma_start3A_54, %dma_start3A_55] : memref<10000x128xf32, #tpu.memory_space<vmem_shared>> -> memref<10000x128xf32, #tpu.memory_space<vmem_shared>>
    tpu.enqueue_indirect_dma source(%arg11 : memref<80x128xf32, #tpu.memory_space<vmem>>) target(%dma_start3A_56 : memref<10000x128xf32, #tpu.memory_space<vmem_shared>>) offsets(%arg7 : memref<80xi32, #tpu.memory_space<vmem>>) semaphore(%arg15 : memref<!tpu.dma_semaphore, #tpu.memory_space<semaphore_mem>>) {add = true}
    %dma_wait3A_57 = arith.constant 0 : i32
    %dma_wait3A_58 = arith.constant 0 : i32
    %dma_wait3A_59 = tpu.memref_slice %arg13[%dma_wait3A_57, %dma_wait3A_58] : memref<10000x128xf32, #tpu.memory_space<vmem_shared>> -> memref<10000x128xf32, #tpu.memory_space<vmem_shared>>
    tpu.wait_indirect_dma semaphore(%arg15 : memref<!tpu.dma_semaphore, #tpu.memory_space<semaphore_mem>>) src(%arg11 : memref<80x128xf32, #tpu.memory_space<vmem>>) dst(%dma_wait3A_59 : memref<10000x128xf32, #tpu.memory_space<vmem_shared>>)
    %dma_wait3A_60 = arith.constant 0 : i32
    %dma_wait3A_61 = arith.constant 0 : i32
    %dma_wait3A_62 = tpu.memref_slice %arg13[%dma_wait3A_60, %dma_wait3A_61] : memref<10000x128xf32, #tpu.memory_space<vmem_shared>> -> memref<10000x128xf32, #tpu.memory_space<vmem_shared>>
    tpu.wait_indirect_dma semaphore(%arg15 : memref<!tpu.dma_semaphore, #tpu.memory_space<semaphore_mem>>) src(%arg11 : memref<80x128xf32, #tpu.memory_space<vmem>>) dst(%dma_wait3A_62 : memref<10000x128xf32, #tpu.memory_space<vmem_shared>>)
    %dma_wait3A_63 = arith.constant 0 : i32
    %dma_wait3A_64 = arith.constant 0 : i32
    %dma_wait3A_65 = tpu.memref_slice %arg13[%dma_wait3A_63, %dma_wait3A_64] : memref<10000x128xf32, #tpu.memory_space<vmem_shared>> -> memref<10000x128xf32, #tpu.memory_space<vmem_shared>>
    tpu.wait_indirect_dma semaphore(%arg17 : memref<!tpu.dma_semaphore, #tpu.memory_space<semaphore_mem>>) src(%arg12 : memref<80x128xf32, #tpu.memory_space<vmem>>) dst(%dma_wait3A_65 : memref<10000x128xf32, #tpu.memory_space<vmem_shared>>)
    %dma_wait3A_66 = arith.constant 0 : i32
    %dma_wait3A_67 = arith.constant 0 : i32
    %dma_wait3A_68 = tpu.memref_slice %arg13[%dma_wait3A_66, %dma_wait3A_67] : memref<10000x128xf32, #tpu.memory_space<vmem_shared>> -> memref<10000x128xf32, #tpu.memory_space<vmem_shared>>
    tpu.wait_indirect_dma semaphore(%arg17 : memref<!tpu.dma_semaphore, #tpu.memory_space<semaphore_mem>>) src(%arg12 : memref<80x128xf32, #tpu.memory_space<vmem>>) dst(%dma_wait3A_68 : memref<10000x128xf32, #tpu.memory_space<vmem_shared>>)
    %barrier3A_69 = arith.constant 0 : index
    tpu.barrier barrier_id(%barrier3A_69)
    %mul3A_70 = arith.constant 624 : i32
    %mul3A_71 = arith.muli %arg1, %mul3A_70 : i32
    %mul3A_72 = arith.constant 624 : i32
    %mul3A_73 = arith.muli %arg1, %mul3A_72 : i32
    "tpu.region"() ({
      %run_scoped3A = tpu.sem_alloc : memref<!tpu.dma_semaphore, #tpu.memory_space<semaphore_mem>>
      %dma_start3A_79 = arith.constant 0 : i32
      %dma_start3A_80 = tpu.memref_slice %arg6[%arg0, %mul3A_73, %dma_start3A_79] : memref<2x10000x128xf32, #tpu.memory_space<hbm>> -> memref<1x624x128xf32, #tpu.memory_space<hbm>>
      %dma_start3A_81 = tpu.memref_squeeze %dma_start3A_80 : memref<1x624x128xf32, #tpu.memory_space<hbm>> -> memref<624x128xf32, #tpu.memory_space<hbm>>
      %dma_start3A_82 = arith.constant 0 : i32
      %dma_start3A_83 = tpu.memref_slice %arg13[%mul3A_71, %dma_start3A_82] : memref<10000x128xf32, #tpu.memory_space<vmem_shared>> -> memref<624x128xf32, #tpu.memory_space<vmem_shared>>
      tpu.enqueue_dma source(%dma_start3A_83 : memref<624x128xf32, #tpu.memory_space<vmem_shared>>) target(%dma_start3A_81 : memref<624x128xf32, #tpu.memory_space<hbm>>) target_semaphore(%run_scoped3A : memref<!tpu.dma_semaphore, #tpu.memory_space<semaphore_mem>>)
      %dma_wait3A_84 = arith.constant 0 : i32
      %dma_wait3A_85 = tpu.memref_slice %arg6[%arg0, %mul3A_73, %dma_wait3A_84] : memref<2x10000x128xf32, #tpu.memory_space<hbm>> -> memref<1x624x128xf32, #tpu.memory_space<hbm>>
      %dma_wait3A_86 = tpu.memref_squeeze %dma_wait3A_85 : memref<1x624x128xf32, #tpu.memory_space<hbm>> -> memref<624x128xf32, #tpu.memory_space<hbm>>
      %dma_wait3A_87 = arith.constant 0 : i32
      %dma_wait3A_88 = tpu.memref_slice %arg13[%mul3A_71, %dma_wait3A_87] : memref<10000x128xf32, #tpu.memory_space<vmem_shared>> -> memref<624x128xf32, #tpu.memory_space<vmem_shared>>
      tpu.wait_dma2 semaphore(%run_scoped3A : memref<!tpu.dma_semaphore, #tpu.memory_space<semaphore_mem>>) src(%dma_wait3A_88 : memref<624x128xf32, #tpu.memory_space<vmem_shared>>) dst(%dma_wait3A_86 : memref<624x128xf32, #tpu.memory_space<hbm>>)
      tpu.yield
    }) : () -> ()
    %eq3A_74 = arith.constant 0 : i32
    %eq3A_75 = arith.cmpi eq, %arg1, %eq3A_74 : i32
    %convert_element_type3A_76 = arith.extui %eq3A_75 : i1 to i32
    %cond3A_77 = arith.constant 0 : i32
    %cond3A_78 = arith.cmpi ne, %convert_element_type3A_76, %cond3A_77 : i32
    scf.if %cond3A_78 {
      "tpu.region"() ({
        %run_scoped3A = tpu.sem_alloc : memref<!tpu.dma_semaphore, #tpu.memory_space<semaphore_mem>>
        %dma_start3A_79 = arith.constant 9984 : i32
        %dma_start3A_80 = arith.constant 0 : i32
        %dma_start3A_81 = tpu.memref_slice %arg6[%arg0, %dma_start3A_79, %dma_start3A_80] : memref<2x10000x128xf32, #tpu.memory_space<hbm>> -> memref<1x16x128xf32, #tpu.memory_space<hbm>>
        %dma_start3A_82 = tpu.memref_squeeze %dma_start3A_81 : memref<1x16x128xf32, #tpu.memory_space<hbm>> -> memref<16x128xf32, #tpu.memory_space<hbm>>
        %dma_start3A_83 = arith.constant 9984 : i32
        %dma_start3A_84 = arith.constant 0 : i32
        %dma_start3A_85 = tpu.memref_slice %arg13[%dma_start3A_83, %dma_start3A_84] : memref<10000x128xf32, #tpu.memory_space<vmem_shared>> -> memref<16x128xf32, #tpu.memory_space<vmem_shared>>
        tpu.enqueue_dma source(%dma_start3A_85 : memref<16x128xf32, #tpu.memory_space<vmem_shared>>) target(%dma_start3A_82 : memref<16x128xf32, #tpu.memory_space<hbm>>) target_semaphore(%run_scoped3A : memref<!tpu.dma_semaphore, #tpu.memory_space<semaphore_mem>>)
        %dma_wait3A_86 = arith.constant 9984 : i32
        %dma_wait3A_87 = arith.constant 0 : i32
        %dma_wait3A_88 = tpu.memref_slice %arg6[%arg0, %dma_wait3A_86, %dma_wait3A_87] : memref<2x10000x128xf32, #tpu.memory_space<hbm>> -> memref<1x16x128xf32, #tpu.memory_space<hbm>>
        %dma_wait3A_89 = tpu.memref_squeeze %dma_wait3A_88 : memref<1x16x128xf32, #tpu.memory_space<hbm>> -> memref<16x128xf32, #tpu.memory_space<hbm>>
        %dma_wait3A_90 = arith.constant 9984 : i32
        %dma_wait3A_91 = arith.constant 0 : i32
        %dma_wait3A_92 = tpu.memref_slice %arg13[%dma_wait3A_90, %dma_wait3A_91] : memref<10000x128xf32, #tpu.memory_space<vmem_shared>> -> memref<16x128xf32, #tpu.memory_space<vmem_shared>>
        tpu.wait_dma2 semaphore(%run_scoped3A : memref<!tpu.dma_semaphore, #tpu.memory_space<semaphore_mem>>) src(%dma_wait3A_92 : memref<16x128xf32, #tpu.memory_space<vmem_shared>>) dst(%dma_wait3A_89 : memref<16x128xf32, #tpu.memory_space<hbm>>)
        tpu.yield
      }) : () -> ()
    } else {
    }
    return
  }
}

module attributes {stable_mosaic.version = 14 : i64} {
  func.func @_nf_body(%arg0: memref<10000x128xf32, #tpu.memory_space<vmem>>, %arg1: memref<128x256xf32, #tpu.memory_space<vmem>>, %arg2: memref<10000x128xi32, #tpu.memory_space<vmem>>) attributes {dimension_semantics = [], scalar_prefetch = 0 : i64, scratch_operands = 0 : i64, tpu.core_type = #tpu.core_type<tc>} {
    %get3A = arith.constant 0 : index
    %get3A_0 = arith.constant 0 : index
    %get3A_1 = vector.load %arg0[%get3A, %get3A_0] : memref<10000x128xf32, #tpu.memory_space<vmem>>, vector<10000x128xf32>
    %get3A_2 = arith.constant 0 : index
    %get3A_3 = arith.constant 0 : index
    %get3A_4 = vector.load %arg1[%get3A_2, %get3A_3] : memref<128x256xf32, #tpu.memory_space<vmem>>, vector<128x256xf32>
    %dot_general3A = arith.constant dense<0.000000e+00> : vector<10000x256xf32>
    %dot_general3A_5 = tpu.matmul %get3A_1, %get3A_4, %dot_general3A {dimension_numbers = #tpu.dot_dimension_numbers<[1], [0], [0], [1], [0, 0, 1, 1], [], []>, transpose_lhs_hint = false} : vector<10000x128xf32>, vector<128x256xf32>, vector<10000x256xf32> -> vector<10000x256xf32>
    %slice3A = vector.extract_strided_slice %dot_general3A_5 {offsets = [0, 0], sizes = [10000, 128], strides = [1, 1]} : vector<10000x256xf32> to vector<10000x128xf32>
    %convert_element_type3A = arith.truncf %slice3A : vector<10000x128xf32> to vector<10000x128xbf16>
    %bitcast_convert_type3A = tpu.bitcast %convert_element_type3A : vector<10000x128xbf16> -> vector<10000x128xi16>
    %convert_element_type3A_6 = arith.extui %bitcast_convert_type3A : vector<10000x128xi16> to vector<10000x128xi32>
    %slice3A_7 = vector.extract_strided_slice %dot_general3A_5 {offsets = [0, 128], sizes = [10000, 128], strides = [1, 1]} : vector<10000x256xf32> to vector<10000x128xf32>
    %convert_element_type3A_8 = arith.truncf %slice3A_7 : vector<10000x128xf32> to vector<10000x128xbf16>
    %bitcast_convert_type3A_9 = tpu.bitcast %convert_element_type3A_8 : vector<10000x128xbf16> -> vector<10000x128xi16>
    %convert_element_type3A_10 = arith.extui %bitcast_convert_type3A_9 : vector<10000x128xi16> to vector<10000x128xi32>
    %shift_left3A = arith.constant 16 : i32
    %shift_left3A_11 = vector.broadcast %shift_left3A : i32 to vector<10000x128xi32>
    %shift_left3A_12 = arith.shli %convert_element_type3A_10, %shift_left3A_11 : vector<10000x128xi32>
    %or3A = arith.ori %convert_element_type3A_6, %shift_left3A_12 : vector<10000x128xi32>
    %bitcast_convert_type3A_13 = tpu.bitcast %or3A : vector<10000x128xi32> -> vector<10000x128xi32>
    %swap3A = arith.constant 0 : index
    %swap3A_14 = arith.constant 0 : index
    %swap3A_15 = vector.load %arg2[%swap3A, %swap3A_14] : memref<10000x128xi32, #tpu.memory_space<vmem>>, vector<10000x128xi32>
    tpu.vector_store %arg2[%swap3A, %swap3A_14], %bitcast_convert_type3A_13 {strides = array<i32>} : memref<10000x128xi32, #tpu.memory_space<vmem>>, vector<10000x128xi32>,
    return
  }
}

module attributes {stable_mosaic.version = 14 : i64} {
  func.func @_msg_body(%arg0: i32, %arg1: memref<2000x128xf32, #tpu.memory_space<vmem>>, %arg2: memref<2000x128xi32, #tpu.memory_space<vmem>>, %arg3: memref<2000x128xi32, #tpu.memory_space<vmem>>, %arg4: memref<128x256xf32, #tpu.memory_space<vmem>>, %arg5: memref<256x256xf32, #tpu.memory_space<vmem>>, %arg6: memref<1x256xf32, #tpu.memory_space<vmem>>, %arg7: memref<2x2000x128xf32, #tpu.memory_space<vmem>>) attributes {dimension_semantics = [#tpu.dimension_semantics<arbitrary>], iteration_bounds = array<i64: 80>, scalar_prefetch = 0 : i64, scratch_operands = 0 : i64, tpu.core_type = #tpu.core_type<tc>, window_params = [{transform_indices = @transform_0, window_bounds = array<i64: 2000, 128>}, {transform_indices = @transform_1, window_bounds = array<i64: 2000, 128>}, {transform_indices = @transform_2, window_bounds = array<i64: 2000, 128>}, {pipeline_mode = #tpu.pipeline_mode<synchronous>, transform_indices = @transform_3, window_bounds = array<i64: 128, 256>}, {pipeline_mode = #tpu.pipeline_mode<synchronous>, transform_indices = @transform_4, window_bounds = array<i64: 256, 256>}, {pipeline_mode = #tpu.pipeline_mode<synchronous>, transform_indices = @transform_5, window_bounds = array<i64: 1, 256>}, {transform_indices = @transform_6, window_bounds = array<i64: 2, 2000, 128>}]} {
    %get3A = arith.constant 0 : index
    %get3A_0 = arith.constant 0 : index
    %get3A_1 = vector.load %arg1[%get3A, %get3A_0] : memref<2000x128xf32, #tpu.memory_space<vmem>>, vector<2000x128xf32>
    %get3A_2 = arith.constant 0 : index
    %get3A_3 = arith.constant 0 : index
    %get3A_4 = vector.load %arg4[%get3A_2, %get3A_3] : memref<128x256xf32, #tpu.memory_space<vmem>>, vector<128x256xf32>
    %dot_general3A = arith.constant dense<0.000000e+00> : vector<2000x256xf32>
    %dot_general3A_5 = tpu.matmul %get3A_1, %get3A_4, %dot_general3A {dimension_numbers = #tpu.dot_dimension_numbers<[1], [0], [0], [1], [0, 0, 1, 1], [], []>, transpose_lhs_hint = false} : vector<2000x128xf32>, vector<128x256xf32>, vector<2000x256xf32> -> vector<2000x256xf32>
    %get3A_6 = arith.constant 0 : index
    %get3A_7 = arith.constant 0 : index
    %get3A_8 = vector.load %arg2[%get3A_6, %get3A_7] : memref<2000x128xi32, #tpu.memory_space<vmem>>, vector<2000x128xi32>
    %bitcast_convert_type3A = tpu.bitcast %get3A_8 : vector<2000x128xi32> -> vector<2000x128xi32>
    %shift_left3A = arith.constant 16 : i32
    %shift_left3A_9 = vector.broadcast %shift_left3A : i32 to vector<2000x128xi32>
    %shift_left3A_10 = arith.shli %bitcast_convert_type3A, %shift_left3A_9 : vector<2000x128xi32>
    %bitcast_convert_type3A_11 = tpu.bitcast %shift_left3A_10 : vector<2000x128xi32> -> vector<2000x128xf32>
    %and3A = arith.constant -65536 : i32
    %and3A_12 = vector.broadcast %and3A : i32 to vector<2000x128xi32>
    %and3A_13 = arith.andi %bitcast_convert_type3A, %and3A_12 : vector<2000x128xi32>
    %bitcast_convert_type3A_14 = tpu.bitcast %and3A_13 : vector<2000x128xi32> -> vector<2000x128xf32>
    %get3A_15 = arith.constant 0 : index
    %get3A_16 = arith.constant 0 : index
    %get3A_17 = vector.load %arg3[%get3A_15, %get3A_16] : memref<2000x128xi32, #tpu.memory_space<vmem>>, vector<2000x128xi32>
    %bitcast_convert_type3A_18 = tpu.bitcast %get3A_17 : vector<2000x128xi32> -> vector<2000x128xi32>
    %shift_left3A_19 = arith.constant 16 : i32
    %shift_left3A_20 = vector.broadcast %shift_left3A_19 : i32 to vector<2000x128xi32>
    %shift_left3A_21 = arith.shli %bitcast_convert_type3A_18, %shift_left3A_20 : vector<2000x128xi32>
    %bitcast_convert_type3A_22 = tpu.bitcast %shift_left3A_21 : vector<2000x128xi32> -> vector<2000x128xf32>
    %and3A_23 = arith.constant -65536 : i32
    %and3A_24 = vector.broadcast %and3A_23 : i32 to vector<2000x128xi32>
    %and3A_25 = arith.andi %bitcast_convert_type3A_18, %and3A_24 : vector<2000x128xi32>
    %bitcast_convert_type3A_26 = tpu.bitcast %and3A_25 : vector<2000x128xi32> -> vector<2000x128xf32>
    %slice3A = vector.extract_strided_slice %dot_general3A_5 {offsets = [0, 0], sizes = [2000, 128], strides = [1, 1]} : vector<2000x256xf32> to vector<2000x128xf32>
    %add3A = arith.addf %slice3A, %bitcast_convert_type3A_11 : vector<2000x128xf32>
    %add3A_27 = arith.addf %add3A, %bitcast_convert_type3A_22 : vector<2000x128xf32>
    %tanh3A = math.tanh %add3A_27 : vector<2000x128xf32>
    %slice3A_28 = vector.extract_strided_slice %dot_general3A_5 {offsets = [0, 128], sizes = [2000, 128], strides = [1, 1]} : vector<2000x256xf32> to vector<2000x128xf32>
    %add3A_29 = arith.addf %slice3A_28, %bitcast_convert_type3A_14 : vector<2000x128xf32>
    %add3A_30 = arith.addf %add3A_29, %bitcast_convert_type3A_26 : vector<2000x128xf32>
    %tanh3A_31 = math.tanh %add3A_30 : vector<2000x128xf32>
    %get3A_32 = arith.constant 0 : index
    %get3A_33 = arith.constant 0 : index
    %get3A_34 = vector.load %arg5[%get3A_32, %get3A_33] : memref<256x256xf32, #tpu.memory_space<vmem>>, vector<256x256xf32>
    %slice3A_35 = vector.extract_strided_slice %get3A_34 {offsets = [0, 0], sizes = [128, 256], strides = [1, 1]} : vector<256x256xf32> to vector<128x256xf32>
    %dot_general3A_36 = arith.constant dense<0.000000e+00> : vector<2000x256xf32>
    %dot_general3A_37 = tpu.matmul %tanh3A, %slice3A_35, %dot_general3A_36 {dimension_numbers = #tpu.dot_dimension_numbers<[1], [0], [0], [1], [0, 0, 1, 1], [], []>, transpose_lhs_hint = false} : vector<2000x128xf32>, vector<128x256xf32>, vector<2000x256xf32> -> vector<2000x256xf32>
    %slice3A_38 = vector.extract_strided_slice %get3A_34 {offsets = [128, 0], sizes = [128, 256], strides = [1, 1]} : vector<256x256xf32> to vector<128x256xf32>
    %dot_general3A_39 = arith.constant dense<0.000000e+00> : vector<2000x256xf32>
    %dot_general3A_40 = tpu.matmul %tanh3A_31, %slice3A_38, %dot_general3A_39 {dimension_numbers = #tpu.dot_dimension_numbers<[1], [0], [0], [1], [0, 0, 1, 1], [], []>, transpose_lhs_hint = false} : vector<2000x128xf32>, vector<128x256xf32>, vector<2000x256xf32> -> vector<2000x256xf32>
    %add3A_41 = arith.addf %dot_general3A_37, %dot_general3A_40 : vector<2000x256xf32>
    %get3A_42 = arith.constant 0 : index
    %get3A_43 = arith.constant 0 : index
    %get3A_44 = vector.load %arg6[%get3A_42, %get3A_43] : memref<1x256xf32, #tpu.memory_space<vmem>>, vector<1x256xf32>
    %add3A_45 = vector.broadcast %get3A_44 : vector<1x256xf32> to vector<2000x256xf32>
    %add3A_46 = arith.addf %add3A_41, %add3A_45 : vector<2000x256xf32>
    %slice3A_47 = vector.extract_strided_slice %add3A_46 {offsets = [0, 0], sizes = [2000, 128], strides = [1, 1]} : vector<2000x256xf32> to vector<2000x128xf32>
    %swap3A = arith.constant 0 : index
    %swap3A_48 = arith.constant 0 : index
    %swap3A_49 = arith.constant 0 : index
    %swap3A_50 = vector.load %arg7[%swap3A, %swap3A_48, %swap3A_49] : memref<2x2000x128xf32, #tpu.memory_space<vmem>>, vector<1x2000x128xf32>
    %swap3A_51 = vector.shape_cast %swap3A_50 : vector<1x2000x128xf32> to vector<2000x128xf32>
    %swap3A_52 = vector.shape_cast %slice3A_47 : vector<2000x128xf32> to vector<1x2000x128xf32>
    tpu.vector_store %arg7[%swap3A, %swap3A_48, %swap3A_49], %swap3A_52 {strides = array<i32>} : memref<2x2000x128xf32, #tpu.memory_space<vmem>>, vector<1x2000x128xf32>,
    %slice3A_53 = vector.extract_strided_slice %add3A_46 {offsets = [0, 128], sizes = [2000, 128], strides = [1, 1]} : vector<2000x256xf32> to vector<2000x128xf32>
    %swap3A_54 = arith.constant 1 : index
    %swap3A_55 = arith.constant 0 : index
    %swap3A_56 = arith.constant 0 : index
    %swap3A_57 = vector.load %arg7[%swap3A_54, %swap3A_55, %swap3A_56] : memref<2x2000x128xf32, #tpu.memory_space<vmem>>, vector<1x2000x128xf32>
    %swap3A_58 = vector.shape_cast %swap3A_57 : vector<1x2000x128xf32> to vector<2000x128xf32>
    %swap3A_59 = vector.shape_cast %slice3A_53 : vector<2000x128xf32> to vector<1x2000x128xf32>
    tpu.vector_store %arg7[%swap3A_54, %swap3A_55, %swap3A_56], %swap3A_59 {strides = array<i32>} : memref<2x2000x128xf32, #tpu.memory_space<vmem>>, vector<1x2000x128xf32>,
    return
  }
  func.func @transform_0(%arg0: i32) -> (i32, i32) {
    %c0_i32 = arith.constant 0 : i32
    %c0_i32_0 = arith.constant 0 : i32
    return %arg0, %c0_i32 : i32, i32
  }
  func.func @transform_1(%arg0: i32) -> (i32, i32) {
    %c0_i32 = arith.constant 0 : i32
    %c0_i32_0 = arith.constant 0 : i32
    return %arg0, %c0_i32 : i32, i32
  }
  func.func @transform_2(%arg0: i32) -> (i32, i32) {
    %c0_i32 = arith.constant 0 : i32
    %c0_i32_0 = arith.constant 0 : i32
    return %arg0, %c0_i32 : i32, i32
  }
  func.func @transform_3(%arg0: i32) -> (i32, i32) {
    %c0_i32 = arith.constant 0 : i32
    %c0_i32_0 = arith.constant 0 : i32
    %c0_i32_1 = arith.constant 0 : i32
    return %c0_i32, %c0_i32_0 : i32, i32
  }
  func.func @transform_4(%arg0: i32) -> (i32, i32) {
    %c0_i32 = arith.constant 0 : i32
    %c0_i32_0 = arith.constant 0 : i32
    %c0_i32_1 = arith.constant 0 : i32
    return %c0_i32, %c0_i32_0 : i32, i32
  }
  func.func @transform_5(%arg0: i32) -> (i32, i32) {
    %c0_i32 = arith.constant 0 : i32
    %c0_i32_0 = arith.constant 0 : i32
    %c0_i32_1 = arith.constant 0 : i32
    return %c0_i32, %c0_i32_0 : i32, i32
  }
  func.func @transform_6(%arg0: i32) -> (i32, i32, i32) {
    %c0_i32 = arith.constant 0 : i32
    %c0_i32_0 = arith.constant 0 : i32
    %c0_i32_1 = arith.constant 0 : i32
    return %c0_i32, %arg0, %c0_i32_0 : i32, i32, i32
  }
}

module attributes {stable_mosaic.version = 14 : i64} {
  func.func @_gru_body(%arg0: i32, %arg1: memref<2x1000x128xf32, #tpu.memory_space<vmem>>, %arg2: memref<2x1000x128xf32, #tpu.memory_space<vmem>>, %arg3: memref<1000x128xf32, #tpu.memory_space<vmem>>, %arg4: memref<256x384xf32, #tpu.memory_space<vmem>>, %arg5: memref<128x384xf32, #tpu.memory_space<vmem>>, %arg6: memref<1x384xf32, #tpu.memory_space<vmem>>, %arg7: memref<1x384xf32, #tpu.memory_space<vmem>>, %arg8: memref<1000x4xi32, #tpu.memory_space<vmem>>, %arg9: memref<1x4xi32, #tpu.memory_space<vmem>>, %arg10: memref<1000x128xf32, #tpu.memory_space<vmem>>) attributes {dimension_semantics = [#tpu.dimension_semantics<arbitrary>], iteration_bounds = array<i64: 10>, scalar_prefetch = 0 : i64, scratch_operands = 0 : i64, tpu.core_type = #tpu.core_type<tc>, window_params = [{transform_indices = @transform_0, window_bounds = array<i64: 2, 1000, 128>}, {transform_indices = @transform_1, window_bounds = array<i64: 2, 1000, 128>}, {transform_indices = @transform_2, window_bounds = array<i64: 1000, 128>}, {pipeline_mode = #tpu.pipeline_mode<synchronous>, transform_indices = @transform_3, window_bounds = array<i64: 256, 384>}, {pipeline_mode = #tpu.pipeline_mode<synchronous>, transform_indices = @transform_4, window_bounds = array<i64: 128, 384>}, {pipeline_mode = #tpu.pipeline_mode<synchronous>, transform_indices = @transform_5, window_bounds = array<i64: 1, 384>}, {pipeline_mode = #tpu.pipeline_mode<synchronous>, transform_indices = @transform_6, window_bounds = array<i64: 1, 384>}, {transform_indices = @transform_7, window_bounds = array<i64: 1000, 4>}, {pipeline_mode = #tpu.pipeline_mode<synchronous>, transform_indices = @transform_8, window_bounds = array<i64: 1, 4>}, {transform_indices = @transform_9, window_bounds = array<i64: 1000, 128>}]} {
    %get3A = arith.constant 0 : index
    %get3A_0 = arith.constant 0 : index
    %get3A_1 = vector.load %arg3[%get3A, %get3A_0] : memref<1000x128xf32, #tpu.memory_space<vmem>>, vector<1000x128xf32>
    %get3A_2 = arith.constant 0 : index
    %get3A_3 = arith.constant 0 : index
    %get3A_4 = arith.constant 0 : index
    %get3A_5 = vector.load %arg1[%get3A_2, %get3A_3, %get3A_4] : memref<2x1000x128xf32, #tpu.memory_space<vmem>>, vector<1x1000x128xf32>
    %get3A_6 = vector.shape_cast %get3A_5 : vector<1x1000x128xf32> to vector<1000x128xf32>
    %get3A_7 = arith.constant 0 : index
    %get3A_8 = arith.constant 0 : index
    %get3A_9 = arith.constant 0 : index
    %get3A_10 = vector.load %arg2[%get3A_7, %get3A_8, %get3A_9] : memref<2x1000x128xf32, #tpu.memory_space<vmem>>, vector<1x1000x128xf32>
    %get3A_11 = vector.shape_cast %get3A_10 : vector<1x1000x128xf32> to vector<1000x128xf32>
    %add3A = arith.addf %get3A_6, %get3A_11 : vector<1000x128xf32>
    %get3A_12 = arith.constant 1 : index
    %get3A_13 = arith.constant 0 : index
    %get3A_14 = arith.constant 0 : index
    %get3A_15 = vector.load %arg1[%get3A_12, %get3A_13, %get3A_14] : memref<2x1000x128xf32, #tpu.memory_space<vmem>>, vector<1x1000x128xf32>
    %get3A_16 = vector.shape_cast %get3A_15 : vector<1x1000x128xf32> to vector<1000x128xf32>
    %get3A_17 = arith.constant 1 : index
    %get3A_18 = arith.constant 0 : index
    %get3A_19 = arith.constant 0 : index
    %get3A_20 = vector.load %arg2[%get3A_17, %get3A_18, %get3A_19] : memref<2x1000x128xf32, #tpu.memory_space<vmem>>, vector<1x1000x128xf32>
    %get3A_21 = vector.shape_cast %get3A_20 : vector<1x1000x128xf32> to vector<1000x128xf32>
    %add3A_22 = arith.addf %get3A_16, %get3A_21 : vector<1000x128xf32>
    %get3A_23 = arith.constant 0 : index
    %get3A_24 = arith.constant 0 : index
    %get3A_25 = vector.load %arg4[%get3A_23, %get3A_24] : memref<256x384xf32, #tpu.memory_space<vmem>>, vector<256x384xf32>
    %slice3A = vector.extract_strided_slice %get3A_25 {offsets = [0, 0], sizes = [128, 384], strides = [1, 1]} : vector<256x384xf32> to vector<128x384xf32>
    %dot_general3A = arith.constant dense<0.000000e+00> : vector<1000x384xf32>
    %dot_general3A_26 = tpu.matmul %add3A, %slice3A, %dot_general3A {dimension_numbers = #tpu.dot_dimension_numbers<[1], [0], [0], [1], [0, 0, 1, 1], [], []>, transpose_lhs_hint = false} : vector<1000x128xf32>, vector<128x384xf32>, vector<1000x384xf32> -> vector<1000x384xf32>
    %get3A_27 = arith.constant 0 : index
    %get3A_28 = arith.constant 0 : index
    %get3A_29 = vector.load %arg4[%get3A_27, %get3A_28] : memref<256x384xf32, #tpu.memory_space<vmem>>, vector<256x384xf32>
    %slice3A_30 = vector.extract_strided_slice %get3A_29 {offsets = [128, 0], sizes = [128, 384], strides = [1, 1]} : vector<256x384xf32> to vector<128x384xf32>
    %dot_general3A_31 = arith.constant dense<0.000000e+00> : vector<1000x384xf32>
    %dot_general3A_32 = tpu.matmul %add3A_22, %slice3A_30, %dot_general3A_31 {dimension_numbers = #tpu.dot_dimension_numbers<[1], [0], [0], [1], [0, 0, 1, 1], [], []>, transpose_lhs_hint = false} : vector<1000x128xf32>, vector<128x384xf32>, vector<1000x384xf32> -> vector<1000x384xf32>
    %add3A_33 = arith.addf %dot_general3A_26, %dot_general3A_32 : vector<1000x384xf32>
    %get3A_34 = arith.constant 0 : index
    %get3A_35 = arith.constant 0 : index
    %get3A_36 = vector.load %arg6[%get3A_34, %get3A_35] : memref<1x384xf32, #tpu.memory_space<vmem>>, vector<1x384xf32>
    %add3A_37 = vector.broadcast %get3A_36 : vector<1x384xf32> to vector<1000x384xf32>
    %add3A_38 = arith.addf %add3A_33, %add3A_37 : vector<1000x384xf32>
    %get3A_39 = arith.constant 0 : index
    %get3A_40 = arith.constant 0 : index
    %get3A_41 = vector.load %arg5[%get3A_39, %get3A_40] : memref<128x384xf32, #tpu.memory_space<vmem>>, vector<128x384xf32>
    %dot_general3A_42 = arith.constant dense<0.000000e+00> : vector<1000x384xf32>
    %dot_general3A_43 = tpu.matmul %get3A_1, %get3A_41, %dot_general3A_42 {dimension_numbers = #tpu.dot_dimension_numbers<[1], [0], [0], [1], [0, 0, 1, 1], [], []>, transpose_lhs_hint = false} : vector<1000x128xf32>, vector<128x384xf32>, vector<1000x384xf32> -> vector<1000x384xf32>
    %get3A_44 = arith.constant 0 : index
    %get3A_45 = arith.constant 0 : index
    %get3A_46 = vector.load %arg7[%get3A_44, %get3A_45] : memref<1x384xf32, #tpu.memory_space<vmem>>, vector<1x384xf32>
    %add3A_47 = vector.broadcast %get3A_46 : vector<1x384xf32> to vector<1000x384xf32>
    %add3A_48 = arith.addf %dot_general3A_43, %add3A_47 : vector<1000x384xf32>
    %slice3A_49 = vector.extract_strided_slice %add3A_38 {offsets = [0, 0], sizes = [1000, 128], strides = [1, 1]} : vector<1000x384xf32> to vector<1000x128xf32>
    %slice3A_50 = vector.extract_strided_slice %add3A_48 {offsets = [0, 0], sizes = [1000, 128], strides = [1, 1]} : vector<1000x384xf32> to vector<1000x128xf32>
    %add3A_51 = arith.addf %slice3A_49, %slice3A_50 : vector<1000x128xf32>
    %logistic3A = arith.negf %add3A_51 : vector<1000x128xf32>
    %logistic3A_52 = math.exp %logistic3A : vector<1000x128xf32>
    %logistic3A_53 = arith.constant 1.000000e+00 : f32
    %logistic3A_54 = vector.broadcast %logistic3A_53 : f32 to vector<1000x128xf32>
    %logistic3A_55 = arith.addf %logistic3A_54, %logistic3A_52 : vector<1000x128xf32>
    %logistic3A_56 = arith.divf %logistic3A_54, %logistic3A_55 : vector<1000x128xf32>
    %slice3A_57 = vector.extract_strided_slice %add3A_38 {offsets = [0, 128], sizes = [1000, 128], strides = [1, 1]} : vector<1000x384xf32> to vector<1000x128xf32>
    %slice3A_58 = vector.extract_strided_slice %add3A_48 {offsets = [0, 128], sizes = [1000, 128], strides = [1, 1]} : vector<1000x384xf32> to vector<1000x128xf32>
    %add3A_59 = arith.addf %slice3A_57, %slice3A_58 : vector<1000x128xf32>
    %logistic3A_60 = arith.negf %add3A_59 : vector<1000x128xf32>
    %logistic3A_61 = math.exp %logistic3A_60 : vector<1000x128xf32>
    %logistic3A_62 = arith.constant 1.000000e+00 : f32
    %logistic3A_63 = vector.broadcast %logistic3A_62 : f32 to vector<1000x128xf32>
    %logistic3A_64 = arith.addf %logistic3A_63, %logistic3A_61 : vector<1000x128xf32>
    %logistic3A_65 = arith.divf %logistic3A_63, %logistic3A_64 : vector<1000x128xf32>
    %slice3A_66 = vector.extract_strided_slice %add3A_38 {offsets = [0, 256], sizes = [1000, 128], strides = [1, 1]} : vector<1000x384xf32> to vector<1000x128xf32>
    %slice3A_67 = vector.extract_strided_slice %add3A_48 {offsets = [0, 256], sizes = [1000, 128], strides = [1, 1]} : vector<1000x384xf32> to vector<1000x128xf32>
    %mul3A = arith.mulf %logistic3A_56, %slice3A_67 : vector<1000x128xf32>
    %add3A_68 = arith.addf %slice3A_66, %mul3A : vector<1000x128xf32>
    %tanh3A = math.tanh %add3A_68 : vector<1000x128xf32>
    %sub3A = arith.constant 1.000000e+00 : f32
    %sub3A_69 = vector.broadcast %sub3A : f32 to vector<1000x128xf32>
    %sub3A_70 = arith.subf %sub3A_69, %logistic3A_65 : vector<1000x128xf32>
    %mul3A_71 = arith.mulf %sub3A_70, %tanh3A : vector<1000x128xf32>
    %mul3A_72 = arith.mulf %logistic3A_65, %get3A_1 : vector<1000x128xf32>
    %add3A_73 = arith.addf %mul3A_71, %mul3A_72 : vector<1000x128xf32>
    %get3A_74 = arith.constant 0 : index
    %get3A_75 = arith.constant 0 : index
    %get3A_76 = vector.load %arg8[%get3A_74, %get3A_75] : memref<1000x4xi32, #tpu.memory_space<vmem>>, vector<1000x4xi32>
    %get3A_77 = arith.constant 0 : index
    %get3A_78 = arith.constant 0 : index
    %get3A_79 = vector.load %arg9[%get3A_77, %get3A_78] : memref<1x4xi32, #tpu.memory_space<vmem>>, vector<1x4xi32>
    %mul3A_80 = vector.broadcast %get3A_79 : vector<1x4xi32> to vector<1000x4xi32>
    %mul3A_81 = arith.muli %get3A_76, %mul3A_80 : vector<1000x4xi32>
    %reduce_sum3A = arith.constant dense<0> : vector<1000xi32>
    %reduce_sum3A_82 = vector.multi_reduction <add>, %mul3A_81, %reduce_sum3A [1] : vector<1000x4xi32> to vector<1000xi32>
    %gt3A = arith.constant 0 : i32
    %gt3A_83 = vector.broadcast %gt3A : i32 to vector<1000xi32>
    %gt3A_84 = arith.cmpi sgt, %reduce_sum3A_82, %gt3A_83 : vector<1000xi32>
    %broadcast_in_dim3A = vector.shape_cast %gt3A_84 : vector<1000xi1> to vector<1000x1xi1>
    %broadcast_in_dim3A_85 = vector.shape_cast %broadcast_in_dim3A : vector<1000x1xi1> to vector<1000x1xi1>
    %broadcast_in_dim3A_86 = vector.broadcast %broadcast_in_dim3A_85 : vector<1000x1xi1> to vector<1000x128xi1>
    %select_n3A = arith.select %broadcast_in_dim3A_86, %add3A_73, %get3A_1 : vector<1000x128xi1>, vector<1000x128xf32>
    %swap3A = arith.constant 0 : index
    %swap3A_87 = arith.constant 0 : index
    %swap3A_88 = vector.load %arg10[%swap3A, %swap3A_87] : memref<1000x128xf32, #tpu.memory_space<vmem>>, vector<1000x128xf32>
    tpu.vector_store %arg10[%swap3A, %swap3A_87], %select_n3A {strides = array<i32>} : memref<1000x128xf32, #tpu.memory_space<vmem>>, vector<1000x128xf32>,
    return
  }
  func.func @transform_0(%arg0: i32) -> (i32, i32, i32) {
    %c0_i32 = arith.constant 0 : i32
    %c0_i32_0 = arith.constant 0 : i32
    %c0_i32_1 = arith.constant 0 : i32
    return %c0_i32, %arg0, %c0_i32_0 : i32, i32, i32
  }
  func.func @transform_1(%arg0: i32) -> (i32, i32, i32) {
    %c0_i32 = arith.constant 0 : i32
    %c0_i32_0 = arith.constant 0 : i32
    %c0_i32_1 = arith.constant 0 : i32
    return %c0_i32, %arg0, %c0_i32_0 : i32, i32, i32
  }
  func.func @transform_2(%arg0: i32) -> (i32, i32) {
    %c0_i32 = arith.constant 0 : i32
    %c0_i32_0 = arith.constant 0 : i32
    return %arg0, %c0_i32 : i32, i32
  }
  func.func @transform_3(%arg0: i32) -> (i32, i32) {
    %c0_i32 = arith.constant 0 : i32
    %c0_i32_0 = arith.constant 0 : i32
    %c0_i32_1 = arith.constant 0 : i32
    return %c0_i32, %c0_i32_0 : i32, i32
  }
  func.func @transform_4(%arg0: i32) -> (i32, i32) {
    %c0_i32 = arith.constant 0 : i32
    %c0_i32_0 = arith.constant 0 : i32
    %c0_i32_1 = arith.constant 0 : i32
    return %c0_i32, %c0_i32_0 : i32, i32
  }
  func.func @transform_5(%arg0: i32) -> (i32, i32) {
    %c0_i32 = arith.constant 0 : i32
    %c0_i32_0 = arith.constant 0 : i32
    %c0_i32_1 = arith.constant 0 : i32
    return %c0_i32, %c0_i32_0 : i32, i32
  }
  func.func @transform_6(%arg0: i32) -> (i32, i32) {
    %c0_i32 = arith.constant 0 : i32
    %c0_i32_0 = arith.constant 0 : i32
    %c0_i32_1 = arith.constant 0 : i32
    return %c0_i32, %c0_i32_0 : i32, i32
  }
  func.func @transform_7(%arg0: i32) -> (i32, i32) {
    %c0_i32 = arith.constant 0 : i32
    %c0_i32_0 = arith.constant 0 : i32
    return %arg0, %c0_i32 : i32, i32
  }
  func.func @transform_8(%arg0: i32) -> (i32, i32) {
    %c0_i32 = arith.constant 0 : i32
    %c0_i32_0 = arith.constant 0 : i32
    %c0_i32_1 = arith.constant 0 : i32
    return %c0_i32, %c0_i32_0 : i32, i32
  }
  func.func @transform_9(%arg0: i32) -> (i32, i32) {
    %c0_i32 = arith.constant 0 : i32
    %c0_i32_0 = arith.constant 0 : i32
    return %arg0, %c0_i32 : i32, i32
  }
}

</mosaic_0001>

<sc_bundles>
// kernel: kernel.10.cloned.1.call-start
scs
__scs_entry_jumppad:
0x0: {  	(pc) =	sbr.rel $0x88, $3  }
0x1: {  	(tag) =	ssettag $0x0;
	lr =	simm.s32 $0x1  }
0x2: {  	[smem:$0x3F93] =	sst lr;
	_ =	strace $0xD0000000  }
0x3: {  	_ = 	snop  }
0x4: {  	_ = 	snop  }
0x5: {  	_ = 	snop  }
0x6: {  	_ = 	snop  }
0x7: {  	_ = 	snop  }
__scs_overlays_trampoline_lowered:
0x8: {  	[smem:$0x3FA2] =	sst s0  }
0x9: {  	[smem:$0x3FA3] =	sst s1  }
0xa: {  	[smem:$0x3FA4] =	sst s2  }
0xb: {  	[smem:$0x3FA5] =	sst s3  }
0xc: {  	[smem:$0x3FA6] =	sst s4  }
0xd: {  	[smem:$0x3FA7] =	sst s5  }
0xe: {  	[smem:$0x3FA8] =	sst s6  }
0xf: {  	[smem:$0x3FA9] =	sst s7  }
0x10: {  	[smem:$0x3FAA] =	sst s8  }
0x11: {  	[smem:$0x3FAB] =	sst s9;
	s0 =	simm.s32 @!p0 $0x0  }
0x12: {  	s1 =	sld [smem:$0x3F91];
	s0 =	simm.s32 @p0 $0x1  }
0x13: {  	[smem:$0x3FAC] =	sst s0;
	s0 =	simm.s32 @!p1 $0x0  }
0x14: {  	s2 =	sld [smem:$0x3F90];
	s0 =	simm.s32 @p1 $0x1  }
0x15: {  	[smem:$0x3FAD] =	sst s0;
	s0 =	simm.s32 @!p2 $0x0  }
0x16: {  	s3 =	sld [smem:$0x3FDB];
	s0 =	simm.s32 @p2 $0x1  }
0x17: {  	s4 =	simm.s32 $0x1BF5;
	[smem:$0x3FAF] =	sst s0  }
0x18: {  	s0 =	sld [smem:$0x3F92];
	_ =	swait.ge [sflag:s4], $0x0  }
0x19: {  	s7 =	sld [smem:$0x3F93]  }
0x1a: {  	s8 =	sadd.s32 $0xFFFFE003, lr  }
0x1b: {  	s9 =	sadd.s32 $0xFFFFFEF7, lr;
	s5 =	simm.s32 $0xFFFFFFFF;
	p2 =	slt.u32 s8, $0xFFFFF086  }
0x1c: {  	p1 =	slt.u32 s9, $0xF7A;
	s5 =	simm.s32 @!p2 $0x0  }
0x1d: {  	s5 =	simm.s32 @p1 $0x1;
	p0 =	seq.s32 s7, s2  }
0x1e: {  	s7 =	smul.u32 @!p0 $0xF7A, s2;
	p2 =	seq.s32 @!p0 s5, $0x0  }
0x1f: {  	s9 =	smul.u32 $0xF7A, s1;
	s8 =	simm.s32 @!p0 $0x1BF5;
	p2 =	por !p2, p0  }
0x20: {  	[sflag:s8] =	ssyncset.s32 @!p0 $0xFFFFF086;
	s6 =	sadd.s32 @!p0 s3, s7;
	s7 =	simm.s32 @!p0 $0x108  }
0x21: {  	s3 =	sadd.s32 s3, s9;
	s6 =	sadd.s32 @!p0 $0x88, s6;
	s7 =	simm.s32 @p2 $0x1082  }
0x22: {  	[simem:s7], [sflag:s8] =	dma.local @!p0 [hbm:s6], $0xF7A  }
0x23: {  	s9 =	sor.u32 $0xD0000000, s2;
	s6 =	simm.s32 $0x108;
	_ =	swait.ge @!p0 [sflag:s8], $0x0  }
0x24: {  	s3 =	sadd.s32 $0x88, s3;
	s6 =	simm.s32 @!p1 $0x1082;
	[sflag:s4] =	ssyncset.s32 $0xFFFFF086  }
0x25: {  	[simem:s6], [sflag:s4] =	dma.local [hbm:s3], $0xF7A  }
0x26: {  	[smem:$0x3F93] =	sst s1;
	(tag) =	ssettag s2;
	_ =	strace s9  }
0x27: {  	s1 =	sld [smem:$0x3FA3]  }
0x28: {  	s2 =	sld [smem:$0x3FA4]  }
0x29: {  	s4 =	sld [smem:$0x3FA6]  }
0x2a: {  	p0 =	seq.s32 s5, $0x0;
	s5 =	sld [smem:$0x3FA7]  }
0x2b: {  	s6 =	sld [smem:$0x3FA8]  }
0x2c: {  	s7 =	sld [smem:$0x3FA9]  }
0x2d: {  	s3 =	simm.s32 $0x108;
	s8 =	sld [smem:$0x3FAA]  }
0x2e: {  	s3 =	simm.s32 @!p0 $0x1082;
	s9 =	sld [smem:$0x3FAB]  }
0x2f: {  	lr =	sadd.s32 s0, s3;
	s0 =	sld [smem:$0x3FA2]  }
0x30: {  	s3 =	sld [smem:$0x3FA5]  }
0x31: {  	[smem:$0x3FAE] =	sst s10  }
0x32: {  	s10 =	sld [smem:$0x3FAC];
	_ =	sdelay $0x3  }
0x33: {  	p0 =	seq.s32 s10, $0x1;
	s10 =	sld [smem:$0x3FAE];
	_ =	sdelay $0x3  }
0x34: {  	[smem:$0x3FAE] =	sst s10  }
0x35: {  	s10 =	sld [smem:$0x3FAD];
	_ =	sdelay $0x3  }
0x36: {  	p1 =	seq.s32 s10, $0x1;
	s10 =	sld [smem:$0x3FAE];
	_ =	sdelay $0x3  }
0x37: {  	[smem:$0x3FAE] =	sst s10  }
0x38: {  	s10 =	sld [smem:$0x3FAF]  }
0x39: {  	_ = 	snop;
	(pc) =	sbr.ind lr, $3  }
0x3a: {  	_ = 	snop  }
0x3b: {  	_ = 	snop  }
0x3c: {  	p2 =	seq.s32 s10, $0x1;
	s10 =	sld [smem:$0x3FAE]  }
0x3d: {  	_ =	shalt  }
0x3e: {  	_ =	shalt  }
0x3f: {  	_ =	shalt  }
0x40: {  	_ =	shalt  }
0x41: {  	_ =	shalt  }
0x42: {  	_ =	shalt  }
0x43: {  	_ =	shalt  }
0x44: {  	_ =	shalt  }
0x45: {  	_ =	shalt  }
0x46: {  	_ =	shalt  }
0x47: {  	_ =	shalt  }
0x48: {  	_ =	shalt  }
0x49: {  	_ =	shalt  }
0x4a: {  	_ =	shalt  }
0x4b: {  	_ =	shalt  }
0x4c: {  	_ =	shalt  }
0x4d: {  	_ =	shalt  }
0x4e: {  	_ =	shalt  }
0x4f: {  	_ =	shalt  }
0x50: {  	_ =	shalt  }
0x51: {  	_ =	shalt  }
0x52: {  	_ =	shalt  }
0x53: {  	_ =	shalt  }
0x54: {  	_ =	shalt  }
0x55: {  	_ =	shalt  }
0x56: {  	_ =	shalt  }
0x57: {  	_ =	shalt  }
0x58: {  	_ =	shalt  }
0x59: {  	_ =	shalt  }
0x5a: {  	_ =	shalt  }
0x5b: {  	_ =	shalt  }
0x5c: {  	_ =	shalt  }
0x5d: {  	_ =	shalt  }
0x5e: {  	_ =	shalt  }
0x5f: {  	_ =	shalt  }
0x60: {  	_ =	shalt  }
0x61: {  	_ =	shalt  }
0x62: {  	_ =	shalt  }
0x63: {  	_ =	shalt  }
0x64: {  	_ =	shalt  }
0x65: {  	_ =	shalt  }
0x66: {  	_ =	shalt  }
0x67: {  	_ =	shalt  }
0x68: {  	_ =	shalt  }
0x69: {  	_ =	shalt  }
0x6a: {  	_ =	shalt  }
0x6b: {  	_ =	shalt  }
0x6c: {  	_ =	shalt  }
0x6d: {  	_ =	shalt  }
0x6e: {  	_ =	shalt  }
0x6f: {  	_ =	shalt  }
0x70: {  	_ =	shalt  }
0x71: {  	_ =	shalt  }
0x72: {  	_ =	shalt  }
0x73: {  	_ =	shalt  }
0x74: {  	_ =	shalt  }
0x75: {  	_ =	shalt  }
0x76: {  	_ =	shalt  }
0x77: {  	_ =	shalt  }
0x78: {  	_ =	shalt  }
0x79: {  	_ =	shalt  }
0x7a: {  	_ =	shalt  }
0x7b: {  	_ =	shalt  }
0x7c: {  	_ =	shalt  }
0x7d: {  	_ =	shalt  }
0x7e: {  	_ =	shalt  }
0x7f: {  	_ =	shalt  }
0x80: {  	_ =	shalt  }
0x81: {  	_ =	shalt  }
0x82: {  	_ =	shalt  }
0x83: {  	_ =	shalt  }
0x84: {  	_ =	shalt  }
0x85: {  	_ =	shalt  }
0x86: {  	_ =	shalt  }
0x87: {  	_ =	shalt  }
.Lfunc_end0:
.L_simem_size_0:
called_computation_lowered:
.L_overlay_start_0:
0x88: {  	s2 =	sld [smem:$0x3FD9]  }
0x89: {  	s3 =	sld [smem:$0x3FFE];
	_ =	sdelay $0x1  }
0x8a: {  	s1 =	srdreg.scid  }
0x8b: {  	s0 =	sand.u32 $0x1, s1  }
0x8c: {  	s17 =	sshll.u32 s0, $0xA;
	s2 =	sadd.s32 s3, s2  }
0x8d: {  	s2 =	sadd.s32 s2, s17  }
0x8e: {  	[smem:$0x3FBA] =	sst s2  }
0x8f: {  	_ = 	snop  }
0x90: {  	s18 =	sld [smem:$0x3FD0];
	(tm) =	ssettm $0x1  }
0x91: {  	s19 =	sld [smem:$0x3FFB];
	_ =	sdelay $0x3  }
0x92: {  	_ =	strace s19  }
0x93: {  	s2 =	sld [smem:$0x3FFC];
	_ =	sdelay $0x3  }
0x94: {  	_ =	strace s2  }
0x95: {  	s2 =	sld [smem:$0x3FFD];
	_ =	sdelay $0x3  }
0x96: {  	_ =	strace s2  }
0x97: {  	_ =	strace $0x8FFFFFFF  }
0x98: {  	s20 =	sld [smem:$0x3FDB];
	_ =	sdelay $0x1  }
0x99: {  	s4 =	simm.s32 $_scs_section_size  }
0x9a: {  	s5 =	simm.s32 $_size__tile_overlayer_lowered;
	s6 =	simm.s32 $_tile_overlayer_lowered  }
0x9b: {  	s7 =	simm.s32 $0x1BFF;
	s21 =	sshll.u32 s6, $0x1;
	s4 =	sadd.s32 s4, s20  }
0x9c: {  	s22 =	simm.s32 $0x0;
	s5 =	sshll.u32 s5, $0x1;
	s6 =	sadd.s32 s21, s4  }
0x9d: {  	[timem:s22], [sflag:s7] =	dma.local [hbm:s6], s5  }
0x9e: {  	_ =	swait.ge [sflag:s7], s5  }
0x9f: {  	s5 =	ssub.s32 $0x0, s5;
	[sflag:s7] =	ssyncset.done $0x0  }
0xa0: {  	[sflag:s7] =	ssyncadd.s32 s5;
	_ =	sdelay $0x1  }
0xa1: {  	s23 =	simm.s32 $0x1B8B  }
0xa2: {  	_ =	swait.ge [sflag:s23], $0x1  }
0xa3: {  	[sflag:s23] =	ssyncset.done $0x0  }
0xa4: {  	[sflag:s23] =	ssyncadd.s32 $0xFFFFFFFF  }
0xa5: {  	s5 =	sld [smem:$0x0]  }
0xa6: {  	s6 =	sand.u32 $0xFFFFFFFE, s1  }
0xa7: {  	p0 =	sne.s32 s1, s6  }
0xa8: {  	s6 =	sshll.u32 @p0 s6, $0xE  }
0xa9: {  	s6 =	sadd.s32 @p0 $0x11B8D, s6;
	s7 =	sshll.u32 @p0 s5, $0x11  }
0xaa: {  	s6 =	sor.u32 @p0 s7, s6  }
0xab: {  	[sflag:s6] =	ssyncadd.remote.s32 @p0 $0x1;
	_ =	sdelay $0x1  }
0xac: {  	s6 =	simm.s32 @p0 $0x1B8D  }
0xad: {  	_ =	swait.eq @p0 [sflag:s6], $0x1  }
0xae: {  	[sflag:s6] =	ssyncadd.s32 @p0 $0xFFFFFFFF  }
0xaf: {  	s7 =	sshll.u32 @!p0 s1, $0xE  }
0xb0: {  	s7 =	sor.u32 @!p0 $0x4000, s7;
	s6 =	simm.s32 @!p0 $0x1B8D  }
0xb1: {  	s5 =	sshll.u32 @!p0 s5, $0x11;
	s7 =	sadd.s32 @!p0 $0x11B8D, s7;
	_ =	swait.eq @!p0 [sflag:s6], $0x1  }
0xb2: {  	s5 =	sor.u32 @!p0 s5, s7;
	[sflag:s6] =	ssyncadd.s32 @!p0 $0xFFFFFFFF  }
0xb3: {  	s25 =	simm.s32 $0x1B8E;
	s24 =	sld [smem:$0x3FFE];
	[sflag:s5] =	ssyncadd.remote.s32 @!p0 $0x1  }
0xb4: {  	s26 =	simm.s32 $execute0_lowered;
	[smem:$0x3FD2] =	sst s25  }
0xb5: {  	s6 =	sshll.u32 s26, $0x1;
	_ =	strace $0x80000049;
	[dreg:$0x1] =	wrdreg $0xFFFFFFFF  }
0xb6: {  	s28 =	simm.s32 $_size_execute0_lowered;
	s4 =	sadd.s32 s4, s6;
	[dreg:$0x0] =	wrdreg $0x0  }
0xb7: {  	s6 =	sshll.u32 s28, $0x1;
	[dreg:$0x2] =	wrdreg s4  }
0xb8: {  	[dreg:$0x3] =	wrdreg s6  }
0xb9: {  	[dreg:$0x4] =	wrdreg $0xC0  }
0xba: {  	_ =	task [dreg:s22], $0x5FFFF  }
0xbb: {  	[dreg:$0x1] =	wrdreg $0xFFFFFFFF  }
0xbc: {  	[dreg:$0x0] =	wrdreg $0x60  }
0xbd: {  	[dreg:$0x2] =	wrdreg s18  }
0xbe: {  	[dreg:$0x3] =	wrdreg s24  }
0xbf: {  	[dreg:$0x4] =	wrdreg $0x9  }
0xc0: {  	_ =	task.clear_ibuf [dreg:s22], $0x5FFFF;
	_ =	strace $0x90000049  }
0xc1: {  	s29 =	simm.s32 $0x9;
	_ =	strace $0x8000004B  }
0xc2: {  	_ =	swait.ge [sflag:s29], $0x1  }
0xc3: {  	[sflag:s29] =	ssyncadd.s32 $0xFFFFFFFF  }
0xc4: {  	_ =	strace $0x9000004B  }
0xc5: {  	_ =	sfence  }
0xc6: {  	s30 =	sld [smem:$0x0];
	_ =	sdelay $0x2  }
0xc7: {  	s31 =	sshll.u32 s1, $0xD;
	s1 =	sshrl.u32 s1, $0x2  }
0xc8: {  	s4 =	sand.u32 $0x4000, s31;
	s1 =	sadd.s32 s1, s30  }
0xc9: {  	s0 =	sor.u32 s4, s0;
	s1 =	sshll.u32 s1, $0x11  }
0xca: {  	s0 =	sor.u32 s1, s0  }
0xcb: {  	s0 =	sadd.s32 $0x8F2B, s0  }
0xcc: {  	[sflag:s0] =	ssyncadd.remote.s32 $0x1  }
0xcd: {  	_ =	sfence.sel $0xFFFF  }
0xce: {  	[dreg:$0x0] =	wrdreg $0xFFFFFFFF;
	(pc) =	sbr.abs _section_cstart, $3  }
0xcf: {  	[dreg:$0x1] =	wrdreg $0xFFFFFFFF  }
0xd0: {  	_ =	task.clear_ibuf [dreg:s22], $0x2FFFF;
	_ =	strace $0x9FFFFFFF  }
0xd1: {  	(tm) =	ssettm $0x7FFFFFFF  }
tec
execute0_lowered:
.L_overlay_start_1:
0x0: {  	(tag) =	ssettag $0x1  }
0x1: {  	s2 =	rddreg [dreg:$0x0]  }
0x2: {  	s0 =	rddreg [dreg:$0x1];
	s1 =	srdreg.scid  }
0x3: {  	s14 =	stileid.u32;
	s3 =	simm.s32 $0x0;
	s15 =	simm.s32 $0x5  }
0x4: {  	s16 =	simm.s32 $0x4000;
	s17 =	simm.s32 $0x28;
	s18 =	simm.s32 $0x8000  }
0x5: {  	s19 =	simm.s32 $0x9400;
	s21 =	simm.s32 $0xA800;
	s23 =	simm.s32 $0xBC00  }
0x6: {  	s24 =	simm.s32 $0x1;
	s25 =	simm.s32 $0x3;
	s26 =	simm.s32 $0x2  }
0x7: {  	s28 =	simm.s32 $0x4;
	s30 =	simm.s32 $0x7E00;
	s31 =	simm.s32 $0x0  }
0x8: {  	s1 =	sand.u32 $0x1, s1;
	s4 =	sshll.u32 s14, $0x1;
	[smem:$0x7FF] =	sst s3  }
0x9: {  	s13 =	sadd.s32 $0x53AA00, s0;
	s14 =	smul.u32 $0x27100, s14;
	s4 =	sor.u32 s1, s4  }
0xa: {  	_ =	strace $0x8000004A;
	s7 =	ssub.s32 $0x2, s1;
	s1 =	smul.u32 $0x13880, s1  }
0xb: {  	s5 =	sshll.u32 s4, $0xB;
	s6 =	smul.u32 $0x9C400, s4;
	s8 =	sshrl.u32 s7, $0x1  }
0xc: {  	s10 =	smul.u32 $0x13880, s4;
	s5 =	sadd.s32 s5, s0;
	s0 =	sadd.s32 $0x7ABA00, s0  }
0xd: {  	s8 =	ssub.s32 s7, s8;
	s6 =	sshrl.u32 s6, $0x3;
	s4 =	sadd.s32 $0x51AA00, s5  }
0xe: {  	s5 =	sadd.s32 $0x52AA00, s5;
	s11 =	sadd.s32 $0x13100, s10;
	s12 =	sadd.s32 $0x13380, s10  }
0xf: {  	s29 =	sadd.s32 $0x13600, s6;
	s9 =	sadd.s32 s13, s11;
	s10 =	sadd.s32 s0, s11  }
0x10: {  	s11 =	sadd.s32 s13, s12;
	s12 =	sadd.s32 s0, s12;
	s6 =	sadd.s32 s13, s29  }
0x11: {  	s7 =	sadd.s32 s0, s29;
	s13 =	sadd.s32 s14, s13;
	s0 =	sadd.s32 s14, s0  }
0x12: {  	s8 =	smax.u32 s8, $0x1;
	s13 =	sadd.s32 s1, s13;
	s14 =	sadd.s32 s1, s0  }
.LBB2_1:
0x13: {  	[tilespmem:s3], [sflag:$0x5] =	stream.linear.gather [hbm4b:s4+s3], $0x3E80, $0x38;
	[tilespmem:$0xD000] =	vst v63  }
0x14: {  	_ =	swait.ge [sflag:s15], $0x3E80  }
0x15: {  	[sflag:s15] =	ssyncset.done $0x0  }
0x16: {  	[sflag:s15] =	ssyncadd.s32 $0xFFFFC180  }
0x17: {  	[tilespmem:s16], [sflag:$0x5] =	stream.linear.gather [hbm4b:s5+s3], $0x3E80, $0x38;
	[tilespmem:$0xD000] =	vst v63  }
0x18: {  	_ =	swait.ge [sflag:s15], $0x3E80  }
0x19: {  	[sflag:s15] =	ssyncset.done $0x0  }
0x1a: {  	[sflag:s15] =	ssyncadd.s32 $0xFFFFC180  }
0x1b: {  	[tilespmem:s18], [sflag:$0x1] =	stream.indirect.gather [hbm4b:s2+s17], $0x80, s3, s17, $0xb8;
	[tilespmem:$0xD000] =	vst v63  }
0x1c: {  	_ = 	snop  }
0x1d: {  	[tilespmem:s19], [sflag:$0x1] =	stream.indirect.gather [hbm4b:s2+s17], $0x80, s16, s17, $0xb8;
	[tilespmem:$0xD000] =	vst v63  }
0x1e: {  	s0 =	simm.s32 $0x80  }
0x1f: {  	[tilespmem:s21], [sflag:$0x2] =	stream.indirect.gather [hbm4b:s2+s17], $0x80, s0, s17, $0xb8;
	[tilespmem:$0xD000] =	vst v63  }
0x20: {  	s20 =	simm.s32 $0x4080  }
0x21: {  	[tilespmem:s23], [sflag:$0x2] =	stream.indirect.gather [hbm4b:s2+s17], $0x80, s20, s17, $0xb8;
	[tilespmem:$0xD000] =	vst v63  }
0x22: {  	_ =	swait.ge [sflag:s24], $0x1400  }
0x23: {  	[sflag:s24] =	ssyncset.done $0x0  }
0x24: {  	[sflag:s24] =	ssyncadd.s32 $0xFFFFEC00  }
0x25: {  	_ =	swait.ge [sflag:s24], $0x1400  }
0x26: {  	[sflag:s24] =	ssyncset.done $0x0  }
0x27: {  	s22 =	sadd.s32 $0x0, s13;
	[sflag:s24] =	ssyncadd.s32 $0xFFFFEC00  }
0x28: {  	[hbm4b:s22+s3] =	stream.linear.scatter [tilespmem:s18], [sflag:$0x3], $0x1400, $0x38;
	[tilespmem:$0xD000] =	vst v63  }
0x29: {  	s1 =	sadd.s32 $0x0, s14  }
0x2a: {  	[hbm4b:s1+s3] =	stream.linear.scatter [tilespmem:s19], [sflag:$0x3], $0x1400, $0x38;
	[tilespmem:$0xD000] =	vst v63  }
0x2b: {  	_ =	swait.ge [sflag:s25], $0x1400  }
0x2c: {  	[sflag:s25] =	ssyncset.done $0x0  }
0x2d: {  	[sflag:s25] =	ssyncadd.s32 $0xFFFFEC00  }
0x2e: {  	_ =	swait.ge [sflag:s25], $0x1400  }
0x2f: {  	[sflag:s25] =	ssyncset.done $0x0  }
0x30: {  	s20 =	simm.s32 $0x100;
	[sflag:s25] =	ssyncadd.s32 $0xFFFFEC00  }
0x31: {  	[tilespmem:s18], [sflag:$0x1] =	stream.indirect.gather [hbm4b:s2+s17], $0x80, s20, s17, $0xb8;
	[tilespmem:$0xD000] =	vst v63  }
0x32: {  	s29 =	simm.s32 $0x4100  }
0x33: {  	[tilespmem:s19], [sflag:$0x1] =	stream.indirect.gather [hbm4b:s2+s17], $0x80, s29, s17, $0xb8;
	[tilespmem:$0xD000] =	vst v63  }
0x34: {  	_ =	swait.ge [sflag:s26], $0x1400  }
0x35: {  	[sflag:s26] =	ssyncset.done $0x0  }
0x36: {  	[sflag:s26] =	ssyncadd.s32 $0xFFFFEC00  }
0x37: {  	_ =	swait.ge [sflag:s26], $0x1400  }
0x38: {  	[sflag:s26] =	ssyncset.done $0x0  }
0x39: {  	s0 =	sadd.s32 $0x280, s22;
	[sflag:s26] =	ssyncadd.s32 $0xFFFFEC00  }
0x3a: {  	[hbm4b:s0+s3] =	stream.linear.scatter [tilespmem:s21], [sflag:$0x4], $0x1400, $0x38;
	[tilespmem:$0xD000] =	vst v63  }
0x3b: {  	s22 =	sadd.s32 $0x280, s1  }
0x3c: {  	[hbm4b:s22+s3] =	stream.linear.scatter [tilespmem:s23], [sflag:$0x4], $0x1400, $0x38;
	[tilespmem:$0xD000] =	vst v63  }
0x3d: {  	_ =	swait.ge [sflag:s28], $0x1400  }
0x3e: {  	[sflag:s28] =	ssyncset.done $0x0  }
0x3f: {  	[sflag:s28] =	ssyncadd.s32 $0xFFFFEC00  }
0x40: {  	s1 =	simm.s32 $0x4200;
	_ =	swait.ge [sflag:s28], $0x1400  }
0x41: {  	s20 =	simm.s32 $0x200;
	s29 =	simm.s32 $0x180;
	[sflag:s28] =	ssyncset.done $0x0  }
0x42: {  	s0 =	simm.s32 $0x500;
	s22 =	simm.s32 $0x4180;
	[sflag:s28] =	ssyncadd.s32 $0xFFFFEC00  }
0x43: {  	[tilespmem:s21], [sflag:$0x2] =	stream.indirect.gather [hbm4b:s2+s17], $0x80, s29, s17, $0xb8;
	[tilespmem:$0xD000] =	vst v63  }
.LBB2_2:
0x44: {  	[tilespmem:s23], [sflag:$0x2] =	stream.indirect.gather [hbm4b:s2+s17], $0x80, s22, s17, $0xb8;
	[tilespmem:$0xD000] =	vst v63  }
0x45: {  	s22 =	smov.u32 s0  }
0x46: {  	p0 =	sne.s32 s0, $0x12C00;
	s0 =	sadd.s32 $0x500, s0;
	_ =	swait.ge [sflag:s24], $0x1400  }
0x47: {  	[sflag:s24] =	ssyncset.done $0x0  }
0x48: {  	[sflag:s24] =	ssyncadd.s32 $0xFFFFEC00  }
0x49: {  	_ =	swait.ge [sflag:s24], $0x1400  }
0x4a: {  	[sflag:s24] =	ssyncset.done $0x0  }
0x4b: {  	s29 =	sadd.s32 s22, s13;
	[sflag:s24] =	ssyncadd.s32 $0xFFFFEC00  }
0x4c: {  	[hbm4b:s29+s3] =	stream.linear.scatter [tilespmem:s18], [sflag:$0x3], $0x1400, $0x38;
	[tilespmem:$0xD000] =	vst v63  }
0x4d: {  	s22 =	sadd.s32 s22, s14  }
0x4e: {  	[hbm4b:s22+s3] =	stream.linear.scatter [tilespmem:s19], [sflag:$0x3], $0x1400, $0x38;
	[tilespmem:$0xD000] =	vst v63  }
0x4f: {  	_ =	swait.ge [sflag:s25], $0x1400  }
0x50: {  	[sflag:s25] =	ssyncset.done $0x0  }
0x51: {  	[sflag:s25] =	ssyncadd.s32 $0xFFFFEC00  }
0x52: {  	_ =	swait.ge [sflag:s25], $0x1400  }
0x53: {  	[sflag:s25] =	ssyncset.done $0x0  }
0x54: {  	[sflag:s25] =	ssyncadd.s32 $0xFFFFEC00  }
0x55: {  	[tilespmem:s18], [sflag:$0x1] =	stream.indirect.gather [hbm4b:s2+s17], $0x80, s20, s17, $0xb8;
	[tilespmem:$0xD000] =	vst v63  }
0x56: {  	_ = 	snop  }
0x57: {  	[tilespmem:s19], [sflag:$0x1] =	stream.indirect.gather [hbm4b:s2+s17], $0x80, s1, s17, $0xb8;
	[tilespmem:$0xD000] =	vst v63  }
0x58: {  	_ =	swait.ge [sflag:s26], $0x1400  }
0x59: {  	[sflag:s26] =	ssyncset.done $0x0  }
0x5a: {  	[sflag:s26] =	ssyncadd.s32 $0xFFFFEC00  }
0x5b: {  	_ =	swait.ge [sflag:s26], $0x1400  }
0x5c: {  	[sflag:s26] =	ssyncset.done $0x0  }
0x5d: {  	s29 =	sadd.s32 $0x280, s29;
	[sflag:s26] =	ssyncadd.s32 $0xFFFFEC00  }
0x5e: {  	[hbm4b:s29+s3] =	stream.linear.scatter [tilespmem:s21], [sflag:$0x4], $0x1400, $0x38;
	[tilespmem:$0xD000] =	vst v63  }
0x5f: {  	s22 =	sadd.s32 $0x280, s22  }
0x60: {  	[hbm4b:s22+s3] =	stream.linear.scatter [tilespmem:s23], [sflag:$0x4], $0x1400, $0x38;
	[tilespmem:$0xD000] =	vst v63  }
0x61: {  	_ =	swait.ge [sflag:s28], $0x1400  }
0x62: {  	[sflag:s28] =	ssyncset.done $0x0  }
0x63: {  	[sflag:s28] =	ssyncadd.s32 $0xFFFFEC00  }
.Ltmp0:
0x64: {  	_ =	swait.ge [sflag:s28], $0x1400;
	(pc) =	sbr.rel @p0 .LBB2_2-.Ltmp0, $4  }
0x65: {  	[sflag:s28] =	ssyncset.done $0x0  }
0x66: {  	s22 =	sadd.s32 $0x80, s20;
	[sflag:s28] =	ssyncadd.s32 $0xFFFFEC00  }
0x67: {  	[tilespmem:s21], [sflag:$0x2] =	stream.indirect.gather [hbm4b:s2+s17], $0x80, s22, s17, $0xb8;
	[tilespmem:$0xD000] =	vst v63  }
0x68: {  	s20 =	sadd.s32 $0x100, s20;
	s22 =	sadd.s32 $0x80, s1;
	s1 =	sadd.s32 $0x100, s1  }
0x69: {  	[tilespmem:s23], [sflag:$0x2] =	stream.indirect.gather [hbm4b:s2+s17], $0x80, s22, s17, $0xb8;
	[tilespmem:$0xD000] =	vst v63  }
0x6a: {  	_ =	swait.ge [sflag:s24], $0x1400  }
0x6b: {  	[sflag:s24] =	ssyncset.done $0x0  }
0x6c: {  	[sflag:s24] =	ssyncadd.s32 $0xFFFFEC00  }
0x6d: {  	_ =	swait.ge [sflag:s24], $0x1400  }
0x6e: {  	[sflag:s24] =	ssyncset.done $0x0  }
0x6f: {  	[sflag:s24] =	ssyncadd.s32 $0xFFFFEC00  }
0x70: {  	[hbm4b:s9+s3] =	stream.linear.scatter [tilespmem:s18], [sflag:$0x3], $0x1400, $0x38;
	[tilespmem:$0xD000] =	vst v63  }
0x71: {  	_ = 	snop  }
0x72: {  	[hbm4b:s10+s3] =	stream.linear.scatter [tilespmem:s19], [sflag:$0x3], $0x1400, $0x38;
	[tilespmem:$0xD000] =	vst v63  }
0x73: {  	_ =	swait.ge [sflag:s25], $0x1400  }
0x74: {  	[sflag:s25] =	ssyncset.done $0x0  }
0x75: {  	[sflag:s25] =	ssyncadd.s32 $0xFFFFEC00  }
0x76: {  	_ =	swait.ge [sflag:s25], $0x1400  }
0x77: {  	[sflag:s25] =	ssyncset.done $0x0  }
0x78: {  	s0 =	simm.s32 $0x3E00;
	[sflag:s25] =	ssyncadd.s32 $0xFFFFEC00  }
0x79: {  	[tilespmem:s18], [sflag:$0x1] =	stream.indirect.gather [hbm4b:s2+s17], $0x80, s0, s17, $0xb8;
	[tilespmem:$0xD000] =	vst v63  }
0x7a: {  	_ = 	snop  }
0x7b: {  	[tilespmem:s19], [sflag:$0x1] =	stream.indirect.gather [hbm4b:s2+s17], $0x80, s30, s17, $0xb8;
	[tilespmem:$0xD000] =	vst v63  }
0x7c: {  	_ =	swait.ge [sflag:s26], $0x1400  }
0x7d: {  	[sflag:s26] =	ssyncset.done $0x0  }
0x7e: {  	[sflag:s26] =	ssyncadd.s32 $0xFFFFEC00  }
0x7f: {  	_ =	swait.ge [sflag:s26], $0x1400  }
0x80: {  	[sflag:s26] =	ssyncset.done $0x0  }
0x81: {  	[sflag:s26] =	ssyncadd.s32 $0xFFFFEC00  }
0x82: {  	[hbm4b:s11+s3] =	stream.linear.scatter [tilespmem:s21], [sflag:$0x4], $0x1400, $0x38;
	[tilespmem:$0xD000] =	vst v63  }
0x83: {  	_ = 	snop  }
0x84: {  	[hbm4b:s12+s3] =	stream.linear.scatter [tilespmem:s23], [sflag:$0x4], $0x1400, $0x38;
	[tilespmem:$0xD000] =	vst v63  }
0x85: {  	_ =	swait.ge [sflag:s24], $0x1400  }
0x86: {  	[sflag:s24] =	ssyncset.done $0x0  }
0x87: {  	[sflag:s24] =	ssyncadd.s32 $0xFFFFEC00  }
0x88: {  	_ =	swait.ge [sflag:s24], $0x1400  }
0x89: {  	[sflag:s24] =	ssyncset.done $0x0  }
0x8a: {  	[sflag:s24] =	ssyncadd.s32 $0xFFFFEC00  }
0x8b: {  	[hbm4b:s6+s3] =	stream.linear.scatter [tilespmem:s18], [sflag:$0x3], $0x1400, $0x38;
	[tilespmem:$0xD000] =	vst v63  }
0x8c: {  	_ = 	snop  }
0x8d: {  	[hbm4b:s7+s3] =	stream.linear.scatter [tilespmem:s19], [sflag:$0x3], $0x1400, $0x38;
	[tilespmem:$0xD000] =	vst v63  }
0x8e: {  	_ =	swait.ge [sflag:s25], $0x1400  }
0x8f: {  	[sflag:s25] =	ssyncset.done $0x0  }
0x90: {  	[sflag:s25] =	ssyncadd.s32 $0xFFFFEC00  }
0x91: {  	_ =	swait.ge [sflag:s25], $0x1400  }
0x92: {  	[sflag:s25] =	ssyncset.done $0x0  }
0x93: {  	s31 =	sadd.s32 $0x1, s31;
	[sflag:s25] =	ssyncadd.s32 $0xFFFFEC00  }
0x94: {  	p0 =	sne.s32 s31, s8;
	_ =	swait.ge [sflag:s28], $0x1400  }
.Ltmp1:
0x95: {  	[sflag:s28] =	ssyncset.done $0x0;
	(pc) =	sbr.rel @p0 .LBB2_1-.Ltmp1, $4  }
0x96: {  	[sflag:s28] =	ssyncadd.s32 $0xFFFFEC00  }
0x97: {  	_ =	swait.ge [sflag:s28], $0x1400  }
0x98: {  	[sflag:s28] =	ssyncset.done $0x0  }
0x99: {  	[sflag:s28] =	ssyncadd.s32 $0xFFFFEC00  }
0x9a: {  	_ =	sfence.sel $0x180000  }
0x9b: {  	[bflag:$0x0] =	sbarrier.arrive $0xFFFF  }
0x9c: {  	_ =	strace $0x9000004A  }
0x9d: {  	s0 =	stileid.u32;
	[bflag:$0x2] =	sbarrier.arrive $0xFFFF  }
0x9e: {  	p0 =	sne.s32 s0, $0x0;
	s0 =	rddreg [dreg:$0x2]  }
0x9f: {  	s0 =	sadd.s32 @!p0 $0x100000, s0  }
0xa0: {  	[sflag:s0] =	ssyncadd.tile.s32 @!p0 $0x1;
	_ =	shalt  }
.Lfunc_end2:
_tile_overlayer_lowered:
.L_overlay_start_2:
0xa1: {  	(tag) =	ssettag $0x2  }
0xa2: {  	s0 =	rddreg [dreg:$0x0];
	s2 =	stileid.u32  }
0xa3: {  	s1 =	rddreg [dreg:$0x1];
	p0 =	sne.s32 s2, $0x0  }
0xa4: {  	s3 =	rddreg [dreg:$0x2];
	[bflag:$0x3] =	sbarrier.arrive $0xFFFF;
	s2 =	simm.s32 @!p0 $0x1C05  }
0xa5: {  	[timem:s3], [sflag:s2] =	dma.local @!p0 [hbm:s0], s1  }
0xa6: {  	s0 =	simm.s32 @!p0 $0x5  }
0xa7: {  	_ =	swait.ge @!p0 [sflag:s0], s1  }
0xa8: {  	s1 =	ssub.s32 @!p0 $0x0, s1;
	[sflag:s0] =	ssyncset.done @!p0 $0x0  }
0xa9: {  	[sflag:s0] =	ssyncadd.s32 @!p0 s1  }
0xaa: {  	[bflag:$0x3] =	sbarrier.arrive $0xFFFF  }
0xab: {  	_ =	shalt  }

// kernel: kernel.13.cloned.1.call-start
scs
__scs_entry_jumppad:
0x0: {  	(pc) =	sbr.rel $0x88, $3  }
0x1: {  	(tag) =	ssettag $0x0;
	lr =	simm.s32 $0x1  }
0x2: {  	[smem:$0x3F93] =	sst lr;
	_ =	strace $0xD0000000  }
0x3: {  	_ = 	snop  }
0x4: {  	_ = 	snop  }
0x5: {  	_ = 	snop  }
0x6: {  	_ = 	snop  }
0x7: {  	_ = 	snop  }
__scs_overlays_trampoline_lowered:
0x8: {  	[smem:$0x3FA2] =	sst s0  }
0x9: {  	[smem:$0x3FA3] =	sst s1  }
0xa: {  	[smem:$0x3FA4] =	sst s2  }
0xb: {  	[smem:$0x3FA5] =	sst s3  }
0xc: {  	[smem:$0x3FA6] =	sst s4  }
0xd: {  	[smem:$0x3FA7] =	sst s5  }
0xe: {  	[smem:$0x3FA8] =	sst s6  }
0xf: {  	[smem:$0x3FA9] =	sst s7  }
0x10: {  	[smem:$0x3FAA] =	sst s8  }
0x11: {  	[smem:$0x3FAB] =	sst s9;
	s0 =	simm.s32 @!p0 $0x0  }
0x12: {  	s1 =	sld [smem:$0x3F91];
	s0 =	simm.s32 @p0 $0x1  }
0x13: {  	[smem:$0x3FAC] =	sst s0;
	s0 =	simm.s32 @!p1 $0x0  }
0x14: {  	s2 =	sld [smem:$0x3F90];
	s0 =	simm.s32 @p1 $0x1  }
0x15: {  	[smem:$0x3FAD] =	sst s0;
	s0 =	simm.s32 @!p2 $0x0  }
0x16: {  	s3 =	sld [smem:$0x3FDB];
	s0 =	simm.s32 @p2 $0x1  }
0x17: {  	s4 =	simm.s32 $0x1BF5;
	[smem:$0x3FAF] =	sst s0  }
0x18: {  	s0 =	sld [smem:$0x3F92];
	_ =	swait.ge [sflag:s4], $0x0  }
0x19: {  	s7 =	sld [smem:$0x3F93]  }
0x1a: {  	s8 =	sadd.s32 $0xFFFFE003, lr  }
0x1b: {  	s9 =	sadd.s32 $0xFFFFFEF7, lr;
	s5 =	simm.s32 $0xFFFFFFFF;
	p2 =	slt.u32 s8, $0xFFFFF086  }
0x1c: {  	p1 =	slt.u32 s9, $0xF7A;
	s5 =	simm.s32 @!p2 $0x0  }
0x1d: {  	s5 =	simm.s32 @p1 $0x1;
	p0 =	seq.s32 s7, s2  }
0x1e: {  	s7 =	smul.u32 @!p0 $0xF7A, s2;
	p2 =	seq.s32 @!p0 s5, $0x0  }
0x1f: {  	s9 =	smul.u32 $0xF7A, s1;
	s8 =	simm.s32 @!p0 $0x1BF5;
	p2 =	por !p2, p0  }
0x20: {  	[sflag:s8] =	ssyncset.s32 @!p0 $0xFFFFF086;
	s6 =	sadd.s32 @!p0 s3, s7;
	s7 =	simm.s32 @!p0 $0x108  }
0x21: {  	s3 =	sadd.s32 s3, s9;
	s6 =	sadd.s32 @!p0 $0x88, s6;
	s7 =	simm.s32 @p2 $0x1082  }
0x22: {  	[simem:s7], [sflag:s8] =	dma.local @!p0 [hbm:s6], $0xF7A  }
0x23: {  	s9 =	sor.u32 $0xD0000000, s2;
	s6 =	simm.s32 $0x108;
	_ =	swait.ge @!p0 [sflag:s8], $0x0  }
0x24: {  	s3 =	sadd.s32 $0x88, s3;
	s6 =	simm.s32 @!p1 $0x1082;
	[sflag:s4] =	ssyncset.s32 $0xFFFFF086  }
0x25: {  	[simem:s6], [sflag:s4] =	dma.local [hbm:s3], $0xF7A  }
0x26: {  	[smem:$0x3F93] =	sst s1;
	(tag) =	ssettag s2;
	_ =	strace s9  }
0x27: {  	s1 =	sld [smem:$0x3FA3]  }
0x28: {  	s2 =	sld [smem:$0x3FA4]  }
0x29: {  	s4 =	sld [smem:$0x3FA6]  }
0x2a: {  	p0 =	seq.s32 s5, $0x0;
	s5 =	sld [smem:$0x3FA7]  }
0x2b: {  	s6 =	sld [smem:$0x3FA8]  }
0x2c: {  	s7 =	sld [smem:$0x3FA9]  }
0x2d: {  	s3 =	simm.s32 $0x108;
	s8 =	sld [smem:$0x3FAA]  }
0x2e: {  	s3 =	simm.s32 @!p0 $0x1082;
	s9 =	sld [smem:$0x3FAB]  }
0x2f: {  	lr =	sadd.s32 s0, s3;
	s0 =	sld [smem:$0x3FA2]  }
0x30: {  	s3 =	sld [smem:$0x3FA5]  }
0x31: {  	[smem:$0x3FAE] =	sst s10  }
0x32: {  	s10 =	sld [smem:$0x3FAC];
	_ =	sdelay $0x3  }
0x33: {  	p0 =	seq.s32 s10, $0x1;
	s10 =	sld [smem:$0x3FAE];
	_ =	sdelay $0x3  }
0x34: {  	[smem:$0x3FAE] =	sst s10  }
0x35: {  	s10 =	sld [smem:$0x3FAD];
	_ =	sdelay $0x3  }
0x36: {  	p1 =	seq.s32 s10, $0x1;
	s10 =	sld [smem:$0x3FAE];
	_ =	sdelay $0x3  }
0x37: {  	[smem:$0x3FAE] =	sst s10  }
0x38: {  	s10 =	sld [smem:$0x3FAF]  }
0x39: {  	_ = 	snop;
	(pc) =	sbr.ind lr, $3  }
0x3a: {  	_ = 	snop  }
0x3b: {  	_ = 	snop  }
0x3c: {  	p2 =	seq.s32 s10, $0x1;
	s10 =	sld [smem:$0x3FAE]  }
0x3d: {  	_ =	shalt  }
0x3e: {  	_ =	shalt  }
0x3f: {  	_ =	shalt  }
0x40: {  	_ =	shalt  }
0x41: {  	_ =	shalt  }
0x42: {  	_ =	shalt  }
0x43: {  	_ =	shalt  }
0x44: {  	_ =	shalt  }
0x45: {  	_ =	shalt  }
0x46: {  	_ =	shalt  }
0x47: {  	_ =	shalt  }
0x48: {  	_ =	shalt  }
0x49: {  	_ =	shalt  }
0x4a: {  	_ =	shalt  }
0x4b: {  	_ =	shalt  }
0x4c: {  	_ =	shalt  }
0x4d: {  	_ =	shalt  }
0x4e: {  	_ =	shalt  }
0x4f: {  	_ =	shalt  }
0x50: {  	_ =	shalt  }
0x51: {  	_ =	shalt  }
0x52: {  	_ =	shalt  }
0x53: {  	_ =	shalt  }
0x54: {  	_ =	shalt  }
0x55: {  	_ =	shalt  }
0x56: {  	_ =	shalt  }
0x57: {  	_ =	shalt  }
0x58: {  	_ =	shalt  }
0x59: {  	_ =	shalt  }
0x5a: {  	_ =	shalt  }
0x5b: {  	_ =	shalt  }
0x5c: {  	_ =	shalt  }
0x5d: {  	_ =	shalt  }
0x5e: {  	_ =	shalt  }
0x5f: {  	_ =	shalt  }
0x60: {  	_ =	shalt  }
0x61: {  	_ =	shalt  }
0x62: {  	_ =	shalt  }
0x63: {  	_ =	shalt  }
0x64: {  	_ =	shalt  }
0x65: {  	_ =	shalt  }
0x66: {  	_ =	shalt  }
0x67: {  	_ =	shalt  }
0x68: {  	_ =	shalt  }
0x69: {  	_ =	shalt  }
0x6a: {  	_ =	shalt  }
0x6b: {  	_ =	shalt  }
0x6c: {  	_ =	shalt  }
0x6d: {  	_ =	shalt  }
0x6e: {  	_ =	shalt  }
0x6f: {  	_ =	shalt  }
0x70: {  	_ =	shalt  }
0x71: {  	_ =	shalt  }
0x72: {  	_ =	shalt  }
0x73: {  	_ =	shalt  }
0x74: {  	_ =	shalt  }
0x75: {  	_ =	shalt  }
0x76: {  	_ =	shalt  }
0x77: {  	_ =	shalt  }
0x78: {  	_ =	shalt  }
0x79: {  	_ =	shalt  }
0x7a: {  	_ =	shalt  }
0x7b: {  	_ =	shalt  }
0x7c: {  	_ =	shalt  }
0x7d: {  	_ =	shalt  }
0x7e: {  	_ =	shalt  }
0x7f: {  	_ =	shalt  }
0x80: {  	_ =	shalt  }
0x81: {  	_ =	shalt  }
0x82: {  	_ =	shalt  }
0x83: {  	_ =	shalt  }
0x84: {  	_ =	shalt  }
0x85: {  	_ =	shalt  }
0x86: {  	_ =	shalt  }
0x87: {  	_ =	shalt  }
.Lfunc_end0:
.L_simem_size_0:
called_computation.1_lowered:
.L_overlay_start_0:
0x88: {  	s2 =	sld [smem:$0x3FD9]  }
0x89: {  	s3 =	sld [smem:$0x3FFE];
	_ =	sdelay $0x1  }
0x8a: {  	s1 =	srdreg.scid  }
0x8b: {  	s0 =	sand.u32 $0x1, s1  }
0x8c: {  	s17 =	sshll.u32 s0, $0xA;
	s2 =	sadd.s32 s3, s2  }
0x8d: {  	s2 =	sadd.s32 s2, s17  }
0x8e: {  	[smem:$0x3FBA] =	sst s2  }
0x8f: {  	_ = 	snop  }
0x90: {  	(tm) =	ssettm $0x1  }
0x91: {  	s18 =	sld [smem:$0x3FFB];
	_ =	sdelay $0x3  }
0x92: {  	_ =	strace s18  }
0x93: {  	s2 =	sld [smem:$0x3FFC];
	_ =	sdelay $0x3  }
0x94: {  	_ =	strace s2  }
0x95: {  	s2 =	sld [smem:$0x3FFD];
	_ =	sdelay $0x3  }
0x96: {  	_ =	strace s2  }
0x97: {  	_ =	strace $0x8FFFFFFF  }
0x98: {  	s19 =	sld [smem:$0x3FDB];
	_ =	sdelay $0x1  }
0x99: {  	s20 =	simm.s32 $_scs_section_size  }
0x9a: {  	s4 =	simm.s32 $_size__tile_overlayer_lowered;
	s5 =	simm.s32 $_tile_overlayer_lowered  }
0x9b: {  	s6 =	simm.s32 $0x1BFF;
	s21 =	sshll.u32 s5, $0x1;
	s3 =	sadd.s32 s20, s19  }
0x9c: {  	s22 =	simm.s32 $0x0;
	s4 =	sshll.u32 s4, $0x1;
	s5 =	sadd.s32 s21, s3  }
0x9d: {  	[timem:s22], [sflag:s6] =	dma.local [hbm:s5], s4  }
0x9e: {  	_ =	swait.ge [sflag:s6], s4  }
0x9f: {  	s4 =	ssub.s32 $0x0, s4;
	[sflag:s6] =	ssyncset.done $0x0  }
0xa0: {  	[sflag:s6] =	ssyncadd.s32 s4;
	_ =	sdelay $0x1  }
0xa1: {  	s23 =	simm.s32 $0x1B8B  }
0xa2: {  	_ =	swait.ge [sflag:s23], $0x1  }
0xa3: {  	[sflag:s23] =	ssyncset.done $0x0  }
0xa4: {  	[sflag:s23] =	ssyncadd.s32 $0xFFFFFFFF  }
0xa5: {  	s4 =	sld [smem:$0x0]  }
0xa6: {  	s5 =	sand.u32 $0xFFFFFFFE, s1  }
0xa7: {  	p0 =	sne.s32 s1, s5  }
0xa8: {  	s5 =	sshll.u32 @p0 s5, $0xE  }
0xa9: {  	s5 =	sadd.s32 @p0 $0x11B8D, s5;
	s6 =	sshll.u32 @p0 s4, $0x11  }
0xaa: {  	s5 =	sor.u32 @p0 s6, s5  }
0xab: {  	[sflag:s5] =	ssyncadd.remote.s32 @p0 $0x1;
	_ =	sdelay $0x1  }
0xac: {  	s5 =	simm.s32 @p0 $0x1B8D  }
0xad: {  	_ =	swait.eq @p0 [sflag:s5], $0x1  }
0xae: {  	[sflag:s5] =	ssyncadd.s32 @p0 $0xFFFFFFFF  }
0xaf: {  	s6 =	sshll.u32 @!p0 s1, $0xE  }
0xb0: {  	s6 =	sor.u32 @!p0 $0x4000, s6;
	s5 =	simm.s32 @!p0 $0x1B8D  }
0xb1: {  	s4 =	sshll.u32 @!p0 s4, $0x11;
	s6 =	sadd.s32 @!p0 $0x11B8D, s6;
	_ =	swait.eq @!p0 [sflag:s5], $0x1  }
0xb2: {  	s4 =	sor.u32 @!p0 s4, s6;
	[sflag:s5] =	ssyncadd.s32 @!p0 $0xFFFFFFFF  }
0xb3: {  	s25 =	simm.s32 $0x1B8E;
	s24 =	sld [smem:$0x3FFE];
	[sflag:s4] =	ssyncadd.remote.s32 @!p0 $0x1  }
0xb4: {  	s26 =	simm.s32 $execute0_lowered;
	[smem:$0x3FD2] =	sst s25  }
0xb5: {  	s5 =	sshll.u32 s26, $0x1;
	_ =	strace $0x8000004F;
	[dreg:$0x1] =	wrdreg $0xFFFFFFFF  }
0xb6: {  	s28 =	simm.s32 $_size_execute0_lowered;
	s3 =	sadd.s32 s3, s5;
	[dreg:$0x0] =	wrdreg $0x0  }
0xb7: {  	s5 =	sshll.u32 s28, $0x1;
	[dreg:$0x2] =	wrdreg s3  }
0xb8: {  	[dreg:$0x3] =	wrdreg s5  }
0xb9: {  	[dreg:$0x4] =	wrdreg $0xC0  }
0xba: {  	_ =	task [dreg:s22], $0x5FFFF  }
0xbb: {  	[dreg:$0x1] =	wrdreg $0xFFFFFFFF  }
0xbc: {  	[dreg:$0x0] =	wrdreg $0x60  }
0xbd: {  	[dreg:$0x2] =	wrdreg s24  }
0xbe: {  	[dreg:$0x3] =	wrdreg $0x52000  }
0xbf: {  	[dreg:$0x4] =	wrdreg $0x9  }
0xc0: {  	_ =	task.clear_ibuf [dreg:s22], $0x5FFFF;
	_ =	strace $0x9000004F  }
0xc1: {  	s29 =	simm.s32 $0x9;
	_ =	strace $0x80000051  }
0xc2: {  	_ =	swait.ge [sflag:s29], $0x1  }
0xc3: {  	[sflag:s29] =	ssyncadd.s32 $0xFFFFFFFF  }
0xc4: {  	_ =	strace $0x90000051  }
0xc5: {  	_ =	sfence  }
0xc6: {  	s30 =	sld [smem:$0x0];
	_ =	sdelay $0x2  }
0xc7: {  	s31 =	sshll.u32 s1, $0xD;
	s1 =	sshrl.u32 s1, $0x2  }
0xc8: {  	s4 =	sand.u32 $0x4000, s31;
	s1 =	sadd.s32 s1, s30  }
0xc9: {  	s0 =	sor.u32 s4, s0;
	s1 =	sshll.u32 s1, $0x11  }
0xca: {  	s0 =	sor.u32 s1, s0  }
0xcb: {  	s0 =	sadd.s32 $0x8F2B, s0  }
0xcc: {  	[sflag:s0] =	ssyncadd.remote.s32 $0x1  }
0xcd: {  	_ =	sfence.sel $0xFFFF  }
0xce: {  	[dreg:$0x0] =	wrdreg $0xFFFFFFFF;
	(pc) =	sbr.abs _section_cstart, $3  }
0xcf: {  	[dreg:$0x1] =	wrdreg $0xFFFFFFFF  }
0xd0: {  	_ =	task.clear_ibuf [dreg:s22], $0x2FFFF;
	_ =	strace $0x9FFFFFFF  }
0xd1: {  	(tm) =	ssettm $0x7FFFFFFF  }
tec
execute0_lowered:
.L_overlay_start_1:
0x0: {  	(tag) =	ssettag $0x1  }
0x1: {  	s0 =	rddreg [dreg:$0x0]  }
0x2: {  	s1 =	rddreg [dreg:$0x1];
	s2 =	simm.s32 $0x0;
	s4 =	stileid.u32  }
0x3: {  	s6 =	srdreg.scid;
	s28 =	simm.s32 $0x2A00;
	s29 =	simm.s32 $0x1  }
0x4: {  	s30 =	simm.s32 $0x50;
	s31 =	simm.s32 $0x2;
	[smem:$0x7FF] =	sst s2  }
0x5: {  	s3 =	sadd.s32 $0x18A00, s0;
	s5 =	smul.u32 $0x13800, s4;
	s7 =	sadd.s32 $0xEA00, s0  }
0x6: {  	s8 =	sadd.s32 $0x13A00, s0;
	s10 =	sand.u32 $0x1, s6;
	s21 =	smul.u32 $0x4E000, s4  }
0x7: {  	s11 =	sadd.s32 $0xA94E00, s0;
	s14 =	smul.u32 $0x2710, s4;
	s24 =	sshll.u32 s4, $0x6  }
0x8: {  	s25 =	smul.u32 $0x138800, s4;
	s15 =	sadd.s32 $0x138000, s1;
	p0 =	sne.s32 s4, $0x0  }
0x9: {  	_ =	strace $0x80000050;
	s12 =	ssub.s32 $0x2, s10;
	s22 =	smul.u32 $0x1388000, s10  }
0xa: {  	[dreg:$0x5] =	wrdreg s15;
	s10 =	smul.u32 $0x138800, s10;
	s9 =	sshrl.u32 s5, $0x3  }
0xb: {  	s13 =	sshrl.u32 s12, $0x1;
	s6 =	sshrl.u32 s21, $0x2;
	s26 =	sshrl.u32 s14, $0x3  }
0xc: {  	s14 =	sadd.s32 $0x50, s14;
	s9 =	sadd.s32 s9, s0;
	s12 =	ssub.s32 s12, s13  }
0xd: {  	s6 =	sadd.s32 s6, s1;
	s0 =	sadd.s32 $0xA46A00, s0;
	s16 =	sadd.s32 s7, s26  }
0xe: {  	s17 =	sadd.s32 s8, s26;
	s19 =	sshrl.u32 s14, $0x3;
	[dreg:$0x3] =	wrdreg s6  }
0xf: {  	s14 =	sshll.u32 s14, $0x7;
	s5 =	sadd.s32 s5, s10;
	[dreg:$0x6] =	wrdreg s0  }
0x10: {  	s23 =	sadd.s32 $0xA1FA00, s9;
	s6 =	sor.u32 $0x1C05, s24;
	[dreg:$0x7] =	wrdreg s16  }
0x11: {  	s0 =	sadd.s32 s25, s22;
	[dreg:$0x8] =	wrdreg s17;
	s20 =	sadd.s32 s7, s19  }
0x12: {  	s21 =	sadd.s32 s22, s14;
	s22 =	sadd.s32 s8, s19;
	s5 =	sshrl.u32 s5, $0x3  }
0x13: {  	s25 =	smul.u32 $0x4E2, s4;
	s17 =	smax.u32 s12, $0x1;
	[dreg:$0x4] =	wrdreg s23  }
0x14: {  	s4 =	simm.s32 $0x4;
	s18 =	sshrl.u32 s0, $0x3;
	[dreg:$0xa] =	wrdreg s20  }
0x15: {  	[dreg:$0xb] =	wrdreg s22;
	s23 =	sshrl.u32 s10, $0x3;
	s24 =	sadd.s32 $0x7800, s0  }
0x16: {  	s15 =	sadd.s32 s11, s5;
	s22 =	simm.s32 $0x5;
	s5 =	simm.s32 $0x0  }
0x17: {  	s9 =	sadd.s32 s3, s18;
	s26 =	sshrl.u32 s24, $0x3;
	s19 =	sadd.s32 s25, s8  }
.Ltmp0:
0x18: {  	[dreg:$0x9] =	wrdreg s9;
	s9 =	sshrl.u32 s21, $0x3;
	(pc) =	sbr.rel .LBB2_1-.Ltmp0, $4  }
0x19: {  	s20 =	sadd.s32 s25, s7;
	s24 =	simm.s32 $0x200;
	s9 =	sadd.s32 s3, s9  }
0x1a: {  	s25 =	simm.s32 $0x100;
	[dreg:$0xc] =	wrdreg s9;
	s9 =	sadd.s32 s11, s23  }
0x1b: {  	s11 =	sadd.s32 s26, s3;
	s23 =	simm.s32 $0x80;
	s26 =	simm.s32 $0x180  }
0x1c: {  	s16 =	sadd.s32 $0x27000, s9;
	s9 =	sadd.s32 $0x5000, s0;
	s0 =	simm.s32 $0x3  }
.LBB2_4:
0x1d: {  	_ =	swait.ge [sflag:s29], $0x50  }
0x1e: {  	[sflag:s29] =	ssyncset.done $0x0  }
0x1f: {  	[sflag:s29] =	ssyncadd.s32 $0xFFFFFFB0  }
0x20: {  	_ =	swait.ge [sflag:s29], $0x50  }
0x21: {  	[sflag:s29] =	ssyncset.done $0x0  }
0x22: {  	[sflag:s29] =	ssyncadd.s32 $0xFFFFFFB0  }
0x23: {  	_ =	swait.ge [sflag:s29], $0x2800  }
0x24: {  	[sflag:s29] =	ssyncset.done $0x0  }
0x25: {  	[sflag:s29] =	ssyncadd.s32 $0xFFFFD800  }
0x26: {  	[spmem:s1] =	stream.indirect.scatter.add.f32 [tilespmem:s24], [sflag:$0x2], $0x80, s23, s30, $0xb8;
	[tilespmem:$0x18A80] =	vst v63  }
0x27: {  	_ = 	snop  }
0x28: {  	[spmem:s1] =	stream.indirect.scatter.add.f32 [tilespmem:s24], [sflag:$0x2], $0x80, s2, s30, $0xb8;
	[tilespmem:$0x18A80] =	vst v63  }
0x29: {  	_ =	swait.ge [sflag:s31], $0x2800  }
0x2a: {  	[sflag:s31] =	ssyncset.done $0x0  }
0x2b: {  	[sflag:s31] =	ssyncadd.s32 $0xFFFFD800  }
0x2c: {  	_ =	swait.ge [sflag:s31], $0x2800  }
0x2d: {  	[sflag:s31] =	ssyncset.done $0x0  }
0x2e: {  	[sflag:s31] =	ssyncadd.s32 $0xFFFFD800  }
0x2f: {  	_ =	swait.ge [sflag:s4], $0x2800  }
0x30: {  	[sflag:s4] =	ssyncset.done $0x0  }
0x31: {  	[sflag:s4] =	ssyncadd.s32 $0xFFFFD800  }
0x32: {  	_ =	swait.ge [sflag:s4], $0x2800  }
0x33: {  	[sflag:s4] =	ssyncset.done $0x0  }
0x34: {  	[sflag:s4] =	ssyncadd.s32 $0xFFFFD800  }
0x35: {  	[bflag:$0x0] =	sbarrier.arrive $0xFFFF  }
0x36: {  	[hbm:s15], [sflag:s6] =	dma.local [spmem:s7], $0x2700  }
0x37: {  	s5 =	sadd.s32 $0x1, s5;
	_ =	swait.ge [sflag:s22], $0x2700  }
0x38: {  	p1 =	sne.s32 s5, s17;
	[sflag:s22] =	ssyncset.done $0x0  }
.Ltmp1:
0x39: {  	s7 =	simm.s32 @!p0 $0x5;
	[sflag:s22] =	ssyncadd.s32 $0xFFFFD900;
	(pc) =	sbr.rel @!p1 .LBB2_5-.Ltmp1, $4  }
0x3a: {  	[hbm:s16], [sflag:s6] =	dma.local @!p0 [spmem:s8], $0x100  }
0x3b: {  	_ =	swait.ge @!p0 [sflag:s7], $0x100  }
0x3c: {  	[sflag:s7] =	ssyncset.done @!p0 $0x0  }
0x3d: {  	[sflag:s7] =	ssyncadd.s32 @!p0 $0xFFFFFF00  }
.LBB2_1:
0x3e: {  	s7 =	rddreg [dreg:$0x3]  }
0x3f: {  	s8 =	rddreg [dreg:$0x4];
	s7 =	sshrl.u32 s7, $0x3  }
0x40: {  	[spmem:s7], [sflag:s6] =	dma.local [hbm:s8], $0x2700  }
0x41: {  	_ =	swait.ge [sflag:s22], $0x2700  }
0x42: {  	[sflag:s22] =	ssyncset.done $0x0;
	s8 =	rddreg [dreg:$0x5]  }
0x43: {  	s10 =	rddreg [dreg:$0x6];
	[sflag:s22] =	ssyncadd.s32 $0xFFFFD900;
	s8 =	sshrl.u32 @!p0 s8, $0x3  }
0x44: {  	[spmem:s8], [sflag:s6] =	dma.local @!p0 [hbm:s10], $0x100  }
0x45: {  	s10 =	simm.s32 @!p0 $0x5  }
0x46: {  	_ =	swait.ge @!p0 [sflag:s10], $0x100  }
0x47: {  	[sflag:s10] =	ssyncset.done @!p0 $0x0  }
0x48: {  	[sflag:s10] =	ssyncadd.s32 @!p0 $0xFFFFFF00  }
0x49: {  	[bflag:$0x0] =	sbarrier.arrive $0xFFFF  }
0x4a: {  	s21 =	rddreg [dreg:$0x7]  }
0x4b: {  	[tilespmem:s2], [sflag:$0x1] =	stream.linear.gather [hbm4b:s21+s2], $0x50, $0x38;
	[tilespmem:$0x18A80] =	vst v63  }
0x4c: {  	s12 =	rddreg [dreg:$0x8]  }
0x4d: {  	[tilespmem:s23], [sflag:$0x1] =	stream.linear.gather [hbm4b:s12+s2], $0x50, $0x38;
	[tilespmem:$0x18A80] =	vst v63  }
0x4e: {  	s13 =	rddreg [dreg:$0x9]  }
0x4f: {  	[tilespmem:s24], [sflag:$0x1] =	stream.linear.gather [hbm4b:s13+s2], $0x2800, $0x38;
	[tilespmem:$0x18A80] =	vst v63  }
0x50: {  	s14 =	rddreg [dreg:$0xa]  }
0x51: {  	[tilespmem:s25], [sflag:$0x3] =	stream.linear.gather [hbm4b:s14+s2], $0x50, $0x38;
	[tilespmem:$0x18A80] =	vst v63  }
0x52: {  	s18 =	rddreg [dreg:$0xb]  }
0x53: {  	[tilespmem:s26], [sflag:$0x3] =	stream.linear.gather [hbm4b:s18+s2], $0x50, $0x38;
	[tilespmem:$0x18A80] =	vst v63  }
0x54: {  	s21 =	rddreg [dreg:$0xc]  }
0x55: {  	[tilespmem:s28], [sflag:$0x3] =	stream.linear.gather [hbm4b:s21+s2], $0x2800, $0x38;
	[tilespmem:$0x18A80] =	vst v63  }
0x56: {  	s10 =	simm.s32 $0x0;
	s18 =	smov.u32 s11;
	s21 =	smov.u32 s9  }
.LBB2_2:
0x57: {  	_ =	swait.ge [sflag:s29], $0x50  }
0x58: {  	[sflag:s29] =	ssyncset.done $0x0  }
0x59: {  	[sflag:s29] =	ssyncadd.s32 $0xFFFFFFB0  }
0x5a: {  	_ =	swait.ge [sflag:s29], $0x50  }
0x5b: {  	[sflag:s29] =	ssyncset.done $0x0  }
0x5c: {  	[sflag:s29] =	ssyncadd.s32 $0xFFFFFFB0  }
0x5d: {  	_ =	swait.ge [sflag:s29], $0x2800  }
0x5e: {  	[sflag:s29] =	ssyncset.done $0x0  }
0x5f: {  	[sflag:s29] =	ssyncadd.s32 $0xFFFFD800  }
0x60: {  	[spmem:s1] =	stream.indirect.scatter.add.f32 [tilespmem:s24], [sflag:$0x2], $0x80, s23, s30, $0xb8;
	[tilespmem:$0x18A80] =	vst v63  }
0x61: {  	_ = 	snop  }
0x62: {  	[spmem:s1] =	stream.indirect.scatter.add.f32 [tilespmem:s24], [sflag:$0x2], $0x80, s2, s30, $0xb8;
	[tilespmem:$0x18A80] =	vst v63  }
0x63: {  	_ =	swait.ge [sflag:s31], $0x2800  }
0x64: {  	[sflag:s31] =	ssyncset.done $0x0  }
0x65: {  	[sflag:s31] =	ssyncadd.s32 $0xFFFFD800  }
0x66: {  	_ =	swait.ge [sflag:s31], $0x2800  }
0x67: {  	s12 =	sadd.s32 s10, s20;
	[sflag:s31] =	ssyncset.done $0x0  }
0x68: {  	s13 =	sadd.s32 $0x14, s12;
	[sflag:s31] =	ssyncadd.s32 $0xFFFFD800  }
0x69: {  	[tilespmem:s2], [sflag:$0x1] =	stream.linear.gather [hbm4b:s13+s2], $0x50, $0x38;
	[tilespmem:$0x18A80] =	vst v63  }
0x6a: {  	s13 =	sadd.s32 s10, s19  }
0x6b: {  	s14 =	sadd.s32 $0x14, s13  }
0x6c: {  	[tilespmem:s23], [sflag:$0x1] =	stream.linear.gather [hbm4b:s14+s2], $0x50, $0x38;
	[tilespmem:$0x18A80] =	vst v63  }
0x6d: {  	s14 =	sshrl.u32 s21, $0x3  }
0x6e: {  	s14 =	sadd.s32 s3, s14  }
0x6f: {  	[tilespmem:s24], [sflag:$0x1] =	stream.linear.gather [hbm4b:s14+s2], $0x2800, $0x38;
	[tilespmem:$0x18A80] =	vst v63  }
0x70: {  	_ =	swait.ge [sflag:s0], $0x50  }
0x71: {  	[sflag:s0] =	ssyncset.done $0x0  }
0x72: {  	[sflag:s0] =	ssyncadd.s32 $0xFFFFFFB0  }
0x73: {  	_ =	swait.ge [sflag:s0], $0x50  }
0x74: {  	[sflag:s0] =	ssyncset.done $0x0  }
0x75: {  	[sflag:s0] =	ssyncadd.s32 $0xFFFFFFB0  }
0x76: {  	p1 =	seq.s32 s10, $0x4C4;
	_ =	swait.ge [sflag:s0], $0x2800  }
.Ltmp2:
0x77: {  	[sflag:s0] =	ssyncset.done $0x0;
	(pc) =	sbr.rel @p1 .LBB2_4-.Ltmp2, $4  }
0x78: {  	[sflag:s0] =	ssyncadd.s32 $0xFFFFD800  }
0x79: {  	[spmem:s1] =	stream.indirect.scatter.add.f32 [tilespmem:s28], [sflag:$0x4], $0x80, s26, s30, $0xb8;
	[tilespmem:$0x18A80] =	vst v63  }
0x7a: {  	_ = 	snop  }
0x7b: {  	[spmem:s1] =	stream.indirect.scatter.add.f32 [tilespmem:s28], [sflag:$0x4], $0x80, s25, s30, $0xb8;
	[tilespmem:$0x18A80] =	vst v63  }
0x7c: {  	_ =	swait.ge [sflag:s4], $0x2800  }
0x7d: {  	[sflag:s4] =	ssyncset.done $0x0  }
0x7e: {  	[sflag:s4] =	ssyncadd.s32 $0xFFFFD800  }
0x7f: {  	_ =	swait.ge [sflag:s4], $0x2800  }
0x80: {  	[sflag:s4] =	ssyncset.done $0x0  }
0x81: {  	s12 =	sadd.s32 $0x1E, s12;
	[sflag:s4] =	ssyncadd.s32 $0xFFFFD800  }
0x82: {  	[tilespmem:s25], [sflag:$0x3] =	stream.linear.gather [hbm4b:s12+s2], $0x50, $0x38;
	[tilespmem:$0x18A80] =	vst v63  }
.Ltmp3:
0x83: {  	s14 =	sadd.s32 $0x1E, s13;
	(pc) =	sbr.rel .LBB2_2-.Ltmp3, $4  }
0x84: {  	[tilespmem:s26], [sflag:$0x3] =	stream.linear.gather [hbm4b:s14+s2], $0x50, $0x38;
	[tilespmem:$0x18A80] =	vst v63  }
0x85: {  	_ = 	snop  }
0x86: {  	[tilespmem:s28], [sflag:$0x3] =	stream.linear.gather [hbm4b:s18+s2], $0x2800, $0x38;
	[tilespmem:$0x18A80] =	vst v63  }
0x87: {  	s10 =	sadd.s32 $0x14, s10;
	s21 =	sadd.s32 $0x5000, s21;
	s18 =	sadd.s32 $0xA00, s18  }
.LBB2_5:
0x88: {  	_ =	sfence.sel $0x180000  }
0x89: {  	[bflag:$0x0] =	sbarrier.arrive $0xFFFF  }
0x8a: {  	_ =	strace $0x90000050  }
0x8b: {  	[bflag:$0x2] =	sbarrier.arrive $0xFFFF  }
0x8c: {  	s0 =	rddreg [dreg:$0x2]  }
0x8d: {  	s0 =	sadd.s32 @!p0 $0x100000, s0  }
0x8e: {  	[sflag:s0] =	ssyncadd.tile.s32 @!p0 $0x1;
	_ =	shalt  }
.Lfunc_end2:
_tile_overlayer_lowered:
.L_overlay_start_2:
0x8f: {  	(tag) =	ssettag $0x2  }
0x90: {  	s0 =	rddreg [dreg:$0x0];
	s2 =	stileid.u32  }
0x91: {  	s1 =	rddreg [dreg:$0x1];
	p0 =	sne.s32 s2, $0x0  }
0x92: {  	s3 =	rddreg [dreg:$0x2];
	[bflag:$0x3] =	sbarrier.arrive $0xFFFF;
	s2 =	simm.s32 @!p0 $0x1C05  }
0x93: {  	[timem:s3], [sflag:s2] =	dma.local @!p0 [hbm:s0], s1  }
0x94: {  	s0 =	simm.s32 @!p0 $0x5  }
0x95: {  	_ =	swait.ge @!p0 [sflag:s0], s1  }
0x96: {  	s1 =	ssub.s32 @!p0 $0x0, s1;
	[sflag:s0] =	ssyncset.done @!p0 $0x0  }
0x97: {  	[sflag:s0] =	ssyncadd.s32 @!p0 s1  }
0x98: {  	[bflag:$0x3] =	sbarrier.arrive $0xFFFF  }
0x99: {  	_ =	shalt  }

// kernel: kernel.16.cloned.1.call-start
scs
__scs_entry_jumppad:
0x0: {  	(pc) =	sbr.rel $0x88, $3  }
0x1: {  	(tag) =	ssettag $0x0;
	lr =	simm.s32 $0x1  }
0x2: {  	[smem:$0x3F93] =	sst lr;
	_ =	strace $0xD0000000  }
0x3: {  	_ = 	snop  }
0x4: {  	_ = 	snop  }
0x5: {  	_ = 	snop  }
0x6: {  	_ = 	snop  }
0x7: {  	_ = 	snop  }
__scs_overlays_trampoline_lowered:
0x8: {  	[smem:$0x3FA2] =	sst s0  }
0x9: {  	[smem:$0x3FA3] =	sst s1  }
0xa: {  	[smem:$0x3FA4] =	sst s2  }
0xb: {  	[smem:$0x3FA5] =	sst s3  }
0xc: {  	[smem:$0x3FA6] =	sst s4  }
0xd: {  	[smem:$0x3FA7] =	sst s5  }
0xe: {  	[smem:$0x3FA8] =	sst s6  }
0xf: {  	[smem:$0x3FA9] =	sst s7  }
0x10: {  	[smem:$0x3FAA] =	sst s8  }
0x11: {  	[smem:$0x3FAB] =	sst s9;
	s0 =	simm.s32 @!p0 $0x0  }
0x12: {  	s1 =	sld [smem:$0x3F91];
	s0 =	simm.s32 @p0 $0x1  }
0x13: {  	[smem:$0x3FAC] =	sst s0;
	s0 =	simm.s32 @!p1 $0x0  }
0x14: {  	s2 =	sld [smem:$0x3F90];
	s0 =	simm.s32 @p1 $0x1  }
0x15: {  	[smem:$0x3FAD] =	sst s0;
	s0 =	simm.s32 @!p2 $0x0  }
0x16: {  	s3 =	sld [smem:$0x3FDB];
	s0 =	simm.s32 @p2 $0x1  }
0x17: {  	s4 =	simm.s32 $0x1BF5;
	[smem:$0x3FAF] =	sst s0  }
0x18: {  	s0 =	sld [smem:$0x3F92];
	_ =	swait.ge [sflag:s4], $0x0  }
0x19: {  	s7 =	sld [smem:$0x3F93]  }
0x1a: {  	s8 =	sadd.s32 $0xFFFFE003, lr  }
0x1b: {  	s9 =	sadd.s32 $0xFFFFFEF7, lr;
	s5 =	simm.s32 $0xFFFFFFFF;
	p2 =	slt.u32 s8, $0xFFFFF086  }
0x1c: {  	p1 =	slt.u32 s9, $0xF7A;
	s5 =	simm.s32 @!p2 $0x0  }
0x1d: {  	s5 =	simm.s32 @p1 $0x1;
	p0 =	seq.s32 s7, s2  }
0x1e: {  	s7 =	smul.u32 @!p0 $0xF7A, s2;
	p2 =	seq.s32 @!p0 s5, $0x0  }
0x1f: {  	s9 =	smul.u32 $0xF7A, s1;
	s8 =	simm.s32 @!p0 $0x1BF5;
	p2 =	por !p2, p0  }
0x20: {  	[sflag:s8] =	ssyncset.s32 @!p0 $0xFFFFF086;
	s6 =	sadd.s32 @!p0 s3, s7;
	s7 =	simm.s32 @!p0 $0x108  }
0x21: {  	s3 =	sadd.s32 s3, s9;
	s6 =	sadd.s32 @!p0 $0x88, s6;
	s7 =	simm.s32 @p2 $0x1082  }
0x22: {  	[simem:s7], [sflag:s8] =	dma.local @!p0 [hbm:s6], $0xF7A  }
0x23: {  	s9 =	sor.u32 $0xD0000000, s2;
	s6 =	simm.s32 $0x108;
	_ =	swait.ge @!p0 [sflag:s8], $0x0  }
0x24: {  	s3 =	sadd.s32 $0x88, s3;
	s6 =	simm.s32 @!p1 $0x1082;
	[sflag:s4] =	ssyncset.s32 $0xFFFFF086  }
0x25: {  	[simem:s6], [sflag:s4] =	dma.local [hbm:s3], $0xF7A  }
0x26: {  	[smem:$0x3F93] =	sst s1;
	(tag) =	ssettag s2;
	_ =	strace s9  }
0x27: {  	s1 =	sld [smem:$0x3FA3]  }
0x28: {  	s2 =	sld [smem:$0x3FA4]  }
0x29: {  	s4 =	sld [smem:$0x3FA6]  }
0x2a: {  	p0 =	seq.s32 s5, $0x0;
	s5 =	sld [smem:$0x3FA7]  }
0x2b: {  	s6 =	sld [smem:$0x3FA8]  }
0x2c: {  	s7 =	sld [smem:$0x3FA9]  }
0x2d: {  	s3 =	simm.s32 $0x108;
	s8 =	sld [smem:$0x3FAA]  }
0x2e: {  	s3 =	simm.s32 @!p0 $0x1082;
	s9 =	sld [smem:$0x3FAB]  }
0x2f: {  	lr =	sadd.s32 s0, s3;
	s0 =	sld [smem:$0x3FA2]  }
0x30: {  	s3 =	sld [smem:$0x3FA5]  }
0x31: {  	[smem:$0x3FAE] =	sst s10  }
0x32: {  	s10 =	sld [smem:$0x3FAC];
	_ =	sdelay $0x3  }
0x33: {  	p0 =	seq.s32 s10, $0x1;
	s10 =	sld [smem:$0x3FAE];
	_ =	sdelay $0x3  }
0x34: {  	[smem:$0x3FAE] =	sst s10  }
0x35: {  	s10 =	sld [smem:$0x3FAD];
	_ =	sdelay $0x3  }
0x36: {  	p1 =	seq.s32 s10, $0x1;
	s10 =	sld [smem:$0x3FAE];
	_ =	sdelay $0x3  }
0x37: {  	[smem:$0x3FAE] =	sst s10  }
0x38: {  	s10 =	sld [smem:$0x3FAF]  }
0x39: {  	_ = 	snop;
	(pc) =	sbr.ind lr, $3  }
0x3a: {  	_ = 	snop  }
0x3b: {  	_ = 	snop  }
0x3c: {  	p2 =	seq.s32 s10, $0x1;
	s10 =	sld [smem:$0x3FAE]  }
0x3d: {  	_ =	shalt  }
0x3e: {  	_ =	shalt  }
0x3f: {  	_ =	shalt  }
0x40: {  	_ =	shalt  }
0x41: {  	_ =	shalt  }
0x42: {  	_ =	shalt  }
0x43: {  	_ =	shalt  }
0x44: {  	_ =	shalt  }
0x45: {  	_ =	shalt  }
0x46: {  	_ =	shalt  }
0x47: {  	_ =	shalt  }
0x48: {  	_ =	shalt  }
0x49: {  	_ =	shalt  }
0x4a: {  	_ =	shalt  }
0x4b: {  	_ =	shalt  }
0x4c: {  	_ =	shalt  }
0x4d: {  	_ =	shalt  }
0x4e: {  	_ =	shalt  }
0x4f: {  	_ =	shalt  }
0x50: {  	_ =	shalt  }
0x51: {  	_ =	shalt  }
0x52: {  	_ =	shalt  }
0x53: {  	_ =	shalt  }
0x54: {  	_ =	shalt  }
0x55: {  	_ =	shalt  }
0x56: {  	_ =	shalt  }
0x57: {  	_ =	shalt  }
0x58: {  	_ =	shalt  }
0x59: {  	_ =	shalt  }
0x5a: {  	_ =	shalt  }
0x5b: {  	_ =	shalt  }
0x5c: {  	_ =	shalt  }
0x5d: {  	_ =	shalt  }
0x5e: {  	_ =	shalt  }
0x5f: {  	_ =	shalt  }
0x60: {  	_ =	shalt  }
0x61: {  	_ =	shalt  }
0x62: {  	_ =	shalt  }
0x63: {  	_ =	shalt  }
0x64: {  	_ =	shalt  }
0x65: {  	_ =	shalt  }
0x66: {  	_ =	shalt  }
0x67: {  	_ =	shalt  }
0x68: {  	_ =	shalt  }
0x69: {  	_ =	shalt  }
0x6a: {  	_ =	shalt  }
0x6b: {  	_ =	shalt  }
0x6c: {  	_ =	shalt  }
0x6d: {  	_ =	shalt  }
0x6e: {  	_ =	shalt  }
0x6f: {  	_ =	shalt  }
0x70: {  	_ =	shalt  }
0x71: {  	_ =	shalt  }
0x72: {  	_ =	shalt  }
0x73: {  	_ =	shalt  }
0x74: {  	_ =	shalt  }
0x75: {  	_ =	shalt  }
0x76: {  	_ =	shalt  }
0x77: {  	_ =	shalt  }
0x78: {  	_ =	shalt  }
0x79: {  	_ =	shalt  }
0x7a: {  	_ =	shalt  }
0x7b: {  	_ =	shalt  }
0x7c: {  	_ =	shalt  }
0x7d: {  	_ =	shalt  }
0x7e: {  	_ =	shalt  }
0x7f: {  	_ =	shalt  }
0x80: {  	_ =	shalt  }
0x81: {  	_ =	shalt  }
0x82: {  	_ =	shalt  }
0x83: {  	_ =	shalt  }
0x84: {  	_ =	shalt  }
0x85: {  	_ =	shalt  }
0x86: {  	_ =	shalt  }
0x87: {  	_ =	shalt  }
.Lfunc_end0:
.L_simem_size_0:
called_computation.2_lowered:
.L_overlay_start_0:
0x88: {  	s2 =	sld [smem:$0x3FD9]  }
0x89: {  	s3 =	sld [smem:$0x3FFE];
	_ =	sdelay $0x1  }
0x8a: {  	s1 =	srdreg.scid  }
0x8b: {  	s0 =	sand.u32 $0x1, s1  }
0x8c: {  	s17 =	sshll.u32 s0, $0xA;
	s2 =	sadd.s32 s3, s2  }
0x8d: {  	s2 =	sadd.s32 s2, s17  }
0x8e: {  	[smem:$0x3FBA] =	sst s2  }
0x8f: {  	_ = 	snop  }
0x90: {  	s2 =	sld [smem:$0x3FD0];
	(tm) =	ssettm $0x1  }
0x91: {  	s18 =	sld [smem:$0x3FFB];
	_ =	sdelay $0x3  }
0x92: {  	_ =	strace s18  }
0x93: {  	s3 =	sld [smem:$0x3FFC];
	_ =	sdelay $0x3  }
0x94: {  	_ =	strace s3  }
0x95: {  	s3 =	sld [smem:$0x3FFD];
	_ =	sdelay $0x3  }
0x96: {  	_ =	strace s3  }
0x97: {  	_ =	strace $0x8FFFFFFF  }
0x98: {  	s19 =	sld [smem:$0x3FDB];
	_ =	sdelay $0x1  }
0x99: {  	s4 =	simm.s32 $_scs_section_size  }
0x9a: {  	s5 =	simm.s32 $_size__tile_overlayer_lowered;
	s6 =	simm.s32 $_tile_overlayer_lowered  }
0x9b: {  	s22 =	simm.s32 $0x1BFF;
	s21 =	sshll.u32 s6, $0x1;
	s3 =	sadd.s32 s4, s19  }
0x9c: {  	s7 =	simm.s32 $0x0;
	s20 =	sshll.u32 s5, $0x1;
	s5 =	sadd.s32 s21, s3  }
0x9d: {  	[timem:s7], [sflag:s22] =	dma.local [hbm:s5], s20  }
0x9e: {  	_ =	swait.ge [sflag:s22], s20  }
0x9f: {  	s4 =	ssub.s32 $0x0, s20;
	[sflag:s22] =	ssyncset.done $0x0  }
0xa0: {  	[sflag:s22] =	ssyncadd.s32 s4;
	_ =	sdelay $0x1  }
0xa1: {  	s23 =	simm.s32 $0x1B8B  }
0xa2: {  	_ =	swait.ge [sflag:s23], $0x1  }
0xa3: {  	[sflag:s23] =	ssyncset.done $0x0  }
0xa4: {  	s25 =	simm.s32 $0x1B8E;
	s24 =	sld [smem:$0x3FFE];
	[sflag:s23] =	ssyncadd.s32 $0xFFFFFFFF  }
0xa5: {  	s26 =	simm.s32 $execute0_lowered;
	[smem:$0x3FD2] =	sst s25  }
0xa6: {  	s5 =	sshll.u32 s26, $0x1;
	_ =	strace $0x80000046;
	[dreg:$0x1] =	wrdreg $0xFFFFFFFF  }
0xa7: {  	s28 =	simm.s32 $_size_execute0_lowered;
	s3 =	sadd.s32 s3, s5;
	[dreg:$0x0] =	wrdreg $0x0  }
0xa8: {  	s5 =	sshll.u32 s28, $0x1;
	[dreg:$0x2] =	wrdreg s3  }
0xa9: {  	[dreg:$0x3] =	wrdreg s5  }
0xaa: {  	[dreg:$0x4] =	wrdreg $0xC0  }
0xab: {  	_ =	task [dreg:s7], $0x5FFFF  }
0xac: {  	[dreg:$0x1] =	wrdreg $0xFFFFFFFF  }
0xad: {  	[dreg:$0x0] =	wrdreg $0x60  }
0xae: {  	[dreg:$0x2] =	wrdreg s2  }
0xaf: {  	[dreg:$0x3] =	wrdreg s24  }
0xb0: {  	[dreg:$0x4] =	wrdreg $0xA  }
0xb1: {  	_ =	task.clear_ibuf [dreg:s7], $0x5FFFF;
	_ =	strace $0x90000046  }
0xb2: {  	s29 =	simm.s32 $0xA;
	_ =	strace $0x80000048  }
0xb3: {  	_ =	swait.ge [sflag:s29], $0x1  }
0xb4: {  	[sflag:s29] =	ssyncadd.s32 $0xFFFFFFFF  }
0xb5: {  	_ =	strace $0x90000048  }
0xb6: {  	_ =	sfence  }
0xb7: {  	s30 =	sld [smem:$0x0];
	_ =	sdelay $0x2  }
0xb8: {  	s31 =	sshll.u32 s1, $0xD;
	s1 =	sshrl.u32 s1, $0x2  }
0xb9: {  	s3 =	sand.u32 $0x4000, s31;
	s1 =	sadd.s32 s1, s30  }
0xba: {  	s0 =	sor.u32 s3, s0;
	s1 =	sshll.u32 s1, $0x11  }
0xbb: {  	s0 =	sor.u32 s1, s0  }
0xbc: {  	s0 =	sadd.s32 $0x8F2B, s0  }
0xbd: {  	[sflag:s0] =	ssyncadd.remote.s32 $0x1  }
0xbe: {  	_ =	sfence.sel $0xFFFF  }
0xbf: {  	[dreg:$0x0] =	wrdreg $0xFFFFFFFF;
	(pc) =	sbr.abs _section_cstart, $3  }
0xc0: {  	[dreg:$0x1] =	wrdreg $0xFFFFFFFF  }
0xc1: {  	_ =	task.clear_ibuf [dreg:s7], $0x2FFFF;
	_ =	strace $0x9FFFFFFF  }
0xc2: {  	(tm) =	ssettm $0x7FFFFFFF  }
0xc3: {  	_ =	shalt  }
tec
execute0_lowered:
.L_overlay_start_1:
0x0: {  	(tag) =	ssettag $0x1  }
0x1: {  	s2 =	rddreg [dreg:$0x0]  }
0x2: {  	s0 =	rddreg [dreg:$0x1];
	s1 =	srdreg.scid  }
0x3: {  	s14 =	stileid.u32;
	s3 =	simm.s32 $0x0;
	s15 =	simm.s32 $0x5  }
0x4: {  	s16 =	simm.s32 $0x4000;
	s17 =	simm.s32 $0x28;
	s18 =	simm.s32 $0x8000  }
0x5: {  	s19 =	simm.s32 $0x9400;
	s21 =	simm.s32 $0xA800;
	s23 =	simm.s32 $0xBC00  }
0x6: {  	s24 =	simm.s32 $0x1;
	s25 =	simm.s32 $0x3;
	s26 =	simm.s32 $0x2  }
0x7: {  	s28 =	simm.s32 $0x4;
	s30 =	simm.s32 $0x7E00;
	s31 =	simm.s32 $0x0  }
0x8: {  	s1 =	sand.u32 $0x1, s1;
	s4 =	sshll.u32 s14, $0x1;
	[smem:$0x7FF] =	sst s3  }
0x9: {  	s13 =	sadd.s32 $0x38A00, s0;
	s14 =	smul.u32 $0x27100, s14;
	s4 =	sor.u32 s1, s4  }
0xa: {  	_ =	strace $0x80000047;
	s7 =	ssub.s32 $0x2, s1;
	s1 =	smul.u32 $0x13880, s1  }
0xb: {  	s5 =	sshll.u32 s4, $0xB;
	s6 =	smul.u32 $0x9C400, s4;
	s8 =	sshrl.u32 s7, $0x1  }
0xc: {  	s10 =	smul.u32 $0x13880, s4;
	s5 =	sadd.s32 s5, s0;
	s0 =	sadd.s32 $0x2A9A00, s0  }
0xd: {  	s8 =	ssub.s32 s7, s8;
	s6 =	sshrl.u32 s6, $0x3;
	s4 =	sadd.s32 $0x18A00, s5  }
0xe: {  	s5 =	sadd.s32 $0x28A00, s5;
	s11 =	sadd.s32 $0x13100, s10;
	s12 =	sadd.s32 $0x13380, s10  }
0xf: {  	s29 =	sadd.s32 $0x13600, s6;
	s9 =	sadd.s32 s13, s11;
	s10 =	sadd.s32 s0, s11  }
0x10: {  	s11 =	sadd.s32 s13, s12;
	s12 =	sadd.s32 s0, s12;
	s6 =	sadd.s32 s13, s29  }
0x11: {  	s7 =	sadd.s32 s0, s29;
	s13 =	sadd.s32 s14, s13;
	s0 =	sadd.s32 s14, s0  }
0x12: {  	s8 =	smax.u32 s8, $0x1;
	s13 =	sadd.s32 s1, s13;
	s14 =	sadd.s32 s1, s0  }
.LBB2_1:
0x13: {  	[tilespmem:s3], [sflag:$0x5] =	stream.linear.gather [hbm4b:s4+s3], $0x3E80, $0x38;
	[tilespmem:$0xD000] =	vst v63  }
0x14: {  	_ =	swait.ge [sflag:s15], $0x3E80  }
0x15: {  	[sflag:s15] =	ssyncset.done $0x0  }
0x16: {  	[sflag:s15] =	ssyncadd.s32 $0xFFFFC180  }
0x17: {  	[tilespmem:s16], [sflag:$0x5] =	stream.linear.gather [hbm4b:s5+s3], $0x3E80, $0x38;
	[tilespmem:$0xD000] =	vst v63  }
0x18: {  	_ =	swait.ge [sflag:s15], $0x3E80  }
0x19: {  	[sflag:s15] =	ssyncset.done $0x0  }
0x1a: {  	[sflag:s15] =	ssyncadd.s32 $0xFFFFC180  }
0x1b: {  	[tilespmem:s18], [sflag:$0x1] =	stream.indirect.gather [hbm4b:s2+s17], $0x80, s3, s17, $0xb8;
	[tilespmem:$0xD000] =	vst v63  }
0x1c: {  	_ = 	snop  }
0x1d: {  	[tilespmem:s19], [sflag:$0x1] =	stream.indirect.gather [hbm4b:s2+s17], $0x80, s16, s17, $0xb8;
	[tilespmem:$0xD000] =	vst v63  }
0x1e: {  	s0 =	simm.s32 $0x80  }
0x1f: {  	[tilespmem:s21], [sflag:$0x2] =	stream.indirect.gather [hbm4b:s2+s17], $0x80, s0, s17, $0xb8;
	[tilespmem:$0xD000] =	vst v63  }
0x20: {  	s20 =	simm.s32 $0x4080  }
0x21: {  	[tilespmem:s23], [sflag:$0x2] =	stream.indirect.gather [hbm4b:s2+s17], $0x80, s20, s17, $0xb8;
	[tilespmem:$0xD000] =	vst v63  }
0x22: {  	_ =	swait.ge [sflag:s24], $0x1400  }
0x23: {  	[sflag:s24] =	ssyncset.done $0x0  }
0x24: {  	[sflag:s24] =	ssyncadd.s32 $0xFFFFEC00  }
0x25: {  	_ =	swait.ge [sflag:s24], $0x1400  }
0x26: {  	[sflag:s24] =	ssyncset.done $0x0  }
0x27: {  	s22 =	sadd.s32 $0x0, s13;
	[sflag:s24] =	ssyncadd.s32 $0xFFFFEC00  }
0x28: {  	[hbm4b:s22+s3] =	stream.linear.scatter [tilespmem:s18], [sflag:$0x3], $0x1400, $0x38;
	[tilespmem:$0xD000] =	vst v63  }
0x29: {  	s1 =	sadd.s32 $0x0, s14  }
0x2a: {  	[hbm4b:s1+s3] =	stream.linear.scatter [tilespmem:s19], [sflag:$0x3], $0x1400, $0x38;
	[tilespmem:$0xD000] =	vst v63  }
0x2b: {  	_ =	swait.ge [sflag:s25], $0x1400  }
0x2c: {  	[sflag:s25] =	ssyncset.done $0x0  }
0x2d: {  	[sflag:s25] =	ssyncadd.s32 $0xFFFFEC00  }
0x2e: {  	_ =	swait.ge [sflag:s25], $0x1400  }
0x2f: {  	[sflag:s25] =	ssyncset.done $0x0  }
0x30: {  	s20 =	simm.s32 $0x100;
	[sflag:s25] =	ssyncadd.s32 $0xFFFFEC00  }
0x31: {  	[tilespmem:s18], [sflag:$0x1] =	stream.indirect.gather [hbm4b:s2+s17], $0x80, s20, s17, $0xb8;
	[tilespmem:$0xD000] =	vst v63  }
0x32: {  	s29 =	simm.s32 $0x4100  }
0x33: {  	[tilespmem:s19], [sflag:$0x1] =	stream.indirect.gather [hbm4b:s2+s17], $0x80, s29, s17, $0xb8;
	[tilespmem:$0xD000] =	vst v63  }
0x34: {  	_ =	swait.ge [sflag:s26], $0x1400  }
0x35: {  	[sflag:s26] =	ssyncset.done $0x0  }
0x36: {  	[sflag:s26] =	ssyncadd.s32 $0xFFFFEC00  }
0x37: {  	_ =	swait.ge [sflag:s26], $0x1400  }
0x38: {  	[sflag:s26] =	ssyncset.done $0x0  }
0x39: {  	s0 =	sadd.s32 $0x280, s22;
	[sflag:s26] =	ssyncadd.s32 $0xFFFFEC00  }
0x3a: {  	[hbm4b:s0+s3] =	stream.linear.scatter [tilespmem:s21], [sflag:$0x4], $0x1400, $0x38;
	[tilespmem:$0xD000] =	vst v63  }
0x3b: {  	s22 =	sadd.s32 $0x280, s1  }
0x3c: {  	[hbm4b:s22+s3] =	stream.linear.scatter [tilespmem:s23], [sflag:$0x4], $0x1400, $0x38;
	[tilespmem:$0xD000] =	vst v63  }
0x3d: {  	_ =	swait.ge [sflag:s28], $0x1400  }
0x3e: {  	[sflag:s28] =	ssyncset.done $0x0  }
0x3f: {  	[sflag:s28] =	ssyncadd.s32 $0xFFFFEC00  }
0x40: {  	s1 =	simm.s32 $0x4200;
	_ =	swait.ge [sflag:s28], $0x1400  }
0x41: {  	s20 =	simm.s32 $0x200;
	s29 =	simm.s32 $0x180;
	[sflag:s28] =	ssyncset.done $0x0  }
0x42: {  	s0 =	simm.s32 $0x500;
	s22 =	simm.s32 $0x4180;
	[sflag:s28] =	ssyncadd.s32 $0xFFFFEC00  }
0x43: {  	[tilespmem:s21], [sflag:$0x2] =	stream.indirect.gather [hbm4b:s2+s17], $0x80, s29, s17, $0xb8;
	[tilespmem:$0xD000] =	vst v63  }
.LBB2_2:
0x44: {  	[tilespmem:s23], [sflag:$0x2] =	stream.indirect.gather [hbm4b:s2+s17], $0x80, s22, s17, $0xb8;
	[tilespmem:$0xD000] =	vst v63  }
0x45: {  	s22 =	smov.u32 s0  }
0x46: {  	p0 =	sne.s32 s0, $0x12C00;
	s0 =	sadd.s32 $0x500, s0;
	_ =	swait.ge [sflag:s24], $0x1400  }
0x47: {  	[sflag:s24] =	ssyncset.done $0x0  }
0x48: {  	[sflag:s24] =	ssyncadd.s32 $0xFFFFEC00  }
0x49: {  	_ =	swait.ge [sflag:s24], $0x1400  }
0x4a: {  	[sflag:s24] =	ssyncset.done $0x0  }
0x4b: {  	s29 =	sadd.s32 s22, s13;
	[sflag:s24] =	ssyncadd.s32 $0xFFFFEC00  }
0x4c: {  	[hbm4b:s29+s3] =	stream.linear.scatter [tilespmem:s18], [sflag:$0x3], $0x1400, $0x38;
	[tilespmem:$0xD000] =	vst v63  }
0x4d: {  	s22 =	sadd.s32 s22, s14  }
0x4e: {  	[hbm4b:s22+s3] =	stream.linear.scatter [tilespmem:s19], [sflag:$0x3], $0x1400, $0x38;
	[tilespmem:$0xD000] =	vst v63  }
0x4f: {  	_ =	swait.ge [sflag:s25], $0x1400  }
0x50: {  	[sflag:s25] =	ssyncset.done $0x0  }
0x51: {  	[sflag:s25] =	ssyncadd.s32 $0xFFFFEC00  }
0x52: {  	_ =	swait.ge [sflag:s25], $0x1400  }
0x53: {  	[sflag:s25] =	ssyncset.done $0x0  }
0x54: {  	[sflag:s25] =	ssyncadd.s32 $0xFFFFEC00  }
0x55: {  	[tilespmem:s18], [sflag:$0x1] =	stream.indirect.gather [hbm4b:s2+s17], $0x80, s20, s17, $0xb8;
	[tilespmem:$0xD000] =	vst v63  }
0x56: {  	_ = 	snop  }
0x57: {  	[tilespmem:s19], [sflag:$0x1] =	stream.indirect.gather [hbm4b:s2+s17], $0x80, s1, s17, $0xb8;
	[tilespmem:$0xD000] =	vst v63  }
0x58: {  	_ =	swait.ge [sflag:s26], $0x1400  }
0x59: {  	[sflag:s26] =	ssyncset.done $0x0  }
0x5a: {  	[sflag:s26] =	ssyncadd.s32 $0xFFFFEC00  }
0x5b: {  	_ =	swait.ge [sflag:s26], $0x1400  }
0x5c: {  	[sflag:s26] =	ssyncset.done $0x0  }
0x5d: {  	s29 =	sadd.s32 $0x280, s29;
	[sflag:s26] =	ssyncadd.s32 $0xFFFFEC00  }
0x5e: {  	[hbm4b:s29+s3] =	stream.linear.scatter [tilespmem:s21], [sflag:$0x4], $0x1400, $0x38;
	[tilespmem:$0xD000] =	vst v63  }
0x5f: {  	s22 =	sadd.s32 $0x280, s22  }
0x60: {  	[hbm4b:s22+s3] =	stream.linear.scatter [tilespmem:s23], [sflag:$0x4], $0x1400, $0x38;
	[tilespmem:$0xD000] =	vst v63  }
0x61: {  	_ =	swait.ge [sflag:s28], $0x1400  }
0x62: {  	[sflag:s28] =	ssyncset.done $0x0  }
0x63: {  	[sflag:s28] =	ssyncadd.s32 $0xFFFFEC00  }
.Ltmp0:
0x64: {  	_ =	swait.ge [sflag:s28], $0x1400;
	(pc) =	sbr.rel @p0 .LBB2_2-.Ltmp0, $4  }
0x65: {  	[sflag:s28] =	ssyncset.done $0x0  }
0x66: {  	s22 =	sadd.s32 $0x80, s20;
	[sflag:s28] =	ssyncadd.s32 $0xFFFFEC00  }
0x67: {  	[tilespmem:s21], [sflag:$0x2] =	stream.indirect.gather [hbm4b:s2+s17], $0x80, s22, s17, $0xb8;
	[tilespmem:$0xD000] =	vst v63  }
0x68: {  	s20 =	sadd.s32 $0x100, s20;
	s22 =	sadd.s32 $0x80, s1;
	s1 =	sadd.s32 $0x100, s1  }
0x69: {  	[tilespmem:s23], [sflag:$0x2] =	stream.indirect.gather [hbm4b:s2+s17], $0x80, s22, s17, $0xb8;
	[tilespmem:$0xD000] =	vst v63  }
0x6a: {  	_ =	swait.ge [sflag:s24], $0x1400  }
0x6b: {  	[sflag:s24] =	ssyncset.done $0x0  }
0x6c: {  	[sflag:s24] =	ssyncadd.s32 $0xFFFFEC00  }
0x6d: {  	_ =	swait.ge [sflag:s24], $0x1400  }
0x6e: {  	[sflag:s24] =	ssyncset.done $0x0  }
0x6f: {  	[sflag:s24] =	ssyncadd.s32 $0xFFFFEC00  }
0x70: {  	[hbm4b:s9+s3] =	stream.linear.scatter [tilespmem:s18], [sflag:$0x3], $0x1400, $0x38;
	[tilespmem:$0xD000] =	vst v63  }
0x71: {  	_ = 	snop  }
0x72: {  	[hbm4b:s10+s3] =	stream.linear.scatter [tilespmem:s19], [sflag:$0x3], $0x1400, $0x38;
	[tilespmem:$0xD000] =	vst v63  }
0x73: {  	_ =	swait.ge [sflag:s25], $0x1400  }
0x74: {  	[sflag:s25] =	ssyncset.done $0x0  }
0x75: {  	[sflag:s25] =	ssyncadd.s32 $0xFFFFEC00  }
0x76: {  	_ =	swait.ge [sflag:s25], $0x1400  }
0x77: {  	[sflag:s25] =	ssyncset.done $0x0  }
0x78: {  	s0 =	simm.s32 $0x3E00;
	[sflag:s25] =	ssyncadd.s32 $0xFFFFEC00  }
0x79: {  	[tilespmem:s18], [sflag:$0x1] =	stream.indirect.gather [hbm4b:s2+s17], $0x80, s0, s17, $0xb8;
	[tilespmem:$0xD000] =	vst v63  }
0x7a: {  	_ = 	snop  }
0x7b: {  	[tilespmem:s19], [sflag:$0x1] =	stream.indirect.gather [hbm4b:s2+s17], $0x80, s30, s17, $0xb8;
	[tilespmem:$0xD000] =	vst v63  }
0x7c: {  	_ =	swait.ge [sflag:s26], $0x1400  }
0x7d: {  	[sflag:s26] =	ssyncset.done $0x0  }
0x7e: {  	[sflag:s26] =	ssyncadd.s32 $0xFFFFEC00  }
0x7f: {  	_ =	swait.ge [sflag:s26], $0x1400  }
0x80: {  	[sflag:s26] =	ssyncset.done $0x0  }
0x81: {  	[sflag:s26] =	ssyncadd.s32 $0xFFFFEC00  }
0x82: {  	[hbm4b:s11+s3] =	stream.linear.scatter [tilespmem:s21], [sflag:$0x4], $0x1400, $0x38;
	[tilespmem:$0xD000] =	vst v63  }
0x83: {  	_ = 	snop  }
0x84: {  	[hbm4b:s12+s3] =	stream.linear.scatter [tilespmem:s23], [sflag:$0x4], $0x1400, $0x38;
	[tilespmem:$0xD000] =	vst v63  }
0x85: {  	_ =	swait.ge [sflag:s24], $0x1400  }
0x86: {  	[sflag:s24] =	ssyncset.done $0x0  }
0x87: {  	[sflag:s24] =	ssyncadd.s32 $0xFFFFEC00  }
0x88: {  	_ =	swait.ge [sflag:s24], $0x1400  }
0x89: {  	[sflag:s24] =	ssyncset.done $0x0  }
0x8a: {  	[sflag:s24] =	ssyncadd.s32 $0xFFFFEC00  }
0x8b: {  	[hbm4b:s6+s3] =	stream.linear.scatter [tilespmem:s18], [sflag:$0x3], $0x1400, $0x38;
	[tilespmem:$0xD000] =	vst v63  }
0x8c: {  	_ = 	snop  }
0x8d: {  	[hbm4b:s7+s3] =	stream.linear.scatter [tilespmem:s19], [sflag:$0x3], $0x1400, $0x38;
	[tilespmem:$0xD000] =	vst v63  }
0x8e: {  	_ =	swait.ge [sflag:s25], $0x1400  }
0x8f: {  	[sflag:s25] =	ssyncset.done $0x0  }
0x90: {  	[sflag:s25] =	ssyncadd.s32 $0xFFFFEC00  }
0x91: {  	_ =	swait.ge [sflag:s25], $0x1400  }
0x92: {  	[sflag:s25] =	ssyncset.done $0x0  }
0x93: {  	s31 =	sadd.s32 $0x1, s31;
	[sflag:s25] =	ssyncadd.s32 $0xFFFFEC00  }
0x94: {  	p0 =	sne.s32 s31, s8;
	_ =	swait.ge [sflag:s28], $0x1400  }
.Ltmp1:
0x95: {  	[sflag:s28] =	ssyncset.done $0x0;
	(pc) =	sbr.rel @p0 .LBB2_1-.Ltmp1, $4  }
0x96: {  	[sflag:s28] =	ssyncadd.s32 $0xFFFFEC00  }
0x97: {  	_ =	swait.ge [sflag:s28], $0x1400  }
0x98: {  	[sflag:s28] =	ssyncset.done $0x0  }
0x99: {  	[sflag:s28] =	ssyncadd.s32 $0xFFFFEC00  }
0x9a: {  	_ =	sfence.sel $0x180000  }
0x9b: {  	[bflag:$0x0] =	sbarrier.arrive $0xFFFF  }
0x9c: {  	_ =	strace $0x90000047  }
0x9d: {  	s0 =	stileid.u32;
	[bflag:$0x2] =	sbarrier.arrive $0xFFFF  }
0x9e: {  	p0 =	sne.s32 s0, $0x0;
	s0 =	rddreg [dreg:$0x2]  }
0x9f: {  	s0 =	sadd.s32 @!p0 $0x100000, s0  }
0xa0: {  	[sflag:s0] =	ssyncadd.tile.s32 @!p0 $0x1;
	_ =	shalt  }
.Lfunc_end2:
_tile_overlayer_lowered:
.L_overlay_start_2:
0xa1: {  	(tag) =	ssettag $0x2  }
0xa2: {  	s0 =	rddreg [dreg:$0x0];
	s2 =	stileid.u32  }
0xa3: {  	s1 =	rddreg [dreg:$0x1];
	p0 =	sne.s32 s2, $0x0  }
0xa4: {  	s3 =	rddreg [dreg:$0x2];
	[bflag:$0x3] =	sbarrier.arrive $0xFFFF;
	s2 =	simm.s32 @!p0 $0x1C05  }
0xa5: {  	[timem:s3], [sflag:s2] =	dma.local @!p0 [hbm:s0], s1  }
0xa6: {  	s0 =	simm.s32 @!p0 $0x5  }
0xa7: {  	_ =	swait.ge @!p0 [sflag:s0], s1  }
0xa8: {  	s1 =	ssub.s32 @!p0 $0x0, s1;
	[sflag:s0] =	ssyncset.done @!p0 $0x0  }
0xa9: {  	[sflag:s0] =	ssyncadd.s32 @!p0 s1  }
0xaa: {  	[bflag:$0x3] =	sbarrier.arrive $0xFFFF  }
0xab: {  	_ =	shalt  }

// kernel: kernel.19.cloned.1.call-start
scs
__scs_entry_jumppad:
0x0: {  	(pc) =	sbr.rel $0x88, $3  }
0x1: {  	(tag) =	ssettag $0x0;
	lr =	simm.s32 $0x1  }
0x2: {  	[smem:$0x3F93] =	sst lr;
	_ =	strace $0xD0000000  }
0x3: {  	_ = 	snop  }
0x4: {  	_ = 	snop  }
0x5: {  	_ = 	snop  }
0x6: {  	_ = 	snop  }
0x7: {  	_ = 	snop  }
__scs_overlays_trampoline_lowered:
0x8: {  	[smem:$0x3FA2] =	sst s0  }
0x9: {  	[smem:$0x3FA3] =	sst s1  }
0xa: {  	[smem:$0x3FA4] =	sst s2  }
0xb: {  	[smem:$0x3FA5] =	sst s3  }
0xc: {  	[smem:$0x3FA6] =	sst s4  }
0xd: {  	[smem:$0x3FA7] =	sst s5  }
0xe: {  	[smem:$0x3FA8] =	sst s6  }
0xf: {  	[smem:$0x3FA9] =	sst s7  }
0x10: {  	[smem:$0x3FAA] =	sst s8  }
0x11: {  	[smem:$0x3FAB] =	sst s9;
	s0 =	simm.s32 @!p0 $0x0  }
0x12: {  	s1 =	sld [smem:$0x3F91];
	s0 =	simm.s32 @p0 $0x1  }
0x13: {  	[smem:$0x3FAC] =	sst s0;
	s0 =	simm.s32 @!p1 $0x0  }
0x14: {  	s2 =	sld [smem:$0x3F90];
	s0 =	simm.s32 @p1 $0x1  }
0x15: {  	[smem:$0x3FAD] =	sst s0;
	s0 =	simm.s32 @!p2 $0x0  }
0x16: {  	s3 =	sld [smem:$0x3FDB];
	s0 =	simm.s32 @p2 $0x1  }
0x17: {  	s4 =	simm.s32 $0x1BF5;
	[smem:$0x3FAF] =	sst s0  }
0x18: {  	s0 =	sld [smem:$0x3F92];
	_ =	swait.ge [sflag:s4], $0x0  }
0x19: {  	s7 =	sld [smem:$0x3F93]  }
0x1a: {  	s8 =	sadd.s32 $0xFFFFE003, lr  }
0x1b: {  	s9 =	sadd.s32 $0xFFFFFEF7, lr;
	s5 =	simm.s32 $0xFFFFFFFF;
	p2 =	slt.u32 s8, $0xFFFFF086  }
0x1c: {  	p1 =	slt.u32 s9, $0xF7A;
	s5 =	simm.s32 @!p2 $0x0  }
0x1d: {  	s5 =	simm.s32 @p1 $0x1;
	p0 =	seq.s32 s7, s2  }
0x1e: {  	s7 =	smul.u32 @!p0 $0xF7A, s2;
	p2 =	seq.s32 @!p0 s5, $0x0  }
0x1f: {  	s9 =	smul.u32 $0xF7A, s1;
	s8 =	simm.s32 @!p0 $0x1BF5;
	p2 =	por !p2, p0  }
0x20: {  	[sflag:s8] =	ssyncset.s32 @!p0 $0xFFFFF086;
	s6 =	sadd.s32 @!p0 s3, s7;
	s7 =	simm.s32 @!p0 $0x108  }
0x21: {  	s3 =	sadd.s32 s3, s9;
	s6 =	sadd.s32 @!p0 $0x88, s6;
	s7 =	simm.s32 @p2 $0x1082  }
0x22: {  	[simem:s7], [sflag:s8] =	dma.local @!p0 [hbm:s6], $0xF7A  }
0x23: {  	s9 =	sor.u32 $0xD0000000, s2;
	s6 =	simm.s32 $0x108;
	_ =	swait.ge @!p0 [sflag:s8], $0x0  }
0x24: {  	s3 =	sadd.s32 $0x88, s3;
	s6 =	simm.s32 @!p1 $0x1082;
	[sflag:s4] =	ssyncset.s32 $0xFFFFF086  }
0x25: {  	[simem:s6], [sflag:s4] =	dma.local [hbm:s3], $0xF7A  }
0x26: {  	[smem:$0x3F93] =	sst s1;
	(tag) =	ssettag s2;
	_ =	strace s9  }
0x27: {  	s1 =	sld [smem:$0x3FA3]  }
0x28: {  	s2 =	sld [smem:$0x3FA4]  }
0x29: {  	s4 =	sld [smem:$0x3FA6]  }
0x2a: {  	p0 =	seq.s32 s5, $0x0;
	s5 =	sld [smem:$0x3FA7]  }
0x2b: {  	s6 =	sld [smem:$0x3FA8]  }
0x2c: {  	s7 =	sld [smem:$0x3FA9]  }
0x2d: {  	s3 =	simm.s32 $0x108;
	s8 =	sld [smem:$0x3FAA]  }
0x2e: {  	s3 =	simm.s32 @!p0 $0x1082;
	s9 =	sld [smem:$0x3FAB]  }
0x2f: {  	lr =	sadd.s32 s0, s3;
	s0 =	sld [smem:$0x3FA2]  }
0x30: {  	s3 =	sld [smem:$0x3FA5]  }
0x31: {  	[smem:$0x3FAE] =	sst s10  }
0x32: {  	s10 =	sld [smem:$0x3FAC];
	_ =	sdelay $0x3  }
0x33: {  	p0 =	seq.s32 s10, $0x1;
	s10 =	sld [smem:$0x3FAE];
	_ =	sdelay $0x3  }
0x34: {  	[smem:$0x3FAE] =	sst s10  }
0x35: {  	s10 =	sld [smem:$0x3FAD];
	_ =	sdelay $0x3  }
0x36: {  	p1 =	seq.s32 s10, $0x1;
	s10 =	sld [smem:$0x3FAE];
	_ =	sdelay $0x3  }
0x37: {  	[smem:$0x3FAE] =	sst s10  }
0x38: {  	s10 =	sld [smem:$0x3FAF]  }
0x39: {  	_ = 	snop;
	(pc) =	sbr.ind lr, $3  }
0x3a: {  	_ = 	snop  }
0x3b: {  	_ = 	snop  }
0x3c: {  	p2 =	seq.s32 s10, $0x1;
	s10 =	sld [smem:$0x3FAE]  }
0x3d: {  	_ =	shalt  }
0x3e: {  	_ =	shalt  }
0x3f: {  	_ =	shalt  }
0x40: {  	_ =	shalt  }
0x41: {  	_ =	shalt  }
0x42: {  	_ =	shalt  }
0x43: {  	_ =	shalt  }
0x44: {  	_ =	shalt  }
0x45: {  	_ =	shalt  }
0x46: {  	_ =	shalt  }
0x47: {  	_ =	shalt  }
0x48: {  	_ =	shalt  }
0x49: {  	_ =	shalt  }
0x4a: {  	_ =	shalt  }
0x4b: {  	_ =	shalt  }
0x4c: {  	_ =	shalt  }
0x4d: {  	_ =	shalt  }
0x4e: {  	_ =	shalt  }
0x4f: {  	_ =	shalt  }
0x50: {  	_ =	shalt  }
0x51: {  	_ =	shalt  }
0x52: {  	_ =	shalt  }
0x53: {  	_ =	shalt  }
0x54: {  	_ =	shalt  }
0x55: {  	_ =	shalt  }
0x56: {  	_ =	shalt  }
0x57: {  	_ =	shalt  }
0x58: {  	_ =	shalt  }
0x59: {  	_ =	shalt  }
0x5a: {  	_ =	shalt  }
0x5b: {  	_ =	shalt  }
0x5c: {  	_ =	shalt  }
0x5d: {  	_ =	shalt  }
0x5e: {  	_ =	shalt  }
0x5f: {  	_ =	shalt  }
0x60: {  	_ =	shalt  }
0x61: {  	_ =	shalt  }
0x62: {  	_ =	shalt  }
0x63: {  	_ =	shalt  }
0x64: {  	_ =	shalt  }
0x65: {  	_ =	shalt  }
0x66: {  	_ =	shalt  }
0x67: {  	_ =	shalt  }
0x68: {  	_ =	shalt  }
0x69: {  	_ =	shalt  }
0x6a: {  	_ =	shalt  }
0x6b: {  	_ =	shalt  }
0x6c: {  	_ =	shalt  }
0x6d: {  	_ =	shalt  }
0x6e: {  	_ =	shalt  }
0x6f: {  	_ =	shalt  }
0x70: {  	_ =	shalt  }
0x71: {  	_ =	shalt  }
0x72: {  	_ =	shalt  }
0x73: {  	_ =	shalt  }
0x74: {  	_ =	shalt  }
0x75: {  	_ =	shalt  }
0x76: {  	_ =	shalt  }
0x77: {  	_ =	shalt  }
0x78: {  	_ =	shalt  }
0x79: {  	_ =	shalt  }
0x7a: {  	_ =	shalt  }
0x7b: {  	_ =	shalt  }
0x7c: {  	_ =	shalt  }
0x7d: {  	_ =	shalt  }
0x7e: {  	_ =	shalt  }
0x7f: {  	_ =	shalt  }
0x80: {  	_ =	shalt  }
0x81: {  	_ =	shalt  }
0x82: {  	_ =	shalt  }
0x83: {  	_ =	shalt  }
0x84: {  	_ =	shalt  }
0x85: {  	_ =	shalt  }
0x86: {  	_ =	shalt  }
0x87: {  	_ =	shalt  }
.Lfunc_end0:
.L_simem_size_0:
called_computation.3_lowered:
.L_overlay_start_0:
0x88: {  	s2 =	sld [smem:$0x3FD9]  }
0x89: {  	s3 =	sld [smem:$0x3FFE];
	_ =	sdelay $0x1  }
0x8a: {  	s1 =	srdreg.scid  }
0x8b: {  	s0 =	sand.u32 $0x1, s1  }
0x8c: {  	s17 =	sshll.u32 s0, $0xA;
	s2 =	sadd.s32 s3, s2  }
0x8d: {  	s2 =	sadd.s32 s2, s17  }
0x8e: {  	[smem:$0x3FBA] =	sst s2  }
0x8f: {  	_ = 	snop  }
0x90: {  	(tm) =	ssettm $0x1  }
0x91: {  	s18 =	sld [smem:$0x3FFB];
	_ =	sdelay $0x3  }
0x92: {  	_ =	strace s18  }
0x93: {  	s2 =	sld [smem:$0x3FFC];
	_ =	sdelay $0x3  }
0x94: {  	_ =	strace s2  }
0x95: {  	s2 =	sld [smem:$0x3FFD];
	_ =	sdelay $0x3  }
0x96: {  	_ =	strace s2  }
0x97: {  	_ =	strace $0x8FFFFFFF  }
0x98: {  	s19 =	sld [smem:$0x3FDB];
	_ =	sdelay $0x1  }
0x99: {  	s20 =	simm.s32 $_scs_section_size  }
0x9a: {  	s4 =	simm.s32 $_size__tile_overlayer_lowered;
	s5 =	simm.s32 $_tile_overlayer_lowered  }
0x9b: {  	s6 =	simm.s32 $0x1BFF;
	s21 =	sshll.u32 s5, $0x1;
	s3 =	sadd.s32 s20, s19  }
0x9c: {  	s22 =	simm.s32 $0x0;
	s4 =	sshll.u32 s4, $0x1;
	s5 =	sadd.s32 s21, s3  }
0x9d: {  	[timem:s22], [sflag:s6] =	dma.local [hbm:s5], s4  }
0x9e: {  	_ =	swait.ge [sflag:s6], s4  }
0x9f: {  	s4 =	ssub.s32 $0x0, s4;
	[sflag:s6] =	ssyncset.done $0x0  }
0xa0: {  	[sflag:s6] =	ssyncadd.s32 s4;
	_ =	sdelay $0x1  }
0xa1: {  	s23 =	simm.s32 $0x1B8B  }
0xa2: {  	_ =	swait.ge [sflag:s23], $0x1  }
0xa3: {  	[sflag:s23] =	ssyncset.done $0x0  }
0xa4: {  	[sflag:s23] =	ssyncadd.s32 $0xFFFFFFFF  }
0xa5: {  	s4 =	sld [smem:$0x0]  }
0xa6: {  	s5 =	sand.u32 $0xFFFFFFFE, s1  }
0xa7: {  	p0 =	sne.s32 s1, s5  }
0xa8: {  	s5 =	sshll.u32 @p0 s5, $0xE  }
0xa9: {  	s5 =	sadd.s32 @p0 $0x11B8D, s5;
	s6 =	sshll.u32 @p0 s4, $0x11  }
0xaa: {  	s5 =	sor.u32 @p0 s6, s5  }
0xab: {  	[sflag:s5] =	ssyncadd.remote.s32 @p0 $0x1;
	_ =	sdelay $0x1  }
0xac: {  	s5 =	simm.s32 @p0 $0x1B8D  }
0xad: {  	_ =	swait.eq @p0 [sflag:s5], $0x1  }
0xae: {  	[sflag:s5] =	ssyncadd.s32 @p0 $0xFFFFFFFF  }
0xaf: {  	s6 =	sshll.u32 @!p0 s1, $0xE  }
0xb0: {  	s6 =	sor.u32 @!p0 $0x4000, s6;
	s5 =	simm.s32 @!p0 $0x1B8D  }
0xb1: {  	s4 =	sshll.u32 @!p0 s4, $0x11;
	s6 =	sadd.s32 @!p0 $0x11B8D, s6;
	_ =	swait.eq @!p0 [sflag:s5], $0x1  }
0xb2: {  	s4 =	sor.u32 @!p0 s4, s6;
	[sflag:s5] =	ssyncadd.s32 @!p0 $0xFFFFFFFF  }
0xb3: {  	s25 =	simm.s32 $0x1B8E;
	s24 =	sld [smem:$0x3FFE];
	[sflag:s4] =	ssyncadd.remote.s32 @!p0 $0x1  }
0xb4: {  	s26 =	simm.s32 $execute0_lowered;
	[smem:$0x3FD2] =	sst s25  }
0xb5: {  	s5 =	sshll.u32 s26, $0x1;
	_ =	strace $0x8000004C;
	[dreg:$0x1] =	wrdreg $0xFFFFFFFF  }
0xb6: {  	s28 =	simm.s32 $_size_execute0_lowered;
	s3 =	sadd.s32 s3, s5;
	[dreg:$0x0] =	wrdreg $0x0  }
0xb7: {  	s5 =	sshll.u32 s28, $0x1;
	[dreg:$0x2] =	wrdreg s3  }
0xb8: {  	[dreg:$0x3] =	wrdreg s5  }
0xb9: {  	[dreg:$0x4] =	wrdreg $0xC0  }
0xba: {  	_ =	task [dreg:s22], $0x5FFFF  }
0xbb: {  	[dreg:$0x1] =	wrdreg $0xFFFFFFFF  }
0xbc: {  	[dreg:$0x0] =	wrdreg $0x60  }
0xbd: {  	[dreg:$0x2] =	wrdreg s24  }
0xbe: {  	[dreg:$0x3] =	wrdreg $0x52000  }
0xbf: {  	[dreg:$0x4] =	wrdreg $0xA  }
0xc0: {  	_ =	task.clear_ibuf [dreg:s22], $0x5FFFF;
	_ =	strace $0x9000004C  }
0xc1: {  	s29 =	simm.s32 $0xA;
	_ =	strace $0x8000004E  }
0xc2: {  	_ =	swait.ge [sflag:s29], $0x1  }
0xc3: {  	[sflag:s29] =	ssyncadd.s32 $0xFFFFFFFF  }
0xc4: {  	_ =	strace $0x9000004E  }
0xc5: {  	_ =	sfence  }
0xc6: {  	s30 =	sld [smem:$0x0];
	_ =	sdelay $0x2  }
0xc7: {  	s31 =	sshll.u32 s1, $0xD;
	s1 =	sshrl.u32 s1, $0x2  }
0xc8: {  	s4 =	sand.u32 $0x4000, s31;
	s1 =	sadd.s32 s1, s30  }
0xc9: {  	s0 =	sor.u32 s4, s0;
	s1 =	sshll.u32 s1, $0x11  }
0xca: {  	s0 =	sor.u32 s1, s0  }
0xcb: {  	s0 =	sadd.s32 $0x8F2B, s0  }
0xcc: {  	[sflag:s0] =	ssyncadd.remote.s32 $0x1  }
0xcd: {  	_ =	sfence.sel $0xFFFF  }
0xce: {  	[dreg:$0x0] =	wrdreg $0xFFFFFFFF;
	(pc) =	sbr.abs _section_cstart, $3  }
0xcf: {  	[dreg:$0x1] =	wrdreg $0xFFFFFFFF  }
0xd0: {  	_ =	task.clear_ibuf [dreg:s22], $0x2FFFF;
	_ =	strace $0x9FFFFFFF  }
0xd1: {  	(tm) =	ssettm $0x7FFFFFFF  }
tec
execute0_lowered:
.L_overlay_start_1:
0x0: {  	(tag) =	ssettag $0x1  }
0x1: {  	s0 =	rddreg [dreg:$0x0]  }
0x2: {  	s1 =	rddreg [dreg:$0x1];
	s2 =	simm.s32 $0x0;
	s4 =	stileid.u32  }
0x3: {  	s6 =	srdreg.scid;
	s28 =	simm.s32 $0x2A00;
	s29 =	simm.s32 $0x1  }
0x4: {  	s30 =	simm.s32 $0x50;
	s31 =	simm.s32 $0x2;
	[smem:$0x7FF] =	sst s2  }
0x5: {  	s3 =	sadd.s32 $0xF01A00, s0;
	s5 =	smul.u32 $0x13800, s4;
	s7 =	sadd.s32 $0x9A00, s0  }
0x6: {  	s8 =	sadd.s32 $0x4A00, s0;
	s10 =	sand.u32 $0x1, s6;
	s21 =	smul.u32 $0x4E000, s4  }
0x7: {  	s11 =	sadd.s32 $0xA46C00, s0;
	s14 =	smul.u32 $0x2710, s4;
	s24 =	sshll.u32 s4, $0x6  }
0x8: {  	s25 =	smul.u32 $0x138800, s4;
	s15 =	sadd.s32 $0x138000, s1;
	p0 =	sne.s32 s4, $0x0  }
0x9: {  	_ =	strace $0x8000004D;
	s12 =	ssub.s32 $0x2, s10;
	s22 =	smul.u32 $0x1388000, s10  }
0xa: {  	[dreg:$0x5] =	wrdreg s15;
	s10 =	smul.u32 $0x138800, s10;
	s9 =	sshrl.u32 s5, $0x3  }
0xb: {  	s13 =	sshrl.u32 s12, $0x1;
	s6 =	sshrl.u32 s21, $0x2;
	s26 =	sshrl.u32 s14, $0x3  }
0xc: {  	s14 =	sadd.s32 $0x50, s14;
	s9 =	sadd.s32 s9, s0;
	s12 =	ssub.s32 s12, s13  }
0xd: {  	s6 =	sadd.s32 s6, s1;
	s0 =	sadd.s32 $0xA46A00, s0;
	s16 =	sadd.s32 s7, s26  }
0xe: {  	s17 =	sadd.s32 s8, s26;
	s19 =	sshrl.u32 s14, $0x3;
	[dreg:$0x3] =	wrdreg s6  }
0xf: {  	s14 =	sshll.u32 s14, $0x7;
	s5 =	sadd.s32 s5, s10;
	[dreg:$0x6] =	wrdreg s0  }
0x10: {  	s23 =	sadd.s32 $0xA1FA00, s9;
	s6 =	sor.u32 $0x1C05, s24;
	[dreg:$0x7] =	wrdreg s16  }
0x11: {  	s0 =	sadd.s32 s25, s22;
	[dreg:$0x8] =	wrdreg s17;
	s20 =	sadd.s32 s7, s19  }
0x12: {  	s21 =	sadd.s32 s22, s14;
	s22 =	sadd.s32 s8, s19;
	s5 =	sshrl.u32 s5, $0x3  }
0x13: {  	s25 =	smul.u32 $0x4E2, s4;
	s17 =	smax.u32 s12, $0x1;
	[dreg:$0x4] =	wrdreg s23  }
0x14: {  	s4 =	simm.s32 $0x4;
	s18 =	sshrl.u32 s0, $0x3;
	[dreg:$0xa] =	wrdreg s20  }
0x15: {  	[dreg:$0xb] =	wrdreg s22;
	s23 =	sshrl.u32 s10, $0x3;
	s24 =	sadd.s32 $0x7800, s0  }
0x16: {  	s15 =	sadd.s32 s11, s5;
	s22 =	simm.s32 $0x5;
	s5 =	simm.s32 $0x0  }
0x17: {  	s9 =	sadd.s32 s3, s18;
	s26 =	sshrl.u32 s24, $0x3;
	s19 =	sadd.s32 s25, s8  }
.Ltmp0:
0x18: {  	[dreg:$0x9] =	wrdreg s9;
	s9 =	sshrl.u32 s21, $0x3;
	(pc) =	sbr.rel .LBB2_1-.Ltmp0, $4  }
0x19: {  	s20 =	sadd.s32 s25, s7;
	s24 =	simm.s32 $0x200;
	s9 =	sadd.s32 s3, s9  }
0x1a: {  	s25 =	simm.s32 $0x100;
	[dreg:$0xc] =	wrdreg s9;
	s9 =	sadd.s32 s11, s23  }
0x1b: {  	s11 =	sadd.s32 s26, s3;
	s23 =	simm.s32 $0x80;
	s26 =	simm.s32 $0x180  }
0x1c: {  	s16 =	sadd.s32 $0x27000, s9;
	s9 =	sadd.s32 $0x5000, s0;
	s0 =	simm.s32 $0x3  }
.LBB2_4:
0x1d: {  	_ =	swait.ge [sflag:s29], $0x50  }
0x1e: {  	[sflag:s29] =	ssyncset.done $0x0  }
0x1f: {  	[sflag:s29] =	ssyncadd.s32 $0xFFFFFFB0  }
0x20: {  	_ =	swait.ge [sflag:s29], $0x50  }
0x21: {  	[sflag:s29] =	ssyncset.done $0x0  }
0x22: {  	[sflag:s29] =	ssyncadd.s32 $0xFFFFFFB0  }
0x23: {  	_ =	swait.ge [sflag:s29], $0x2800  }
0x24: {  	[sflag:s29] =	ssyncset.done $0x0  }
0x25: {  	[sflag:s29] =	ssyncadd.s32 $0xFFFFD800  }
0x26: {  	[spmem:s1] =	stream.indirect.scatter.add.f32 [tilespmem:s24], [sflag:$0x2], $0x80, s23, s30, $0xb8;
	[tilespmem:$0x18A80] =	vst v63  }
0x27: {  	_ = 	snop  }
0x28: {  	[spmem:s1] =	stream.indirect.scatter.add.f32 [tilespmem:s24], [sflag:$0x2], $0x80, s2, s30, $0xb8;
	[tilespmem:$0x18A80] =	vst v63  }
0x29: {  	_ =	swait.ge [sflag:s31], $0x2800  }
0x2a: {  	[sflag:s31] =	ssyncset.done $0x0  }
0x2b: {  	[sflag:s31] =	ssyncadd.s32 $0xFFFFD800  }
0x2c: {  	_ =	swait.ge [sflag:s31], $0x2800  }
0x2d: {  	[sflag:s31] =	ssyncset.done $0x0  }
0x2e: {  	[sflag:s31] =	ssyncadd.s32 $0xFFFFD800  }
0x2f: {  	_ =	swait.ge [sflag:s4], $0x2800  }
0x30: {  	[sflag:s4] =	ssyncset.done $0x0  }
0x31: {  	[sflag:s4] =	ssyncadd.s32 $0xFFFFD800  }
0x32: {  	_ =	swait.ge [sflag:s4], $0x2800  }
0x33: {  	[sflag:s4] =	ssyncset.done $0x0  }
0x34: {  	[sflag:s4] =	ssyncadd.s32 $0xFFFFD800  }
0x35: {  	[bflag:$0x0] =	sbarrier.arrive $0xFFFF  }
0x36: {  	[hbm:s15], [sflag:s6] =	dma.local [spmem:s7], $0x2700  }
0x37: {  	s5 =	sadd.s32 $0x1, s5;
	_ =	swait.ge [sflag:s22], $0x2700  }
0x38: {  	p1 =	sne.s32 s5, s17;
	[sflag:s22] =	ssyncset.done $0x0  }
.Ltmp1:
0x39: {  	s7 =	simm.s32 @!p0 $0x5;
	[sflag:s22] =	ssyncadd.s32 $0xFFFFD900;
	(pc) =	sbr.rel @!p1 .LBB2_5-.Ltmp1, $4  }
0x3a: {  	[hbm:s16], [sflag:s6] =	dma.local @!p0 [spmem:s8], $0x100  }
0x3b: {  	_ =	swait.ge @!p0 [sflag:s7], $0x100  }
0x3c: {  	[sflag:s7] =	ssyncset.done @!p0 $0x0  }
0x3d: {  	[sflag:s7] =	ssyncadd.s32 @!p0 $0xFFFFFF00  }
.LBB2_1:
0x3e: {  	s7 =	rddreg [dreg:$0x3]  }
0x3f: {  	s8 =	rddreg [dreg:$0x4];
	s7 =	sshrl.u32 s7, $0x3  }
0x40: {  	[spmem:s7], [sflag:s6] =	dma.local [hbm:s8], $0x2700  }
0x41: {  	_ =	swait.ge [sflag:s22], $0x2700  }
0x42: {  	[sflag:s22] =	ssyncset.done $0x0;
	s8 =	rddreg [dreg:$0x5]  }
0x43: {  	s10 =	rddreg [dreg:$0x6];
	[sflag:s22] =	ssyncadd.s32 $0xFFFFD900;
	s8 =	sshrl.u32 @!p0 s8, $0x3  }
0x44: {  	[spmem:s8], [sflag:s6] =	dma.local @!p0 [hbm:s10], $0x100  }
0x45: {  	s10 =	simm.s32 @!p0 $0x5  }
0x46: {  	_ =	swait.ge @!p0 [sflag:s10], $0x100  }
0x47: {  	[sflag:s10] =	ssyncset.done @!p0 $0x0  }
0x48: {  	[sflag:s10] =	ssyncadd.s32 @!p0 $0xFFFFFF00  }
0x49: {  	[bflag:$0x0] =	sbarrier.arrive $0xFFFF  }
0x4a: {  	s21 =	rddreg [dreg:$0x7]  }
0x4b: {  	[tilespmem:s2], [sflag:$0x1] =	stream.linear.gather [hbm4b:s21+s2], $0x50, $0x38;
	[tilespmem:$0x18A80] =	vst v63  }
0x4c: {  	s12 =	rddreg [dreg:$0x8]  }
0x4d: {  	[tilespmem:s23], [sflag:$0x1] =	stream.linear.gather [hbm4b:s12+s2], $0x50, $0x38;
	[tilespmem:$0x18A80] =	vst v63  }
0x4e: {  	s13 =	rddreg [dreg:$0x9]  }
0x4f: {  	[tilespmem:s24], [sflag:$0x1] =	stream.linear.gather [hbm4b:s13+s2], $0x2800, $0x38;
	[tilespmem:$0x18A80] =	vst v63  }
0x50: {  	s14 =	rddreg [dreg:$0xa]  }
0x51: {  	[tilespmem:s25], [sflag:$0x3] =	stream.linear.gather [hbm4b:s14+s2], $0x50, $0x38;
	[tilespmem:$0x18A80] =	vst v63  }
0x52: {  	s18 =	rddreg [dreg:$0xb]  }
0x53: {  	[tilespmem:s26], [sflag:$0x3] =	stream.linear.gather [hbm4b:s18+s2], $0x50, $0x38;
	[tilespmem:$0x18A80] =	vst v63  }
0x54: {  	s21 =	rddreg [dreg:$0xc]  }
0x55: {  	[tilespmem:s28], [sflag:$0x3] =	stream.linear.gather [hbm4b:s21+s2], $0x2800, $0x38;
	[tilespmem:$0x18A80] =	vst v63  }
0x56: {  	s10 =	simm.s32 $0x0;
	s18 =	smov.u32 s11;
	s21 =	smov.u32 s9  }
.LBB2_2:
0x57: {  	_ =	swait.ge [sflag:s29], $0x50  }
0x58: {  	[sflag:s29] =	ssyncset.done $0x0  }
0x59: {  	[sflag:s29] =	ssyncadd.s32 $0xFFFFFFB0  }
0x5a: {  	_ =	swait.ge [sflag:s29], $0x50  }
0x5b: {  	[sflag:s29] =	ssyncset.done $0x0  }
0x5c: {  	[sflag:s29] =	ssyncadd.s32 $0xFFFFFFB0  }
0x5d: {  	_ =	swait.ge [sflag:s29], $0x2800  }
0x5e: {  	[sflag:s29] =	ssyncset.done $0x0  }
0x5f: {  	[sflag:s29] =	ssyncadd.s32 $0xFFFFD800  }
0x60: {  	[spmem:s1] =	stream.indirect.scatter.add.f32 [tilespmem:s24], [sflag:$0x2], $0x80, s23, s30, $0xb8;
	[tilespmem:$0x18A80] =	vst v63  }
0x61: {  	_ = 	snop  }
0x62: {  	[spmem:s1] =	stream.indirect.scatter.add.f32 [tilespmem:s24], [sflag:$0x2], $0x80, s2, s30, $0xb8;
	[tilespmem:$0x18A80] =	vst v63  }
0x63: {  	_ =	swait.ge [sflag:s31], $0x2800  }
0x64: {  	[sflag:s31] =	ssyncset.done $0x0  }
0x65: {  	[sflag:s31] =	ssyncadd.s32 $0xFFFFD800  }
0x66: {  	_ =	swait.ge [sflag:s31], $0x2800  }
0x67: {  	s12 =	sadd.s32 s10, s20;
	[sflag:s31] =	ssyncset.done $0x0  }
0x68: {  	s13 =	sadd.s32 $0x14, s12;
	[sflag:s31] =	ssyncadd.s32 $0xFFFFD800  }
0x69: {  	[tilespmem:s2], [sflag:$0x1] =	stream.linear.gather [hbm4b:s13+s2], $0x50, $0x38;
	[tilespmem:$0x18A80] =	vst v63  }
0x6a: {  	s13 =	sadd.s32 s10, s19  }
0x6b: {  	s14 =	sadd.s32 $0x14, s13  }
0x6c: {  	[tilespmem:s23], [sflag:$0x1] =	stream.linear.gather [hbm4b:s14+s2], $0x50, $0x38;
	[tilespmem:$0x18A80] =	vst v63  }
0x6d: {  	s14 =	sshrl.u32 s21, $0x3  }
0x6e: {  	s14 =	sadd.s32 s3, s14  }
0x6f: {  	[tilespmem:s24], [sflag:$0x1] =	stream.linear.gather [hbm4b:s14+s2], $0x2800, $0x38;
	[tilespmem:$0x18A80] =	vst v63  }
0x70: {  	_ =	swait.ge [sflag:s0], $0x50  }
0x71: {  	[sflag:s0] =	ssyncset.done $0x0  }
0x72: {  	[sflag:s0] =	ssyncadd.s32 $0xFFFFFFB0  }
0x73: {  	_ =	swait.ge [sflag:s0], $0x50  }
0x74: {  	[sflag:s0] =	ssyncset.done $0x0  }
0x75: {  	[sflag:s0] =	ssyncadd.s32 $0xFFFFFFB0  }
0x76: {  	p1 =	seq.s32 s10, $0x4C4;
	_ =	swait.ge [sflag:s0], $0x2800  }
.Ltmp2:
0x77: {  	[sflag:s0] =	ssyncset.done $0x0;
	(pc) =	sbr.rel @p1 .LBB2_4-.Ltmp2, $4  }
0x78: {  	[sflag:s0] =	ssyncadd.s32 $0xFFFFD800  }
0x79: {  	[spmem:s1] =	stream.indirect.scatter.add.f32 [tilespmem:s28], [sflag:$0x4], $0x80, s26, s30, $0xb8;
	[tilespmem:$0x18A80] =	vst v63  }
0x7a: {  	_ = 	snop  }
0x7b: {  	[spmem:s1] =	stream.indirect.scatter.add.f32 [tilespmem:s28], [sflag:$0x4], $0x80, s25, s30, $0xb8;
	[tilespmem:$0x18A80] =	vst v63  }
0x7c: {  	_ =	swait.ge [sflag:s4], $0x2800  }
0x7d: {  	[sflag:s4] =	ssyncset.done $0x0  }
0x7e: {  	[sflag:s4] =	ssyncadd.s32 $0xFFFFD800  }
0x7f: {  	_ =	swait.ge [sflag:s4], $0x2800  }
0x80: {  	[sflag:s4] =	ssyncset.done $0x0  }
0x81: {  	s12 =	sadd.s32 $0x1E, s12;
	[sflag:s4] =	ssyncadd.s32 $0xFFFFD800  }
0x82: {  	[tilespmem:s25], [sflag:$0x3] =	stream.linear.gather [hbm4b:s12+s2], $0x50, $0x38;
	[tilespmem:$0x18A80] =	vst v63  }
.Ltmp3:
0x83: {  	s14 =	sadd.s32 $0x1E, s13;
	(pc) =	sbr.rel .LBB2_2-.Ltmp3, $4  }
0x84: {  	[tilespmem:s26], [sflag:$0x3] =	stream.linear.gather [hbm4b:s14+s2], $0x50, $0x38;
	[tilespmem:$0x18A80] =	vst v63  }
0x85: {  	_ = 	snop  }
0x86: {  	[tilespmem:s28], [sflag:$0x3] =	stream.linear.gather [hbm4b:s18+s2], $0x2800, $0x38;
	[tilespmem:$0x18A80] =	vst v63  }
0x87: {  	s10 =	sadd.s32 $0x14, s10;
	s21 =	sadd.s32 $0x5000, s21;
	s18 =	sadd.s32 $0xA00, s18  }
.LBB2_5:
0x88: {  	_ =	sfence.sel $0x180000  }
0x89: {  	[bflag:$0x0] =	sbarrier.arrive $0xFFFF  }
0x8a: {  	_ =	strace $0x9000004D  }
0x8b: {  	[bflag:$0x2] =	sbarrier.arrive $0xFFFF  }
0x8c: {  	s0 =	rddreg [dreg:$0x2]  }
0x8d: {  	s0 =	sadd.s32 @!p0 $0x100000, s0  }
0x8e: {  	[sflag:s0] =	ssyncadd.tile.s32 @!p0 $0x1;
	_ =	shalt  }
.Lfunc_end2:
_tile_overlayer_lowered:
.L_overlay_start_2:
0x8f: {  	(tag) =	ssettag $0x2  }
0x90: {  	s0 =	rddreg [dreg:$0x0];
	s2 =	stileid.u32  }
0x91: {  	s1 =	rddreg [dreg:$0x1];
	p0 =	sne.s32 s2, $0x0  }
0x92: {  	s3 =	rddreg [dreg:$0x2];
	[bflag:$0x3] =	sbarrier.arrive $0xFFFF;
	s2 =	simm.s32 @!p0 $0x1C05  }
0x93: {  	[timem:s3], [sflag:s2] =	dma.local @!p0 [hbm:s0], s1  }
0x94: {  	s0 =	simm.s32 @!p0 $0x5  }
0x95: {  	_ =	swait.ge @!p0 [sflag:s0], s1  }
0x96: {  	s1 =	ssub.s32 @!p0 $0x0, s1;
	[sflag:s0] =	ssyncset.done @!p0 $0x0  }
0x97: {  	[sflag:s0] =	ssyncadd.s32 @!p0 s1  }
0x98: {  	[bflag:$0x3] =	sbarrier.arrive $0xFFFF  }
0x99: {  	_ =	shalt  }

</sc_bundles>
